<compile_context>
chip_gen: v7x
topology: tpu7x:2x2x1
jax: 0.10.2.dev20260603
libtpu: 0.0.44.dev20260713+nightly
codegen_flags: <defaults>
</compile_context>

<pallas_src>
import functools

import jax
import jax.numpy as jnp
from jax import lax
from jax.experimental import pallas as pl
from jax.experimental.pallas import tpu as pltpu
from jax.experimental.pallas import tpu_sc as plsc

N_NODES = 10000
N_EDGES = 320000
D_LAT = 128
D_EDGE_IN = 16

NC, NS = 2, 16
NW = NC * NS
EPW = N_EDGES // NW
CHUNK = 125
NCHUNK = EPW // CHUNK
IB = 40
NB = NCHUNK // IB
W_STEP = 624
W_ROWS = 640

_HIGH = jax.lax.Precision.HIGHEST


def _dot(a, b):
    return jnp.dot(a, b, precision=_HIGH, preferred_element_type=jnp.float32)


def _acc_window(ref, s):
    return ref.at[pl.ds(s * W_STEP, W_ROWS)]


def _spmm_phase(t_hbm, src4d_hbm, dst4d_hbm,
                src_v, dst_v, rows_a, rows_b, acc, sem_a, sem_b, wid):
    def outer(b, carry):
        pltpu.sync_copy(src4d_hbm.at[wid, b], src_v)
        pltpu.sync_copy(dst4d_hbm.at[wid, b], dst_v)
        pltpu.async_copy(t_hbm.at[src_v.at[0]], rows_a, sem_a)

        def body(jj, carry2):
            @pl.when(jj % 2 == 0)
            def _even():
                @pl.when(jj + 1 < IB)
                def _():
                    pltpu.async_copy(t_hbm.at[src_v.at[jj + 1]], rows_b, sem_b)
                pltpu.make_async_copy(t_hbm.at[src_v.at[jj]], rows_a,
                                      sem_a).wait()
                pltpu.sync_copy(rows_a, acc.at[dst_v.at[jj]], add=True)

            @pl.when(jj % 2 == 1)
            def _odd():
                @pl.when(jj + 1 < IB)
                def _():
                    pltpu.async_copy(t_hbm.at[src_v.at[jj + 1]], rows_a, sem_a)
                pltpu.make_async_copy(t_hbm.at[src_v.at[jj]], rows_b,
                                      sem_b).wait()
                pltpu.sync_copy(rows_b, acc.at[dst_v.at[jj]], add=True)

            return carry2

        return lax.fori_loop(0, IB, body, carry)

    lax.fori_loop(0, NB, outer, 0)


def _segsum_phase(xe_hbm, dst4d_hbm, dst_v, rows_a, rows_b, acc,
                  sem_a, sem_b, wid):
    def outer(b, carry):
        pltpu.sync_copy(dst4d_hbm.at[wid, b], dst_v)
        pltpu.async_copy(xe_hbm.at[wid * NCHUNK + b * IB], rows_a, sem_a)

        def body(jj, carry2):
            j = b * IB + jj

            @pl.when(jj % 2 == 0)
            def _even():
                @pl.when(jj + 1 < IB)
                def _():
                    pltpu.async_copy(xe_hbm.at[wid * NCHUNK + j + 1], rows_b,
                                     sem_b)
                pltpu.make_async_copy(xe_hbm.at[wid * NCHUNK + j], rows_a,
                                      sem_a).wait()
                pltpu.sync_copy(rows_a, acc.at[dst_v.at[jj]], add=True)

            @pl.when(jj % 2 == 1)
            def _odd():
                @pl.when(jj + 1 < IB)
                def _():
                    pltpu.async_copy(xe_hbm.at[wid * NCHUNK + j + 1], rows_a,
                                     sem_a)
                pltpu.make_async_copy(xe_hbm.at[wid * NCHUNK + j], rows_b,
                                      sem_b).wait()
                pltpu.sync_copy(rows_b, acc.at[dst_v.at[jj]], add=True)

            return carry2

        return lax.fori_loop(0, IB, body, carry)

    lax.fori_loop(0, NB, outer, 0)


def _sc_fused_body(xe_hbm, t_hbm, src4d_hbm, dst4d_hbm, z_hbm,
                   sxd_out, msum_out,
                   src_v, dst_v, rows_a, rows_b, acc, sem_a, sem_b):
    c = lax.axis_index("c")
    s = lax.axis_index("s")
    wid = s * NC + c

    pltpu.sync_copy(z_hbm, _acc_window(acc, s))
    plsc.subcore_barrier()
    _segsum_phase(xe_hbm, dst4d_hbm, dst_v, rows_a, rows_b, acc,
                  sem_a, sem_b, wid)
    plsc.subcore_barrier()
    pltpu.sync_copy(_acc_window(acc, s), _acc_window(sxd_out.at[c], s))
    plsc.subcore_barrier()
    pltpu.sync_copy(z_hbm, _acc_window(acc, s))
    plsc.subcore_barrier()
    _spmm_phase(t_hbm, src4d_hbm, dst4d_hbm,
                src_v, dst_v, rows_a, rows_b, acc, sem_a, sem_b, wid)
    plsc.subcore_barrier()
    pltpu.sync_copy(_acc_window(acc, s), _acc_window(msum_out.at[c], s))


def _sc_spmm_body(t_hbm, src4d_hbm, dst4d_hbm, z_hbm,
                  msum_out,
                  src_v, dst_v, rows_a, rows_b, acc, sem_a, sem_b):
    c = lax.axis_index("c")
    s = lax.axis_index("s")
    wid = s * NC + c

    pltpu.sync_copy(z_hbm, _acc_window(acc, s))
    plsc.subcore_barrier()
    _spmm_phase(t_hbm, src4d_hbm, dst4d_hbm,
                src_v, dst_v, rows_a, rows_b, acc, sem_a, sem_b, wid)
    plsc.subcore_barrier()
    pltpu.sync_copy(_acc_window(acc, s), _acc_window(msum_out.at[c], s))


_SC_SCRATCH = [
    pltpu.VMEM((IB, CHUNK), jnp.int32),
    pltpu.VMEM((IB, CHUNK), jnp.int32),
    pltpu.VMEM((CHUNK, D_LAT), jnp.float32),
    pltpu.VMEM((CHUNK, D_LAT), jnp.float32),
    pltpu.VMEM_SHARED((N_NODES, D_LAT), jnp.float32),
    pltpu.SemaphoreType.DMA,
    pltpu.SemaphoreType.DMA,
]
_SC_MESH = dict(core_axis_name="c", subcore_axis_name="s",
                num_cores=NC, num_subcores=NS)
_OUT128 = jax.ShapeDtypeStruct((NC, N_NODES, D_LAT), jnp.float32)


@functools.cache
def _sc_fused():
    return pl.kernel(
        _sc_fused_body,
        out_type=(_OUT128, _OUT128),
        mesh=plsc.VectorSubcoreMesh(**_SC_MESH),
        scratch_types=list(_SC_SCRATCH),
    )


@functools.cache
def _sc_spmm():
    return pl.kernel(
        _sc_spmm_body,
        out_type=_OUT128,
        mesh=plsc.VectorSubcoreMesh(**_SC_MESH),
        scratch_types=list(_SC_SCRATCH),
    )


def _tc_prep_body(wn1, bn1, wn2, bn2, we1, be1, we2, be2,
                  ew1_0, eb1_0, ew2_0, eb2_0, nw1_0, nb1_0, nw2_0, nb2_0,
                  ew1_1, eb1_1, ew2_1, eb2_1, nw1_1, nb1_1, nw2_1, nb2_1,
                  dw1, db1, dw2, db2,
                  en_o, bn_o, ee_o, be_o,
                  ia0_o, b0_o, c0_o, de0_o, ip0_o, q0_o, cn0_o,
                  ia1_o, b1_o, c1_o, de1_o, ip1_o, q1_o, cn1_o,
                  d_o, dd_o):
    eye = jnp.eye(D_LAT, dtype=jnp.float32)
    en_o[...] = _dot(wn1[...], wn2[...])
    bn_o[...] = _dot(bn1[...], wn2[...]) + bn2[...]
    ee_o[...] = _dot(we1[...], we2[...])
    be_o[...] = _dot(be1[...], we2[...]) + be2[...]

    for (ew1, eb1, ew2, eb2, nw1, nb1, nw2, nb2,
         ia_o, b_o, c_o, de_o, ip_o, q_o, cn_o) in (
            (ew1_0, eb1_0, ew2_0, eb2_0, nw1_0, nb1_0, nw2_0, nb2_0,
             ia0_o, b0_o, c0_o, de0_o, ip0_o, q0_o, cn0_o),
            (ew1_1, eb1_1, ew2_1, eb2_1, nw1_1, nb1_1, nw2_1, nb2_1,
             ia1_o, b1_o, c1_o, de1_o, ip1_o, q1_o, cn1_o)):
        w1 = ew1[...]
        w2 = ew2[...]
        ia_o[...] = eye + _dot(w1[:D_LAT], w2)
        b_o[...] = _dot(w1[D_LAT:2 * D_LAT], w2)
        c_o[...] = _dot(w1[2 * D_LAT:], w2)
        de_o[...] = _dot(eb1[...], w2) + eb2[...]
        m1 = nw1[...]
        m2 = nw2[...]
        ip_o[...] = eye + _dot(m1[:D_LAT], m2)
        q_o[...] = _dot(m1[D_LAT:], m2)
        cn_o[...] = _dot(nb1[...], m2) + nb2[...]

    d_o[...] = _dot(dw1[...], dw2[...])
    dd_o[...] = _dot(db1[...], dw2[...]) + db2[...]


def _tc_encode_body(xn, en, bn, b0, c0, v0_o, t1_o, u1_o):
    v0 = _dot(xn[...], en[...]) + bn[...]
    v0_o[...] = v0
    t1_o[...] = _dot(v0, b0[...])
    u1_o[...] = _dot(v0, c0[...])


def _tc_step1_body(sxd_p, msum_p, v0, u1,
                   ee, be, ia0, de0, ip0, q0, cn0, b1, c1,
                   agg1_o, v1_o, t2_o, u2_o, deg_o):
    sxd = jnp.sum(sxd_p[...], axis=0)
    msum_a = msum_p[...]
    sx = sxd[:, :D_EDGE_IN]
    deg = sxd[:, D_EDGE_IN:D_EDGE_IN + 1]
    deg_o[...] = jnp.broadcast_to(deg, deg_o.shape)
    eagg0 = _dot(sx, ee[...]) + deg * be[...]
    agg1 = (_dot(eagg0, ia0[...]) + jnp.sum(msum_a, axis=0)
            + deg * u1[...] + deg * de0[...])
    v1 = _dot(v0[...], ip0[...]) + _dot(agg1, q0[...]) + cn0[...]
    agg1_o[...] = agg1
    v1_o[...] = v1
    t2_o[...] = _dot(v1, b1[...])
    u2_o[...] = _dot(v1, c1[...])


def _tc_step2_body(degb, agg1, msum_p, v1, u2,
                   ia1, de1, ip1, q1, cn1, dmat, dd, out_o):
    deg = degb[...][:, :1]
    agg2 = (_dot(agg1[...], ia1[...]) + jnp.sum(msum_p[...], axis=0)
            + deg * u2[...] + deg * de1[...])
    v2 = _dot(v1[...], ip1[...]) + _dot(agg2, q1[...]) + cn1[...]
    out_o[...] = _dot(v2, dmat[...]) + dd[...]


RB = 2000
_GRID = N_NODES // RB


def _full(shape):
    return pl.BlockSpec(shape, lambda i: (0,) * len(shape))


def _rows(width):
    return pl.BlockSpec((RB, width), lambda i: (i, 0))


def _rows2(width):
    return pl.BlockSpec((NC, RB, width), lambda i: (0, i, 0))


def _mk_node_call(body, in_specs, n_out):
    return pl.pallas_call(
        body,
        grid=(_GRID,),
        in_specs=in_specs,
        out_specs=[_rows(D_LAT)] * n_out,
        out_shape=[jax.ShapeDtypeStruct((N_NODES, D_LAT), jnp.float32)] * n_out,
    )


def kernel(node_features_in, edges_indexes, edge_features_in, params):
    src4d = edges_indexes[0].reshape(NW, NB, IB, CHUNK)
    dst4d = edges_indexes[1].reshape(NW, NB, IB, CHUNK)
    xe_ext = jnp.concatenate(
        [edge_features_in,
         jnp.ones((N_EDGES, 1), jnp.float32),
         jnp.zeros((N_EDGES, D_LAT - D_EDGE_IN - 1), jnp.float32)], axis=1)
    xe3d = xe_ext.reshape(NW * NCHUNK, CHUNK, D_LAT)
    z128 = jnp.zeros((W_ROWS, D_LAT), jnp.float32)

    p = params
    raw = []
    for mlp in (p["enc_node"], p["enc_edge"]):
        raw += [mlp[0]["W"], mlp[0]["b"].reshape(1, -1),
                mlp[1]["W"], mlp[1]["b"].reshape(1, -1)]
    for t in range(2):
        for mlp in (p["proc"][t]["edge"], p["proc"][t]["node"]):
            raw += [mlp[0]["W"], mlp[0]["b"].reshape(1, -1),
                    mlp[1]["W"], mlp[1]["b"].reshape(1, -1)]
    raw += [p["dec"][0]["W"], p["dec"][0]["b"].reshape(1, -1),
            p["dec"][1]["W"], p["dec"][1]["b"].reshape(1, -1)]

    mat = jax.ShapeDtypeStruct((D_LAT, D_LAT), jnp.float32)
    vec = jax.ShapeDtypeStruct((1, D_LAT), jnp.float32)
    prep_out = [mat, vec,
                jax.ShapeDtypeStruct((D_EDGE_IN, D_LAT), jnp.float32), vec,
                mat, mat, mat, vec, mat, mat, vec,
                mat, mat, mat, vec, mat, mat, vec,
                mat, vec]
    combos = pl.pallas_call(_tc_prep_body, out_shape=prep_out)(*raw)
    (en, bn, ee, be,
     ia0, b0, c0, de0, ip0, q0, cn0,
     ia1, b1, c1, de1, ip1, q1, cn1,
     dmat, dd) = combos

    v0, t1, u1 = _mk_node_call(
        _tc_encode_body,
        [_rows(D_LAT), _full((D_LAT, D_LAT)), _full((1, D_LAT)),
         _full((D_LAT, D_LAT)), _full((D_LAT, D_LAT))],
        3,
    )(node_features_in, en, bn, b0, c0)

    sxd_p, msum1_p = _sc_fused()(xe3d, t1, src4d, dst4d, z128)

    agg1, v1, t2, u2, degb = _mk_node_call(
        _tc_step1_body,
        [_rows2(D_LAT), _rows2(D_LAT),
         _rows(D_LAT), _rows(D_LAT),
         _full((D_EDGE_IN, D_LAT)), _full((1, D_LAT)),
         _full((D_LAT, D_LAT)), _full((1, D_LAT)),
         _full((D_LAT, D_LAT)), _full((D_LAT, D_LAT)), _full((1, D_LAT)),
         _full((D_LAT, D_LAT)), _full((D_LAT, D_LAT))],
        5,
    )(sxd_p, msum1_p, v0, u1, ee, be, ia0, de0, ip0, q0, cn0, b1, c1)

    msum2_p = _sc_spmm()(t2, src4d, dst4d, z128)

    (out,) = pl.pallas_call(
        _tc_step2_body,
        grid=(_GRID,),
        in_specs=[_rows(D_LAT), _rows(D_LAT), _rows2(D_LAT),
                  _rows(D_LAT), _rows(D_LAT),
                  _full((D_LAT, D_LAT)), _full((1, D_LAT)),
                  _full((D_LAT, D_LAT)), _full((D_LAT, D_LAT)),
                  _full((1, D_LAT)),
                  _full((D_LAT, D_LAT)), _full((1, D_LAT))],
        out_specs=[_rows(D_LAT)],
        out_shape=[jax.ShapeDtypeStruct((N_NODES, D_LAT), jnp.float32)],
    )(degb, agg1, msum2_p, v1, u2, ia1, de1, ip1, q1, cn1, dmat, dd)

    return out

# --- scband reference (transcript-rebuilt; emitter-appended) ---
"""Pipeline reference for scband-encode-process-decode-1649267441882 (READ-ONLY COPY).

The authoritative reference and input builder live on the scoring server;
editing this copy changes nothing except your own understanding.
"""

import jax, jax.numpy as jnp
import numpy as np

N_NODES = 10000
N_EDGES = 320000
D_NODE_IN = 128
D_EDGE_IN = 16
D_LAT = 128
N_NODE_OUT = 128
N_MSG_STEPS = 2


def _mlp_params(key, sizes):
    params = []
    for i in range(len(sizes) - 1):
        key, k1 = jax.random.split(key)
        W = jax.random.normal(k1, (sizes[i], sizes[i + 1]), dtype=jnp.float32) * 0.05
        b = jnp.zeros((sizes[i + 1],), dtype=jnp.float32)
        params.append({"W": W, "b": b})
    return params


def _mlp_apply(params, x):
    # hidden and output activations are Identity (module defaults)
    for layer in params:
        x = x @ layer["W"] + layer["b"]
    return x


def setup_inputs(seed: int = 0) -> dict:
    key = jax.random.key(seed)
    k_nf, k_ei, k_ef, k_p = jax.random.split(key, 4)
    node_features_in = jax.random.normal(k_nf, (N_NODES, D_NODE_IN), dtype=jnp.float32)
    edges_indexes = jax.random.randint(k_ei, (2, N_EDGES), 0, N_NODES, dtype=jnp.int32)
    edge_features_in = jax.random.normal(k_ef, (N_EDGES, D_EDGE_IN), dtype=jnp.float32)
    ks = jax.random.split(k_p, 3 + 2 * N_MSG_STEPS)
    params = {
        "enc_node": _mlp_params(ks[0], [D_NODE_IN, D_LAT, D_LAT]),
        "enc_edge": _mlp_params(ks[1], [D_EDGE_IN, D_LAT, D_LAT]),
        "proc": [
            {
                "edge": _mlp_params(ks[2 + 2 * t], [3 * D_LAT, D_LAT, D_LAT]),
                "node": _mlp_params(ks[3 + 2 * t], [2 * D_LAT, D_LAT, D_LAT]),
            }
            for t in range(N_MSG_STEPS)
        ],
        "dec": _mlp_params(ks[2 + 2 * N_MSG_STEPS], [D_LAT, D_LAT, N_NODE_OUT]),
    }
    return {
        "node_features_in": node_features_in,
        "edges_indexes": edges_indexes,
        "edge_features_in": edge_features_in,
        "params": params,
    }


def reference(node_features_in, edges_indexes, edge_features_in, params):
    src = edges_indexes[0]
    dst = edges_indexes[1]
    # Encoder: graph-independent node/edge MLPs
    v = _mlp_apply(params["enc_node"], node_features_in)
    e = _mlp_apply(params["enc_edge"], edge_features_in)
    # Processor: unshared interaction networks with residual connections
    for step in params["proc"]:
        e_in = jnp.concatenate([e, jnp.take(v, src, axis=0), jnp.take(v, dst, axis=0)], axis=1)
        e = e + _mlp_apply(step["edge"], e_in)
        agg = jax.ops.segment_sum(e, dst, num_segments=N_NODES)
        v_in = jnp.concatenate([v, agg], axis=1)
        v = v + _mlp_apply(step["node"], v_in)
    # Decoder: node MLP
    out = _mlp_apply(params["dec"], v)
    return out

if __name__ == "__main__":
    import jax
    _d = setup_inputs()
    print(jax.jit(kernel)(*tuple(_d.values())))

</pallas_src>

<mosaic_0001>
#map = affine_map<(d0, d1) -> (0, 0)>
#map1 = affine_map<(d0, d1) -> (0, 0, 0, 0)>
#map2 = affine_map<(d0, d1) -> (0, 0, 0)>
module attributes {stable_mosaic.version = 14 : i64} {
  func.func @_sc_spmm_body(%arg0: i32, %arg1: i32, %arg2: memref<10000x128xf32, #tpu.memory_space<hbm>>, %arg3: memref<32x2x40x125xi32, #tpu.memory_space<hbm>>, %arg4: memref<32x2x40x125xi32, #tpu.memory_space<hbm>>, %arg5: memref<640x128xf32, #tpu.memory_space<hbm>>, %arg6: memref<2x10000x128xf32, #tpu.memory_space<hbm>>, %arg7: memref<40x125xi32, #tpu.memory_space<vmem>>, %arg8: memref<40x125xi32, #tpu.memory_space<vmem>>, %arg9: memref<125x128xf32, #tpu.memory_space<vmem>>, %arg10: memref<125x128xf32, #tpu.memory_space<vmem>>, %arg11: memref<10000x128xf32, #tpu.memory_space<vmem_shared>>, %arg12: memref<!tpu.dma_semaphore, #tpu.memory_space<semaphore_mem>>, %arg13: memref<!tpu.dma_semaphore, #tpu.memory_space<semaphore_mem>>) attributes {dimension_semantics = [#tpu.dimension_semantics<core_parallel>, #tpu.dimension_semantics<subcore_parallel>], iteration_bounds = array<i64: 2, 16>, scalar_prefetch = 0 : i64, scratch_operands = 7 : i64, tpu.core_type = #tpu.core_type<sc_vector_subcore>, window_params = [{transform_indices = #map}, {transform_indices = #map1}, {transform_indices = #map1}, {transform_indices = #map}, {transform_indices = #map2}]} {
    %mul3A = arith.constant 2 : i32
    %mul3A_0 = arith.muli %arg1, %mul3A : i32
    %add3A = arith.addi %mul3A_0, %arg0 : i32
    %mul3A_1 = arith.constant 624 : i32
    %mul3A_2 = arith.muli %arg1, %mul3A_1 : i32
    "tpu.region"() ({
      %run_scoped3A = tpu.sem_alloc : memref<!tpu.dma_semaphore, #tpu.memory_space<semaphore_mem>>
      %dma_start3A = arith.constant 0 : i32
      %dma_start3A_13 = tpu.memref_slice %arg11[%mul3A_2, %dma_start3A] : memref<10000x128xf32, #tpu.memory_space<vmem_shared>> -> memref<640x128xf32, #tpu.memory_space<vmem_shared>>
      tpu.enqueue_dma source(%arg5 : memref<640x128xf32, #tpu.memory_space<hbm>>) target(%dma_start3A_13 : memref<640x128xf32, #tpu.memory_space<vmem_shared>>) target_semaphore(%run_scoped3A : memref<!tpu.dma_semaphore, #tpu.memory_space<semaphore_mem>>)
      %dma_wait3A = arith.constant 0 : i32
      %dma_wait3A_14 = tpu.memref_slice %arg11[%mul3A_2, %dma_wait3A] : memref<10000x128xf32, #tpu.memory_space<vmem_shared>> -> memref<640x128xf32, #tpu.memory_space<vmem_shared>>
      tpu.wait_dma2 semaphore(%run_scoped3A : memref<!tpu.dma_semaphore, #tpu.memory_space<semaphore_mem>>) src(%arg5 : memref<640x128xf32, #tpu.memory_space<hbm>>) dst(%dma_wait3A_14 : memref<640x128xf32, #tpu.memory_space<vmem_shared>>)
      tpu.yield
    }) : () -> ()
    %barrier3A = arith.constant 0 : index
    tpu.barrier barrier_id(%barrier3A)
    %scan3A = arith.constant 0 : i32
    %scan3A_3 = arith.constant 0 : i32
    %scan3A_4 = arith.constant 2 : i32
    %scan3A_5 = arith.addi %scan3A_3, %scan3A_4 : i32
    %scan3A_6 = arith.constant 1 : i32
    scf.for %scan3A_13 = %scan3A_3 to %scan3A_5 step %scan3A_6  : i32 {
      "tpu.region"() ({
        %run_scoped3A = tpu.sem_alloc : memref<!tpu.dma_semaphore, #tpu.memory_space<semaphore_mem>>
        %dma_start3A_25 = arith.constant 0 : i32
        %dma_start3A_26 = arith.constant 0 : i32
        %dma_start3A_27 = tpu.memref_slice %arg3[%add3A, %scan3A_13, %dma_start3A_25, %dma_start3A_26] : memref<32x2x40x125xi32, #tpu.memory_space<hbm>> -> memref<1x1x40x125xi32, #tpu.memory_space<hbm>>
        %dma_start3A_28 = tpu.memref_squeeze %dma_start3A_27 : memref<1x1x40x125xi32, #tpu.memory_space<hbm>> -> memref<40x125xi32, #tpu.memory_space<hbm>>
        %dma_start3A_29 = arith.constant 0 : i32
        %dma_start3A_30 = arith.constant 0 : i32
        %dma_start3A_31 = tpu.memref_slice %arg3[%add3A, %scan3A_13, %dma_start3A_29, %dma_start3A_30] : memref<32x2x40x125xi32, #tpu.memory_space<hbm>> -> memref<1x1x40x125xi32, #tpu.memory_space<hbm>>
        %dma_start3A_32 = tpu.memref_squeeze %dma_start3A_31 : memref<1x1x40x125xi32, #tpu.memory_space<hbm>> -> memref<40x125xi32, #tpu.memory_space<hbm>>
        tpu.enqueue_dma source(%dma_start3A_32 : memref<40x125xi32, #tpu.memory_space<hbm>>) target(%arg7 : memref<40x125xi32, #tpu.memory_space<vmem>>) target_semaphore(%run_scoped3A : memref<!tpu.dma_semaphore, #tpu.memory_space<semaphore_mem>>)
        %dma_wait3A = arith.constant 0 : i32
        %dma_wait3A_33 = arith.constant 0 : i32
        %dma_wait3A_34 = tpu.memref_slice %arg3[%add3A, %scan3A_13, %dma_wait3A, %dma_wait3A_33] : memref<32x2x40x125xi32, #tpu.memory_space<hbm>> -> memref<1x1x40x125xi32, #tpu.memory_space<hbm>>
        %dma_wait3A_35 = tpu.memref_squeeze %dma_wait3A_34 : memref<1x1x40x125xi32, #tpu.memory_space<hbm>> -> memref<40x125xi32, #tpu.memory_space<hbm>>
        %dma_wait3A_36 = arith.constant 0 : i32
        %dma_wait3A_37 = arith.constant 0 : i32
        %dma_wait3A_38 = tpu.memref_slice %arg3[%add3A, %scan3A_13, %dma_wait3A_36, %dma_wait3A_37] : memref<32x2x40x125xi32, #tpu.memory_space<hbm>> -> memref<1x1x40x125xi32, #tpu.memory_space<hbm>>
        %dma_wait3A_39 = tpu.memref_squeeze %dma_wait3A_38 : memref<1x1x40x125xi32, #tpu.memory_space<hbm>> -> memref<40x125xi32, #tpu.memory_space<hbm>>
        tpu.wait_dma2 semaphore(%run_scoped3A : memref<!tpu.dma_semaphore, #tpu.memory_space<semaphore_mem>>) src(%dma_wait3A_39 : memref<40x125xi32, #tpu.memory_space<hbm>>) dst(%arg7 : memref<40x125xi32, #tpu.memory_space<vmem>>)
        tpu.yield
      }) : () -> ()
      "tpu.region"() ({
        %run_scoped3A = tpu.sem_alloc : memref<!tpu.dma_semaphore, #tpu.memory_space<semaphore_mem>>
        %dma_start3A_25 = arith.constant 0 : i32
        %dma_start3A_26 = arith.constant 0 : i32
        %dma_start3A_27 = tpu.memref_slice %arg4[%add3A, %scan3A_13, %dma_start3A_25, %dma_start3A_26] : memref<32x2x40x125xi32, #tpu.memory_space<hbm>> -> memref<1x1x40x125xi32, #tpu.memory_space<hbm>>
        %dma_start3A_28 = tpu.memref_squeeze %dma_start3A_27 : memref<1x1x40x125xi32, #tpu.memory_space<hbm>> -> memref<40x125xi32, #tpu.memory_space<hbm>>
        %dma_start3A_29 = arith.constant 0 : i32
        %dma_start3A_30 = arith.constant 0 : i32
        %dma_start3A_31 = tpu.memref_slice %arg4[%add3A, %scan3A_13, %dma_start3A_29, %dma_start3A_30] : memref<32x2x40x125xi32, #tpu.memory_space<hbm>> -> memref<1x1x40x125xi32, #tpu.memory_space<hbm>>
        %dma_start3A_32 = tpu.memref_squeeze %dma_start3A_31 : memref<1x1x40x125xi32, #tpu.memory_space<hbm>> -> memref<40x125xi32, #tpu.memory_space<hbm>>
        tpu.enqueue_dma source(%dma_start3A_32 : memref<40x125xi32, #tpu.memory_space<hbm>>) target(%arg8 : memref<40x125xi32, #tpu.memory_space<vmem>>) target_semaphore(%run_scoped3A : memref<!tpu.dma_semaphore, #tpu.memory_space<semaphore_mem>>)
        %dma_wait3A = arith.constant 0 : i32
        %dma_wait3A_33 = arith.constant 0 : i32
        %dma_wait3A_34 = tpu.memref_slice %arg4[%add3A, %scan3A_13, %dma_wait3A, %dma_wait3A_33] : memref<32x2x40x125xi32, #tpu.memory_space<hbm>> -> memref<1x1x40x125xi32, #tpu.memory_space<hbm>>
        %dma_wait3A_35 = tpu.memref_squeeze %dma_wait3A_34 : memref<1x1x40x125xi32, #tpu.memory_space<hbm>> -> memref<40x125xi32, #tpu.memory_space<hbm>>
        %dma_wait3A_36 = arith.constant 0 : i32
        %dma_wait3A_37 = arith.constant 0 : i32
        %dma_wait3A_38 = tpu.memref_slice %arg4[%add3A, %scan3A_13, %dma_wait3A_36, %dma_wait3A_37] : memref<32x2x40x125xi32, #tpu.memory_space<hbm>> -> memref<1x1x40x125xi32, #tpu.memory_space<hbm>>
        %dma_wait3A_39 = tpu.memref_squeeze %dma_wait3A_38 : memref<1x1x40x125xi32, #tpu.memory_space<hbm>> -> memref<40x125xi32, #tpu.memory_space<hbm>>
        tpu.wait_dma2 semaphore(%run_scoped3A : memref<!tpu.dma_semaphore, #tpu.memory_space<semaphore_mem>>) src(%dma_wait3A_39 : memref<40x125xi32, #tpu.memory_space<hbm>>) dst(%arg8 : memref<40x125xi32, #tpu.memory_space<vmem>>)
        tpu.yield
      }) : () -> ()
      %dma_start3A = arith.constant 0 : i32
      %dma_start3A_14 = arith.constant 0 : i32
      %dma_start3A_15 = tpu.memref_slice %arg7[%dma_start3A, %dma_start3A_14] : memref<40x125xi32, #tpu.memory_space<vmem>> -> memref<1x125xi32, #tpu.memory_space<vmem>>
      %dma_start3A_16 = tpu.memref_squeeze %dma_start3A_15 : memref<1x125xi32, #tpu.memory_space<vmem>> -> memref<125xi32, #tpu.memory_space<vmem>>
      %dma_start3A_17 = arith.constant 0 : i32
      %dma_start3A_18 = arith.constant 0 : i32
      %dma_start3A_19 = tpu.memref_slice %arg2[%dma_start3A_17, %dma_start3A_18] : memref<10000x128xf32, #tpu.memory_space<hbm>> -> memref<10000x128xf32, #tpu.memory_space<hbm>>
      tpu.enqueue_indirect_dma source(%dma_start3A_19 : memref<10000x128xf32, #tpu.memory_space<hbm>>) target(%arg9 : memref<125x128xf32, #tpu.memory_space<vmem>>) offsets(%dma_start3A_16 : memref<125xi32, #tpu.memory_space<vmem>>) semaphore(%arg12 : memref<!tpu.dma_semaphore, #tpu.memory_space<semaphore_mem>>)
      %scan3A_20 = arith.constant 0 : i32
      %scan3A_21 = arith.constant 40 : i32
      %scan3A_22 = arith.addi %scan3A_20, %scan3A_21 : i32
      %scan3A_23 = arith.constant 1 : i32
      scf.for %scan3A_25 = %scan3A_20 to %scan3A_22 step %scan3A_23  : i32 {
        %jit3A = arith.constant 2 : i32
        %eq3A = arith.constant 0 : i32
        %eq3A_26 = arith.cmpi eq, %jit3A, %eq3A : i32
        %jit3A_27 = arith.constant 1 : i32
        %select_n3A = arith.select %eq3A_26, %jit3A_27, %jit3A : i32
        %rem3A = arith.remsi %scan3A_25, %select_n3A : i32
        %ne3A = arith.constant 0 : i32
        %ne3A_28 = arith.cmpi ne, %rem3A, %ne3A : i32
        %lt3A = arith.constant 0 : i32
        %lt3A_29 = arith.cmpi slt, %rem3A, %lt3A : i32
        %lt3A_30 = arith.constant 0 : i32
        %lt3A_31 = arith.cmpi slt, %select_n3A, %lt3A_30 : i32
        %ne3A_32 = arith.xori %lt3A_29, %lt3A_31 : i1
        %and3A = arith.andi %ne3A_32, %ne3A_28 : i1
        %add3A_33 = arith.addi %rem3A, %select_n3A : i32
        %select_n3A_34 = arith.select %and3A, %add3A_33, %rem3A : i32
        %eq3A_35 = arith.constant 0 : i32
        %eq3A_36 = arith.cmpi eq, %select_n3A_34, %eq3A_35 : i32
        %convert_element_type3A = arith.extui %eq3A_36 : i1 to i32
        %cond3A = arith.constant 0 : i32
        %cond3A_37 = arith.cmpi ne, %convert_element_type3A, %cond3A : i32
        scf.if %cond3A_37 {
          %add3A_59 = arith.constant 1 : i32
          %add3A_60 = arith.addi %scan3A_25, %add3A_59 : i32
          %lt3A_61 = arith.constant 40 : i32
          %lt3A_62 = arith.cmpi slt, %add3A_60, %lt3A_61 : i32
          %convert_element_type3A_63 = arith.extui %lt3A_62 : i1 to i32
          %cond3A_64 = arith.constant 0 : i32
          %cond3A_65 = arith.cmpi ne, %convert_element_type3A_63, %cond3A_64 : i32
          scf.if %cond3A_65 {
            %add3A_71 = arith.constant 1 : i32
            %add3A_72 = arith.addi %scan3A_25, %add3A_71 : i32
            %dma_start3A_73 = arith.constant 0 : i32
            %dma_start3A_74 = tpu.memref_slice %arg7[%add3A_72, %dma_start3A_73] : memref<40x125xi32, #tpu.memory_space<vmem>> -> memref<1x125xi32, #tpu.memory_space<vmem>>
            %dma_start3A_75 = tpu.memref_squeeze %dma_start3A_74 : memref<1x125xi32, #tpu.memory_space<vmem>> -> memref<125xi32, #tpu.memory_space<vmem>>
            %dma_start3A_76 = arith.constant 0 : i32
            %dma_start3A_77 = arith.constant 0 : i32
            %dma_start3A_78 = tpu.memref_slice %arg2[%dma_start3A_76, %dma_start3A_77] : memref<10000x128xf32, #tpu.memory_space<hbm>> -> memref<10000x128xf32, #tpu.memory_space<hbm>>
            tpu.enqueue_indirect_dma source(%dma_start3A_78 : memref<10000x128xf32, #tpu.memory_space<hbm>>) target(%arg10 : memref<125x128xf32, #tpu.memory_space<vmem>>) offsets(%dma_start3A_75 : memref<125xi32, #tpu.memory_space<vmem>>) semaphore(%arg13 : memref<!tpu.dma_semaphore, #tpu.memory_space<semaphore_mem>>)
          } else {
          }
          %dma_wait3A = arith.constant 0 : i32
          %dma_wait3A_66 = tpu.memref_slice %arg7[%scan3A_25, %dma_wait3A] : memref<40x125xi32, #tpu.memory_space<vmem>> -> memref<1x125xi32, #tpu.memory_space<vmem>>
          %dma_wait3A_67 = tpu.memref_squeeze %dma_wait3A_66 : memref<1x125xi32, #tpu.memory_space<vmem>> -> memref<125xi32, #tpu.memory_space<vmem>>
          %dma_wait3A_68 = arith.constant 0 : i32
          %dma_wait3A_69 = arith.constant 0 : i32
          %dma_wait3A_70 = tpu.memref_slice %arg2[%dma_wait3A_68, %dma_wait3A_69] : memref<10000x128xf32, #tpu.memory_space<hbm>> -> memref<10000x128xf32, #tpu.memory_space<hbm>>
          tpu.wait_indirect_dma semaphore(%arg12 : memref<!tpu.dma_semaphore, #tpu.memory_space<semaphore_mem>>) src(%dma_wait3A_70 : memref<10000x128xf32, #tpu.memory_space<hbm>>) dst(%arg9 : memref<125x128xf32, #tpu.memory_space<vmem>>)
          "tpu.region"() ({
            %run_scoped3A = tpu.sem_alloc : memref<!tpu.dma_semaphore, #tpu.memory_space<semaphore_mem>>
            %dma_start3A_71 = arith.constant 0 : i32
            %dma_start3A_72 = tpu.memref_slice %arg8[%scan3A_25, %dma_start3A_71] : memref<40x125xi32, #tpu.memory_space<vmem>> -> memref<1x125xi32, #tpu.memory_space<vmem>>
            %dma_start3A_73 = tpu.memref_squeeze %dma_start3A_72 : memref<1x125xi32, #tpu.memory_space<vmem>> -> memref<125xi32, #tpu.memory_space<vmem>>
            %dma_start3A_74 = arith.constant 0 : i32
            %dma_start3A_75 = arith.constant 0 : i32
            %dma_start3A_76 = tpu.memref_slice %arg11[%dma_start3A_74, %dma_start3A_75] : memref<10000x128xf32, #tpu.memory_space<vmem_shared>> -> memref<10000x128xf32, #tpu.memory_space<vmem_shared>>
            tpu.enqueue_indirect_dma source(%arg9 : memref<125x128xf32, #tpu.memory_space<vmem>>) target(%dma_start3A_76 : memref<10000x128xf32, #tpu.memory_space<vmem_shared>>) offsets(%dma_start3A_73 : memref<125xi32, #tpu.memory_space<vmem>>) semaphore(%run_scoped3A : memref<!tpu.dma_semaphore, #tpu.memory_space<semaphore_mem>>) {add = true}
            %dma_wait3A_77 = arith.constant 0 : i32
            %dma_wait3A_78 = tpu.memref_slice %arg8[%scan3A_25, %dma_wait3A_77] : memref<40x125xi32, #tpu.memory_space<vmem>> -> memref<1x125xi32, #tpu.memory_space<vmem>>
            %dma_wait3A_79 = tpu.memref_squeeze %dma_wait3A_78 : memref<1x125xi32, #tpu.memory_space<vmem>> -> memref<125xi32, #tpu.memory_space<vmem>>
            %dma_wait3A_80 = arith.constant 0 : i32
            %dma_wait3A_81 = arith.constant 0 : i32
            %dma_wait3A_82 = tpu.memref_slice %arg11[%dma_wait3A_80, %dma_wait3A_81] : memref<10000x128xf32, #tpu.memory_space<vmem_shared>> -> memref<10000x128xf32, #tpu.memory_space<vmem_shared>>
            tpu.wait_indirect_dma semaphore(%run_scoped3A : memref<!tpu.dma_semaphore, #tpu.memory_space<semaphore_mem>>) src(%arg9 : memref<125x128xf32, #tpu.memory_space<vmem>>) dst(%dma_wait3A_82 : memref<10000x128xf32, #tpu.memory_space<vmem_shared>>)
            tpu.yield
          }) : () -> ()
        } else {
        }
        %jit3A_38 = arith.constant 2 : i32
        %eq3A_39 = arith.constant 0 : i32
        %eq3A_40 = arith.cmpi eq, %jit3A_38, %eq3A_39 : i32
        %jit3A_41 = arith.constant 1 : i32
        %select_n3A_42 = arith.select %eq3A_40, %jit3A_41, %jit3A_38 : i32
        %rem3A_43 = arith.remsi %scan3A_25, %select_n3A_42 : i32
        %ne3A_44 = arith.constant 0 : i32
        %ne3A_45 = arith.cmpi ne, %rem3A_43, %ne3A_44 : i32
        %lt3A_46 = arith.constant 0 : i32
        %lt3A_47 = arith.cmpi slt, %rem3A_43, %lt3A_46 : i32
        %lt3A_48 = arith.constant 0 : i32
        %lt3A_49 = arith.cmpi slt, %select_n3A_42, %lt3A_48 : i32
        %ne3A_50 = arith.xori %lt3A_47, %lt3A_49 : i1
        %and3A_51 = arith.andi %ne3A_50, %ne3A_45 : i1
        %add3A_52 = arith.addi %rem3A_43, %select_n3A_42 : i32
        %select_n3A_53 = arith.select %and3A_51, %add3A_52, %rem3A_43 : i32
        %eq3A_54 = arith.constant 1 : i32
        %eq3A_55 = arith.cmpi eq, %select_n3A_53, %eq3A_54 : i32
        %convert_element_type3A_56 = arith.extui %eq3A_55 : i1 to i32
        %cond3A_57 = arith.constant 0 : i32
        %cond3A_58 = arith.cmpi ne, %convert_element_type3A_56, %cond3A_57 : i32
        scf.if %cond3A_58 {
          %add3A_59 = arith.constant 1 : i32
          %add3A_60 = arith.addi %scan3A_25, %add3A_59 : i32
          %lt3A_61 = arith.constant 40 : i32
          %lt3A_62 = arith.cmpi slt, %add3A_60, %lt3A_61 : i32
          %convert_element_type3A_63 = arith.extui %lt3A_62 : i1 to i32
          %cond3A_64 = arith.constant 0 : i32
          %cond3A_65 = arith.cmpi ne, %convert_element_type3A_63, %cond3A_64 : i32
          scf.if %cond3A_65 {
            %add3A_71 = arith.constant 1 : i32
            %add3A_72 = arith.addi %scan3A_25, %add3A_71 : i32
            %dma_start3A_73 = arith.constant 0 : i32
            %dma_start3A_74 = tpu.memref_slice %arg7[%add3A_72, %dma_start3A_73] : memref<40x125xi32, #tpu.memory_space<vmem>> -> memref<1x125xi32, #tpu.memory_space<vmem>>
            %dma_start3A_75 = tpu.memref_squeeze %dma_start3A_74 : memref<1x125xi32, #tpu.memory_space<vmem>> -> memref<125xi32, #tpu.memory_space<vmem>>
            %dma_start3A_76 = arith.constant 0 : i32
            %dma_start3A_77 = arith.constant 0 : i32
            %dma_start3A_78 = tpu.memref_slice %arg2[%dma_start3A_76, %dma_start3A_77] : memref<10000x128xf32, #tpu.memory_space<hbm>> -> memref<10000x128xf32, #tpu.memory_space<hbm>>
            tpu.enqueue_indirect_dma source(%dma_start3A_78 : memref<10000x128xf32, #tpu.memory_space<hbm>>) target(%arg9 : memref<125x128xf32, #tpu.memory_space<vmem>>) offsets(%dma_start3A_75 : memref<125xi32, #tpu.memory_space<vmem>>) semaphore(%arg12 : memref<!tpu.dma_semaphore, #tpu.memory_space<semaphore_mem>>)
          } else {
          }
          %dma_wait3A = arith.constant 0 : i32
          %dma_wait3A_66 = tpu.memref_slice %arg7[%scan3A_25, %dma_wait3A] : memref<40x125xi32, #tpu.memory_space<vmem>> -> memref<1x125xi32, #tpu.memory_space<vmem>>
          %dma_wait3A_67 = tpu.memref_squeeze %dma_wait3A_66 : memref<1x125xi32, #tpu.memory_space<vmem>> -> memref<125xi32, #tpu.memory_space<vmem>>
          %dma_wait3A_68 = arith.constant 0 : i32
          %dma_wait3A_69 = arith.constant 0 : i32
          %dma_wait3A_70 = tpu.memref_slice %arg2[%dma_wait3A_68, %dma_wait3A_69] : memref<10000x128xf32, #tpu.memory_space<hbm>> -> memref<10000x128xf32, #tpu.memory_space<hbm>>
          tpu.wait_indirect_dma semaphore(%arg13 : memref<!tpu.dma_semaphore, #tpu.memory_space<semaphore_mem>>) src(%dma_wait3A_70 : memref<10000x128xf32, #tpu.memory_space<hbm>>) dst(%arg10 : memref<125x128xf32, #tpu.memory_space<vmem>>)
          "tpu.region"() ({
            %run_scoped3A = tpu.sem_alloc : memref<!tpu.dma_semaphore, #tpu.memory_space<semaphore_mem>>
            %dma_start3A_71 = arith.constant 0 : i32
            %dma_start3A_72 = tpu.memref_slice %arg8[%scan3A_25, %dma_start3A_71] : memref<40x125xi32, #tpu.memory_space<vmem>> -> memref<1x125xi32, #tpu.memory_space<vmem>>
            %dma_start3A_73 = tpu.memref_squeeze %dma_start3A_72 : memref<1x125xi32, #tpu.memory_space<vmem>> -> memref<125xi32, #tpu.memory_space<vmem>>
            %dma_start3A_74 = arith.constant 0 : i32
            %dma_start3A_75 = arith.constant 0 : i32
            %dma_start3A_76 = tpu.memref_slice %arg11[%dma_start3A_74, %dma_start3A_75] : memref<10000x128xf32, #tpu.memory_space<vmem_shared>> -> memref<10000x128xf32, #tpu.memory_space<vmem_shared>>
            tpu.enqueue_indirect_dma source(%arg10 : memref<125x128xf32, #tpu.memory_space<vmem>>) target(%dma_start3A_76 : memref<10000x128xf32, #tpu.memory_space<vmem_shared>>) offsets(%dma_start3A_73 : memref<125xi32, #tpu.memory_space<vmem>>) semaphore(%run_scoped3A : memref<!tpu.dma_semaphore, #tpu.memory_space<semaphore_mem>>) {add = true}
            %dma_wait3A_77 = arith.constant 0 : i32
            %dma_wait3A_78 = tpu.memref_slice %arg8[%scan3A_25, %dma_wait3A_77] : memref<40x125xi32, #tpu.memory_space<vmem>> -> memref<1x125xi32, #tpu.memory_space<vmem>>
            %dma_wait3A_79 = tpu.memref_squeeze %dma_wait3A_78 : memref<1x125xi32, #tpu.memory_space<vmem>> -> memref<125xi32, #tpu.memory_space<vmem>>
            %dma_wait3A_80 = arith.constant 0 : i32
            %dma_wait3A_81 = arith.constant 0 : i32
            %dma_wait3A_82 = tpu.memref_slice %arg11[%dma_wait3A_80, %dma_wait3A_81] : memref<10000x128xf32, #tpu.memory_space<vmem_shared>> -> memref<10000x128xf32, #tpu.memory_space<vmem_shared>>
            tpu.wait_indirect_dma semaphore(%run_scoped3A : memref<!tpu.dma_semaphore, #tpu.memory_space<semaphore_mem>>) src(%arg10 : memref<125x128xf32, #tpu.memory_space<vmem>>) dst(%dma_wait3A_82 : memref<10000x128xf32, #tpu.memory_space<vmem_shared>>)
            tpu.yield
          }) : () -> ()
        } else {
        }
      }
      %scan3A_24 = arith.constant 40 : i32
    }
    %scan3A_7 = arith.constant 2 : i32
    %barrier3A_8 = arith.constant 0 : index
    tpu.barrier barrier_id(%barrier3A_8)
    %mul3A_9 = arith.constant 624 : i32
    %mul3A_10 = arith.muli %arg1, %mul3A_9 : i32
    %mul3A_11 = arith.constant 624 : i32
    %mul3A_12 = arith.muli %arg1, %mul3A_11 : i32
    "tpu.region"() ({
      %run_scoped3A = tpu.sem_alloc : memref<!tpu.dma_semaphore, #tpu.memory_space<semaphore_mem>>
      %dma_start3A = arith.constant 0 : i32
      %dma_start3A_13 = arith.constant 0 : i32
      %dma_start3A_14 = tpu.memref_slice %arg6[%arg0, %dma_start3A, %dma_start3A_13] : memref<2x10000x128xf32, #tpu.memory_space<hbm>> -> memref<1x10000x128xf32, #tpu.memory_space<hbm>>
      %dma_start3A_15 = tpu.memref_squeeze %dma_start3A_14 : memref<1x10000x128xf32, #tpu.memory_space<hbm>> -> memref<10000x128xf32, #tpu.memory_space<hbm>>
      %dma_start3A_16 = arith.constant 0 : i32
      %dma_start3A_17 = tpu.memref_slice %dma_start3A_15[%mul3A_12, %dma_start3A_16] : memref<10000x128xf32, #tpu.memory_space<hbm>> -> memref<640x128xf32, #tpu.memory_space<hbm>>
      %dma_start3A_18 = arith.constant 0 : i32
      %dma_start3A_19 = tpu.memref_slice %arg11[%mul3A_10, %dma_start3A_18] : memref<10000x128xf32, #tpu.memory_space<vmem_shared>> -> memref<640x128xf32, #tpu.memory_space<vmem_shared>>
      tpu.enqueue_dma source(%dma_start3A_19 : memref<640x128xf32, #tpu.memory_space<vmem_shared>>) target(%dma_start3A_17 : memref<640x128xf32, #tpu.memory_space<hbm>>) target_semaphore(%run_scoped3A : memref<!tpu.dma_semaphore, #tpu.memory_space<semaphore_mem>>)
      %dma_wait3A = arith.constant 0 : i32
      %dma_wait3A_20 = arith.constant 0 : i32
      %dma_wait3A_21 = tpu.memref_slice %arg6[%arg0, %dma_wait3A, %dma_wait3A_20] : memref<2x10000x128xf32, #tpu.memory_space<hbm>> -> memref<1x10000x128xf32, #tpu.memory_space<hbm>>
      %dma_wait3A_22 = tpu.memref_squeeze %dma_wait3A_21 : memref<1x10000x128xf32, #tpu.memory_space<hbm>> -> memref<10000x128xf32, #tpu.memory_space<hbm>>
      %dma_wait3A_23 = arith.constant 0 : i32
      %dma_wait3A_24 = tpu.memref_slice %dma_wait3A_22[%mul3A_12, %dma_wait3A_23] : memref<10000x128xf32, #tpu.memory_space<hbm>> -> memref<640x128xf32, #tpu.memory_space<hbm>>
      %dma_wait3A_25 = arith.constant 0 : i32
      %dma_wait3A_26 = tpu.memref_slice %arg11[%mul3A_10, %dma_wait3A_25] : memref<10000x128xf32, #tpu.memory_space<vmem_shared>> -> memref<640x128xf32, #tpu.memory_space<vmem_shared>>
      tpu.wait_dma2 semaphore(%run_scoped3A : memref<!tpu.dma_semaphore, #tpu.memory_space<semaphore_mem>>) src(%dma_wait3A_26 : memref<640x128xf32, #tpu.memory_space<vmem_shared>>) dst(%dma_wait3A_24 : memref<640x128xf32, #tpu.memory_space<hbm>>)
      tpu.yield
    }) : () -> ()
    return
  }
}

#map = affine_map<(d0, d1) -> (0, 0, 0)>
#map1 = affine_map<(d0, d1) -> (0, 0)>
#map2 = affine_map<(d0, d1) -> (0, 0, 0, 0)>
module attributes {stable_mosaic.version = 14 : i64} {
  func.func @_sc_fused_body(%arg0: i32, %arg1: i32, %arg2: memref<2560x125x128xf32, #tpu.memory_space<hbm>>, %arg3: memref<10000x128xf32, #tpu.memory_space<hbm>>, %arg4: memref<32x2x40x125xi32, #tpu.memory_space<hbm>>, %arg5: memref<32x2x40x125xi32, #tpu.memory_space<hbm>>, %arg6: memref<640x128xf32, #tpu.memory_space<hbm>>, %arg7: memref<2x10000x128xf32, #tpu.memory_space<hbm>>, %arg8: memref<2x10000x128xf32, #tpu.memory_space<hbm>>, %arg9: memref<40x125xi32, #tpu.memory_space<vmem>>, %arg10: memref<40x125xi32, #tpu.memory_space<vmem>>, %arg11: memref<125x128xf32, #tpu.memory_space<vmem>>, %arg12: memref<125x128xf32, #tpu.memory_space<vmem>>, %arg13: memref<10000x128xf32, #tpu.memory_space<vmem_shared>>, %arg14: memref<!tpu.dma_semaphore, #tpu.memory_space<semaphore_mem>>, %arg15: memref<!tpu.dma_semaphore, #tpu.memory_space<semaphore_mem>>) attributes {dimension_semantics = [#tpu.dimension_semantics<core_parallel>, #tpu.dimension_semantics<subcore_parallel>], iteration_bounds = array<i64: 2, 16>, scalar_prefetch = 0 : i64, scratch_operands = 7 : i64, tpu.core_type = #tpu.core_type<sc_vector_subcore>, window_params = [{transform_indices = #map}, {transform_indices = #map1}, {transform_indices = #map2}, {transform_indices = #map2}, {transform_indices = #map1}, {transform_indices = #map}, {transform_indices = #map}]} {
    %mul3A = arith.constant 2 : i32
    %mul3A_0 = arith.muli %arg1, %mul3A : i32
    %add3A = arith.addi %mul3A_0, %arg0 : i32
    %mul3A_1 = arith.constant 624 : i32
    %mul3A_2 = arith.muli %arg1, %mul3A_1 : i32
    "tpu.region"() ({
      %run_scoped3A = tpu.sem_alloc : memref<!tpu.dma_semaphore, #tpu.memory_space<semaphore_mem>>
      %dma_start3A = arith.constant 0 : i32
      %dma_start3A_28 = tpu.memref_slice %arg13[%mul3A_2, %dma_start3A] : memref<10000x128xf32, #tpu.memory_space<vmem_shared>> -> memref<640x128xf32, #tpu.memory_space<vmem_shared>>
      tpu.enqueue_dma source(%arg6 : memref<640x128xf32, #tpu.memory_space<hbm>>) target(%dma_start3A_28 : memref<640x128xf32, #tpu.memory_space<vmem_shared>>) target_semaphore(%run_scoped3A : memref<!tpu.dma_semaphore, #tpu.memory_space<semaphore_mem>>)
      %dma_wait3A = arith.constant 0 : i32
      %dma_wait3A_29 = tpu.memref_slice %arg13[%mul3A_2, %dma_wait3A] : memref<10000x128xf32, #tpu.memory_space<vmem_shared>> -> memref<640x128xf32, #tpu.memory_space<vmem_shared>>
      tpu.wait_dma2 semaphore(%run_scoped3A : memref<!tpu.dma_semaphore, #tpu.memory_space<semaphore_mem>>) src(%arg6 : memref<640x128xf32, #tpu.memory_space<hbm>>) dst(%dma_wait3A_29 : memref<640x128xf32, #tpu.memory_space<vmem_shared>>)
      tpu.yield
    }) : () -> ()
    %barrier3A = arith.constant 0 : index
    tpu.barrier barrier_id(%barrier3A)
    %scan3A = arith.constant 0 : i32
    %scan3A_3 = arith.constant 0 : i32
    %scan3A_4 = arith.constant 2 : i32
    %scan3A_5 = arith.addi %scan3A_3, %scan3A_4 : i32
    %scan3A_6 = arith.constant 1 : i32
    scf.for %scan3A_28 = %scan3A_3 to %scan3A_5 step %scan3A_6  : i32 {
      "tpu.region"() ({
        %run_scoped3A = tpu.sem_alloc : memref<!tpu.dma_semaphore, #tpu.memory_space<semaphore_mem>>
        %dma_start3A_46 = arith.constant 0 : i32
        %dma_start3A_47 = arith.constant 0 : i32
        %dma_start3A_48 = tpu.memref_slice %arg5[%add3A, %scan3A_28, %dma_start3A_46, %dma_start3A_47] : memref<32x2x40x125xi32, #tpu.memory_space<hbm>> -> memref<1x1x40x125xi32, #tpu.memory_space<hbm>>
        %dma_start3A_49 = tpu.memref_squeeze %dma_start3A_48 : memref<1x1x40x125xi32, #tpu.memory_space<hbm>> -> memref<40x125xi32, #tpu.memory_space<hbm>>
        %dma_start3A_50 = arith.constant 0 : i32
        %dma_start3A_51 = arith.constant 0 : i32
        %dma_start3A_52 = tpu.memref_slice %arg5[%add3A, %scan3A_28, %dma_start3A_50, %dma_start3A_51] : memref<32x2x40x125xi32, #tpu.memory_space<hbm>> -> memref<1x1x40x125xi32, #tpu.memory_space<hbm>>
        %dma_start3A_53 = tpu.memref_squeeze %dma_start3A_52 : memref<1x1x40x125xi32, #tpu.memory_space<hbm>> -> memref<40x125xi32, #tpu.memory_space<hbm>>
        tpu.enqueue_dma source(%dma_start3A_53 : memref<40x125xi32, #tpu.memory_space<hbm>>) target(%arg10 : memref<40x125xi32, #tpu.memory_space<vmem>>) target_semaphore(%run_scoped3A : memref<!tpu.dma_semaphore, #tpu.memory_space<semaphore_mem>>)
        %dma_wait3A = arith.constant 0 : i32
        %dma_wait3A_54 = arith.constant 0 : i32
        %dma_wait3A_55 = tpu.memref_slice %arg5[%add3A, %scan3A_28, %dma_wait3A, %dma_wait3A_54] : memref<32x2x40x125xi32, #tpu.memory_space<hbm>> -> memref<1x1x40x125xi32, #tpu.memory_space<hbm>>
        %dma_wait3A_56 = tpu.memref_squeeze %dma_wait3A_55 : memref<1x1x40x125xi32, #tpu.memory_space<hbm>> -> memref<40x125xi32, #tpu.memory_space<hbm>>
        %dma_wait3A_57 = arith.constant 0 : i32
        %dma_wait3A_58 = arith.constant 0 : i32
        %dma_wait3A_59 = tpu.memref_slice %arg5[%add3A, %scan3A_28, %dma_wait3A_57, %dma_wait3A_58] : memref<32x2x40x125xi32, #tpu.memory_space<hbm>> -> memref<1x1x40x125xi32, #tpu.memory_space<hbm>>
        %dma_wait3A_60 = tpu.memref_squeeze %dma_wait3A_59 : memref<1x1x40x125xi32, #tpu.memory_space<hbm>> -> memref<40x125xi32, #tpu.memory_space<hbm>>
        tpu.wait_dma2 semaphore(%run_scoped3A : memref<!tpu.dma_semaphore, #tpu.memory_space<semaphore_mem>>) src(%dma_wait3A_60 : memref<40x125xi32, #tpu.memory_space<hbm>>) dst(%arg10 : memref<40x125xi32, #tpu.memory_space<vmem>>)
        tpu.yield
      }) : () -> ()
      %mul3A_29 = arith.constant 80 : i32
      %mul3A_30 = arith.muli %add3A, %mul3A_29 : i32
      %mul3A_31 = arith.constant 40 : i32
      %mul3A_32 = arith.muli %scan3A_28, %mul3A_31 : i32
      %add3A_33 = arith.addi %mul3A_30, %mul3A_32 : i32
      %dma_start3A = arith.constant 0 : i32
      %dma_start3A_34 = arith.constant 0 : i32
      %dma_start3A_35 = tpu.memref_slice %arg2[%add3A_33, %dma_start3A, %dma_start3A_34] : memref<2560x125x128xf32, #tpu.memory_space<hbm>> -> memref<1x125x128xf32, #tpu.memory_space<hbm>>
      %dma_start3A_36 = tpu.memref_squeeze %dma_start3A_35 : memref<1x125x128xf32, #tpu.memory_space<hbm>> -> memref<125x128xf32, #tpu.memory_space<hbm>>
      %dma_start3A_37 = arith.constant 0 : i32
      %dma_start3A_38 = arith.constant 0 : i32
      %dma_start3A_39 = tpu.memref_slice %arg2[%add3A_33, %dma_start3A_37, %dma_start3A_38] : memref<2560x125x128xf32, #tpu.memory_space<hbm>> -> memref<1x125x128xf32, #tpu.memory_space<hbm>>
      %dma_start3A_40 = tpu.memref_squeeze %dma_start3A_39 : memref<1x125x128xf32, #tpu.memory_space<hbm>> -> memref<125x128xf32, #tpu.memory_space<hbm>>
      tpu.enqueue_dma source(%dma_start3A_40 : memref<125x128xf32, #tpu.memory_space<hbm>>) target(%arg11 : memref<125x128xf32, #tpu.memory_space<vmem>>) target_semaphore(%arg14 : memref<!tpu.dma_semaphore, #tpu.memory_space<semaphore_mem>>)
      %scan3A_41 = arith.constant 0 : i32
      %scan3A_42 = arith.constant 40 : i32
      %scan3A_43 = arith.addi %scan3A_41, %scan3A_42 : i32
      %scan3A_44 = arith.constant 1 : i32
      scf.for %scan3A_46 = %scan3A_41 to %scan3A_43 step %scan3A_44  : i32 {
        %mul3A_47 = arith.constant 40 : i32
        %mul3A_48 = arith.muli %scan3A_28, %mul3A_47 : i32
        %add3A_49 = arith.addi %mul3A_48, %scan3A_46 : i32
        %jit3A = arith.constant 2 : i32
        %eq3A = arith.constant 0 : i32
        %eq3A_50 = arith.cmpi eq, %jit3A, %eq3A : i32
        %jit3A_51 = arith.constant 1 : i32
        %select_n3A = arith.select %eq3A_50, %jit3A_51, %jit3A : i32
        %rem3A = arith.remsi %scan3A_46, %select_n3A : i32
        %ne3A = arith.constant 0 : i32
        %ne3A_52 = arith.cmpi ne, %rem3A, %ne3A : i32
        %lt3A = arith.constant 0 : i32
        %lt3A_53 = arith.cmpi slt, %rem3A, %lt3A : i32
        %lt3A_54 = arith.constant 0 : i32
        %lt3A_55 = arith.cmpi slt, %select_n3A, %lt3A_54 : i32
        %ne3A_56 = arith.xori %lt3A_53, %lt3A_55 : i1
        %and3A = arith.andi %ne3A_56, %ne3A_52 : i1
        %add3A_57 = arith.addi %rem3A, %select_n3A : i32
        %select_n3A_58 = arith.select %and3A, %add3A_57, %rem3A : i32
        %eq3A_59 = arith.constant 0 : i32
        %eq3A_60 = arith.cmpi eq, %select_n3A_58, %eq3A_59 : i32
        %convert_element_type3A = arith.extui %eq3A_60 : i1 to i32
        %cond3A = arith.constant 0 : i32
        %cond3A_61 = arith.cmpi ne, %convert_element_type3A, %cond3A : i32
        scf.if %cond3A_61 {
          %add3A_83 = arith.constant 1 : i32
          %add3A_84 = arith.addi %scan3A_46, %add3A_83 : i32
          %lt3A_85 = arith.constant 40 : i32
          %lt3A_86 = arith.cmpi slt, %add3A_84, %lt3A_85 : i32
          %convert_element_type3A_87 = arith.extui %lt3A_86 : i1 to i32
          %cond3A_88 = arith.constant 0 : i32
          %cond3A_89 = arith.cmpi ne, %convert_element_type3A_87, %cond3A_88 : i32
          scf.if %cond3A_89 {
            %mul3A_100 = arith.constant 80 : i32
            %mul3A_101 = arith.muli %add3A, %mul3A_100 : i32
            %add3A_102 = arith.addi %mul3A_101, %add3A_49 : i32
            %add3A_103 = arith.constant 1 : i32
            %add3A_104 = arith.addi %add3A_102, %add3A_103 : i32
            %dma_start3A_105 = arith.constant 0 : i32
            %dma_start3A_106 = arith.constant 0 : i32
            %dma_start3A_107 = tpu.memref_slice %arg2[%add3A_104, %dma_start3A_105, %dma_start3A_106] : memref<2560x125x128xf32, #tpu.memory_space<hbm>> -> memref<1x125x128xf32, #tpu.memory_space<hbm>>
            %dma_start3A_108 = tpu.memref_squeeze %dma_start3A_107 : memref<1x125x128xf32, #tpu.memory_space<hbm>> -> memref<125x128xf32, #tpu.memory_space<hbm>>
            %dma_start3A_109 = arith.constant 0 : i32
            %dma_start3A_110 = arith.constant 0 : i32
            %dma_start3A_111 = tpu.memref_slice %arg2[%add3A_104, %dma_start3A_109, %dma_start3A_110] : memref<2560x125x128xf32, #tpu.memory_space<hbm>> -> memref<1x125x128xf32, #tpu.memory_space<hbm>>
            %dma_start3A_112 = tpu.memref_squeeze %dma_start3A_111 : memref<1x125x128xf32, #tpu.memory_space<hbm>> -> memref<125x128xf32, #tpu.memory_space<hbm>>
            tpu.enqueue_dma source(%dma_start3A_112 : memref<125x128xf32, #tpu.memory_space<hbm>>) target(%arg12 : memref<125x128xf32, #tpu.memory_space<vmem>>) target_semaphore(%arg15 : memref<!tpu.dma_semaphore, #tpu.memory_space<semaphore_mem>>)
          } else {
          }
          %mul3A_90 = arith.constant 80 : i32
          %mul3A_91 = arith.muli %add3A, %mul3A_90 : i32
          %add3A_92 = arith.addi %mul3A_91, %add3A_49 : i32
          %dma_wait3A = arith.constant 0 : i32
          %dma_wait3A_93 = arith.constant 0 : i32
          %dma_wait3A_94 = tpu.memref_slice %arg2[%add3A_92, %dma_wait3A, %dma_wait3A_93] : memref<2560x125x128xf32, #tpu.memory_space<hbm>> -> memref<1x125x128xf32, #tpu.memory_space<hbm>>
          %dma_wait3A_95 = tpu.memref_squeeze %dma_wait3A_94 : memref<1x125x128xf32, #tpu.memory_space<hbm>> -> memref<125x128xf32, #tpu.memory_space<hbm>>
          %dma_wait3A_96 = arith.constant 0 : i32
          %dma_wait3A_97 = arith.constant 0 : i32
          %dma_wait3A_98 = tpu.memref_slice %arg2[%add3A_92, %dma_wait3A_96, %dma_wait3A_97] : memref<2560x125x128xf32, #tpu.memory_space<hbm>> -> memref<1x125x128xf32, #tpu.memory_space<hbm>>
          %dma_wait3A_99 = tpu.memref_squeeze %dma_wait3A_98 : memref<1x125x128xf32, #tpu.memory_space<hbm>> -> memref<125x128xf32, #tpu.memory_space<hbm>>
          tpu.wait_dma2 semaphore(%arg14 : memref<!tpu.dma_semaphore, #tpu.memory_space<semaphore_mem>>) src(%dma_wait3A_99 : memref<125x128xf32, #tpu.memory_space<hbm>>) dst(%arg11 : memref<125x128xf32, #tpu.memory_space<vmem>>)
          "tpu.region"() ({
            %run_scoped3A = tpu.sem_alloc : memref<!tpu.dma_semaphore, #tpu.memory_space<semaphore_mem>>
            %dma_start3A_100 = arith.constant 0 : i32
            %dma_start3A_101 = tpu.memref_slice %arg10[%scan3A_46, %dma_start3A_100] : memref<40x125xi32, #tpu.memory_space<vmem>> -> memref<1x125xi32, #tpu.memory_space<vmem>>
            %dma_start3A_102 = tpu.memref_squeeze %dma_start3A_101 : memref<1x125xi32, #tpu.memory_space<vmem>> -> memref<125xi32, #tpu.memory_space<vmem>>
            %dma_start3A_103 = arith.constant 0 : i32
            %dma_start3A_104 = arith.constant 0 : i32
            %dma_start3A_105 = tpu.memref_slice %arg13[%dma_start3A_103, %dma_start3A_104] : memref<10000x128xf32, #tpu.memory_space<vmem_shared>> -> memref<10000x128xf32, #tpu.memory_space<vmem_shared>>
            tpu.enqueue_indirect_dma source(%arg11 : memref<125x128xf32, #tpu.memory_space<vmem>>) target(%dma_start3A_105 : memref<10000x128xf32, #tpu.memory_space<vmem_shared>>) offsets(%dma_start3A_102 : memref<125xi32, #tpu.memory_space<vmem>>) semaphore(%run_scoped3A : memref<!tpu.dma_semaphore, #tpu.memory_space<semaphore_mem>>) {add = true}
            %dma_wait3A_106 = arith.constant 0 : i32
            %dma_wait3A_107 = tpu.memref_slice %arg10[%scan3A_46, %dma_wait3A_106] : memref<40x125xi32, #tpu.memory_space<vmem>> -> memref<1x125xi32, #tpu.memory_space<vmem>>
            %dma_wait3A_108 = tpu.memref_squeeze %dma_wait3A_107 : memref<1x125xi32, #tpu.memory_space<vmem>> -> memref<125xi32, #tpu.memory_space<vmem>>
            %dma_wait3A_109 = arith.constant 0 : i32
            %dma_wait3A_110 = arith.constant 0 : i32
            %dma_wait3A_111 = tpu.memref_slice %arg13[%dma_wait3A_109, %dma_wait3A_110] : memref<10000x128xf32, #tpu.memory_space<vmem_shared>> -> memref<10000x128xf32, #tpu.memory_space<vmem_shared>>
            tpu.wait_indirect_dma semaphore(%run_scoped3A : memref<!tpu.dma_semaphore, #tpu.memory_space<semaphore_mem>>) src(%arg11 : memref<125x128xf32, #tpu.memory_space<vmem>>) dst(%dma_wait3A_111 : memref<10000x128xf32, #tpu.memory_space<vmem_shared>>)
            tpu.yield
          }) : () -> ()
        } else {
        }
        %jit3A_62 = arith.constant 2 : i32
        %eq3A_63 = arith.constant 0 : i32
        %eq3A_64 = arith.cmpi eq, %jit3A_62, %eq3A_63 : i32
        %jit3A_65 = arith.constant 1 : i32
        %select_n3A_66 = arith.select %eq3A_64, %jit3A_65, %jit3A_62 : i32
        %rem3A_67 = arith.remsi %scan3A_46, %select_n3A_66 : i32
        %ne3A_68 = arith.constant 0 : i32
        %ne3A_69 = arith.cmpi ne, %rem3A_67, %ne3A_68 : i32
        %lt3A_70 = arith.constant 0 : i32
        %lt3A_71 = arith.cmpi slt, %rem3A_67, %lt3A_70 : i32
        %lt3A_72 = arith.constant 0 : i32
        %lt3A_73 = arith.cmpi slt, %select_n3A_66, %lt3A_72 : i32
        %ne3A_74 = arith.xori %lt3A_71, %lt3A_73 : i1
        %and3A_75 = arith.andi %ne3A_74, %ne3A_69 : i1
        %add3A_76 = arith.addi %rem3A_67, %select_n3A_66 : i32
        %select_n3A_77 = arith.select %and3A_75, %add3A_76, %rem3A_67 : i32
        %eq3A_78 = arith.constant 1 : i32
        %eq3A_79 = arith.cmpi eq, %select_n3A_77, %eq3A_78 : i32
        %convert_element_type3A_80 = arith.extui %eq3A_79 : i1 to i32
        %cond3A_81 = arith.constant 0 : i32
        %cond3A_82 = arith.cmpi ne, %convert_element_type3A_80, %cond3A_81 : i32
        scf.if %cond3A_82 {
          %add3A_83 = arith.constant 1 : i32
          %add3A_84 = arith.addi %scan3A_46, %add3A_83 : i32
          %lt3A_85 = arith.constant 40 : i32
          %lt3A_86 = arith.cmpi slt, %add3A_84, %lt3A_85 : i32
          %convert_element_type3A_87 = arith.extui %lt3A_86 : i1 to i32
          %cond3A_88 = arith.constant 0 : i32
          %cond3A_89 = arith.cmpi ne, %convert_element_type3A_87, %cond3A_88 : i32
          scf.if %cond3A_89 {
            %mul3A_100 = arith.constant 80 : i32
            %mul3A_101 = arith.muli %add3A, %mul3A_100 : i32
            %add3A_102 = arith.addi %mul3A_101, %add3A_49 : i32
            %add3A_103 = arith.constant 1 : i32
            %add3A_104 = arith.addi %add3A_102, %add3A_103 : i32
            %dma_start3A_105 = arith.constant 0 : i32
            %dma_start3A_106 = arith.constant 0 : i32
            %dma_start3A_107 = tpu.memref_slice %arg2[%add3A_104, %dma_start3A_105, %dma_start3A_106] : memref<2560x125x128xf32, #tpu.memory_space<hbm>> -> memref<1x125x128xf32, #tpu.memory_space<hbm>>
            %dma_start3A_108 = tpu.memref_squeeze %dma_start3A_107 : memref<1x125x128xf32, #tpu.memory_space<hbm>> -> memref<125x128xf32, #tpu.memory_space<hbm>>
            %dma_start3A_109 = arith.constant 0 : i32
            %dma_start3A_110 = arith.constant 0 : i32
            %dma_start3A_111 = tpu.memref_slice %arg2[%add3A_104, %dma_start3A_109, %dma_start3A_110] : memref<2560x125x128xf32, #tpu.memory_space<hbm>> -> memref<1x125x128xf32, #tpu.memory_space<hbm>>
            %dma_start3A_112 = tpu.memref_squeeze %dma_start3A_111 : memref<1x125x128xf32, #tpu.memory_space<hbm>> -> memref<125x128xf32, #tpu.memory_space<hbm>>
            tpu.enqueue_dma source(%dma_start3A_112 : memref<125x128xf32, #tpu.memory_space<hbm>>) target(%arg11 : memref<125x128xf32, #tpu.memory_space<vmem>>) target_semaphore(%arg14 : memref<!tpu.dma_semaphore, #tpu.memory_space<semaphore_mem>>)
          } else {
          }
          %mul3A_90 = arith.constant 80 : i32
          %mul3A_91 = arith.muli %add3A, %mul3A_90 : i32
          %add3A_92 = arith.addi %mul3A_91, %add3A_49 : i32
          %dma_wait3A = arith.constant 0 : i32
          %dma_wait3A_93 = arith.constant 0 : i32
          %dma_wait3A_94 = tpu.memref_slice %arg2[%add3A_92, %dma_wait3A, %dma_wait3A_93] : memref<2560x125x128xf32, #tpu.memory_space<hbm>> -> memref<1x125x128xf32, #tpu.memory_space<hbm>>
          %dma_wait3A_95 = tpu.memref_squeeze %dma_wait3A_94 : memref<1x125x128xf32, #tpu.memory_space<hbm>> -> memref<125x128xf32, #tpu.memory_space<hbm>>
          %dma_wait3A_96 = arith.constant 0 : i32
          %dma_wait3A_97 = arith.constant 0 : i32
          %dma_wait3A_98 = tpu.memref_slice %arg2[%add3A_92, %dma_wait3A_96, %dma_wait3A_97] : memref<2560x125x128xf32, #tpu.memory_space<hbm>> -> memref<1x125x128xf32, #tpu.memory_space<hbm>>
          %dma_wait3A_99 = tpu.memref_squeeze %dma_wait3A_98 : memref<1x125x128xf32, #tpu.memory_space<hbm>> -> memref<125x128xf32, #tpu.memory_space<hbm>>
          tpu.wait_dma2 semaphore(%arg15 : memref<!tpu.dma_semaphore, #tpu.memory_space<semaphore_mem>>) src(%dma_wait3A_99 : memref<125x128xf32, #tpu.memory_space<hbm>>) dst(%arg12 : memref<125x128xf32, #tpu.memory_space<vmem>>)
          "tpu.region"() ({
            %run_scoped3A = tpu.sem_alloc : memref<!tpu.dma_semaphore, #tpu.memory_space<semaphore_mem>>
            %dma_start3A_100 = arith.constant 0 : i32
            %dma_start3A_101 = tpu.memref_slice %arg10[%scan3A_46, %dma_start3A_100] : memref<40x125xi32, #tpu.memory_space<vmem>> -> memref<1x125xi32, #tpu.memory_space<vmem>>
            %dma_start3A_102 = tpu.memref_squeeze %dma_start3A_101 : memref<1x125xi32, #tpu.memory_space<vmem>> -> memref<125xi32, #tpu.memory_space<vmem>>
            %dma_start3A_103 = arith.constant 0 : i32
            %dma_start3A_104 = arith.constant 0 : i32
            %dma_start3A_105 = tpu.memref_slice %arg13[%dma_start3A_103, %dma_start3A_104] : memref<10000x128xf32, #tpu.memory_space<vmem_shared>> -> memref<10000x128xf32, #tpu.memory_space<vmem_shared>>
            tpu.enqueue_indirect_dma source(%arg12 : memref<125x128xf32, #tpu.memory_space<vmem>>) target(%dma_start3A_105 : memref<10000x128xf32, #tpu.memory_space<vmem_shared>>) offsets(%dma_start3A_102 : memref<125xi32, #tpu.memory_space<vmem>>) semaphore(%run_scoped3A : memref<!tpu.dma_semaphore, #tpu.memory_space<semaphore_mem>>) {add = true}
            %dma_wait3A_106 = arith.constant 0 : i32
            %dma_wait3A_107 = tpu.memref_slice %arg10[%scan3A_46, %dma_wait3A_106] : memref<40x125xi32, #tpu.memory_space<vmem>> -> memref<1x125xi32, #tpu.memory_space<vmem>>
            %dma_wait3A_108 = tpu.memref_squeeze %dma_wait3A_107 : memref<1x125xi32, #tpu.memory_space<vmem>> -> memref<125xi32, #tpu.memory_space<vmem>>
            %dma_wait3A_109 = arith.constant 0 : i32
            %dma_wait3A_110 = arith.constant 0 : i32
            %dma_wait3A_111 = tpu.memref_slice %arg13[%dma_wait3A_109, %dma_wait3A_110] : memref<10000x128xf32, #tpu.memory_space<vmem_shared>> -> memref<10000x128xf32, #tpu.memory_space<vmem_shared>>
            tpu.wait_indirect_dma semaphore(%run_scoped3A : memref<!tpu.dma_semaphore, #tpu.memory_space<semaphore_mem>>) src(%arg12 : memref<125x128xf32, #tpu.memory_space<vmem>>) dst(%dma_wait3A_111 : memref<10000x128xf32, #tpu.memory_space<vmem_shared>>)
            tpu.yield
          }) : () -> ()
        } else {
        }
      }
      %scan3A_45 = arith.constant 40 : i32
    }
    %scan3A_7 = arith.constant 2 : i32
    %barrier3A_8 = arith.constant 0 : index
    tpu.barrier barrier_id(%barrier3A_8)
    %mul3A_9 = arith.constant 624 : i32
    %mul3A_10 = arith.muli %arg1, %mul3A_9 : i32
    %mul3A_11 = arith.constant 624 : i32
    %mul3A_12 = arith.muli %arg1, %mul3A_11 : i32
    "tpu.region"() ({
      %run_scoped3A = tpu.sem_alloc : memref<!tpu.dma_semaphore, #tpu.memory_space<semaphore_mem>>
      %dma_start3A = arith.constant 0 : i32
      %dma_start3A_28 = arith.constant 0 : i32
      %dma_start3A_29 = tpu.memref_slice %arg7[%arg0, %dma_start3A, %dma_start3A_28] : memref<2x10000x128xf32, #tpu.memory_space<hbm>> -> memref<1x10000x128xf32, #tpu.memory_space<hbm>>
      %dma_start3A_30 = tpu.memref_squeeze %dma_start3A_29 : memref<1x10000x128xf32, #tpu.memory_space<hbm>> -> memref<10000x128xf32, #tpu.memory_space<hbm>>
      %dma_start3A_31 = arith.constant 0 : i32
      %dma_start3A_32 = tpu.memref_slice %dma_start3A_30[%mul3A_12, %dma_start3A_31] : memref<10000x128xf32, #tpu.memory_space<hbm>> -> memref<640x128xf32, #tpu.memory_space<hbm>>
      %dma_start3A_33 = arith.constant 0 : i32
      %dma_start3A_34 = tpu.memref_slice %arg13[%mul3A_10, %dma_start3A_33] : memref<10000x128xf32, #tpu.memory_space<vmem_shared>> -> memref<640x128xf32, #tpu.memory_space<vmem_shared>>
      tpu.enqueue_dma source(%dma_start3A_34 : memref<640x128xf32, #tpu.memory_space<vmem_shared>>) target(%dma_start3A_32 : memref<640x128xf32, #tpu.memory_space<hbm>>) target_semaphore(%run_scoped3A : memref<!tpu.dma_semaphore, #tpu.memory_space<semaphore_mem>>)
      %dma_wait3A = arith.constant 0 : i32
      %dma_wait3A_35 = arith.constant 0 : i32
      %dma_wait3A_36 = tpu.memref_slice %arg7[%arg0, %dma_wait3A, %dma_wait3A_35] : memref<2x10000x128xf32, #tpu.memory_space<hbm>> -> memref<1x10000x128xf32, #tpu.memory_space<hbm>>
      %dma_wait3A_37 = tpu.memref_squeeze %dma_wait3A_36 : memref<1x10000x128xf32, #tpu.memory_space<hbm>> -> memref<10000x128xf32, #tpu.memory_space<hbm>>
      %dma_wait3A_38 = arith.constant 0 : i32
      %dma_wait3A_39 = tpu.memref_slice %dma_wait3A_37[%mul3A_12, %dma_wait3A_38] : memref<10000x128xf32, #tpu.memory_space<hbm>> -> memref<640x128xf32, #tpu.memory_space<hbm>>
      %dma_wait3A_40 = arith.constant 0 : i32
      %dma_wait3A_41 = tpu.memref_slice %arg13[%mul3A_10, %dma_wait3A_40] : memref<10000x128xf32, #tpu.memory_space<vmem_shared>> -> memref<640x128xf32, #tpu.memory_space<vmem_shared>>
      tpu.wait_dma2 semaphore(%run_scoped3A : memref<!tpu.dma_semaphore, #tpu.memory_space<semaphore_mem>>) src(%dma_wait3A_41 : memref<640x128xf32, #tpu.memory_space<vmem_shared>>) dst(%dma_wait3A_39 : memref<640x128xf32, #tpu.memory_space<hbm>>)
      tpu.yield
    }) : () -> ()
    %barrier3A_13 = arith.constant 0 : index
    tpu.barrier barrier_id(%barrier3A_13)
    %mul3A_14 = arith.constant 624 : i32
    %mul3A_15 = arith.muli %arg1, %mul3A_14 : i32
    "tpu.region"() ({
      %run_scoped3A = tpu.sem_alloc : memref<!tpu.dma_semaphore, #tpu.memory_space<semaphore_mem>>
      %dma_start3A = arith.constant 0 : i32
      %dma_start3A_28 = tpu.memref_slice %arg13[%mul3A_15, %dma_start3A] : memref<10000x128xf32, #tpu.memory_space<vmem_shared>> -> memref<640x128xf32, #tpu.memory_space<vmem_shared>>
      tpu.enqueue_dma source(%arg6 : memref<640x128xf32, #tpu.memory_space<hbm>>) target(%dma_start3A_28 : memref<640x128xf32, #tpu.memory_space<vmem_shared>>) target_semaphore(%run_scoped3A : memref<!tpu.dma_semaphore, #tpu.memory_space<semaphore_mem>>)
      %dma_wait3A = arith.constant 0 : i32
      %dma_wait3A_29 = tpu.memref_slice %arg13[%mul3A_15, %dma_wait3A] : memref<10000x128xf32, #tpu.memory_space<vmem_shared>> -> memref<640x128xf32, #tpu.memory_space<vmem_shared>>
      tpu.wait_dma2 semaphore(%run_scoped3A : memref<!tpu.dma_semaphore, #tpu.memory_space<semaphore_mem>>) src(%arg6 : memref<640x128xf32, #tpu.memory_space<hbm>>) dst(%dma_wait3A_29 : memref<640x128xf32, #tpu.memory_space<vmem_shared>>)
      tpu.yield
    }) : () -> ()
    %barrier3A_16 = arith.constant 0 : index
    tpu.barrier barrier_id(%barrier3A_16)
    %scan3A_17 = arith.constant 0 : i32
    %scan3A_18 = arith.constant 0 : i32
    %scan3A_19 = arith.constant 2 : i32
    %scan3A_20 = arith.addi %scan3A_18, %scan3A_19 : i32
    %scan3A_21 = arith.constant 1 : i32
    scf.for %scan3A_28 = %scan3A_18 to %scan3A_20 step %scan3A_21  : i32 {
      "tpu.region"() ({
        %run_scoped3A = tpu.sem_alloc : memref<!tpu.dma_semaphore, #tpu.memory_space<semaphore_mem>>
        %dma_start3A_40 = arith.constant 0 : i32
        %dma_start3A_41 = arith.constant 0 : i32
        %dma_start3A_42 = tpu.memref_slice %arg4[%add3A, %scan3A_28, %dma_start3A_40, %dma_start3A_41] : memref<32x2x40x125xi32, #tpu.memory_space<hbm>> -> memref<1x1x40x125xi32, #tpu.memory_space<hbm>>
        %dma_start3A_43 = tpu.memref_squeeze %dma_start3A_42 : memref<1x1x40x125xi32, #tpu.memory_space<hbm>> -> memref<40x125xi32, #tpu.memory_space<hbm>>
        %dma_start3A_44 = arith.constant 0 : i32
        %dma_start3A_45 = arith.constant 0 : i32
        %dma_start3A_46 = tpu.memref_slice %arg4[%add3A, %scan3A_28, %dma_start3A_44, %dma_start3A_45] : memref<32x2x40x125xi32, #tpu.memory_space<hbm>> -> memref<1x1x40x125xi32, #tpu.memory_space<hbm>>
        %dma_start3A_47 = tpu.memref_squeeze %dma_start3A_46 : memref<1x1x40x125xi32, #tpu.memory_space<hbm>> -> memref<40x125xi32, #tpu.memory_space<hbm>>
        tpu.enqueue_dma source(%dma_start3A_47 : memref<40x125xi32, #tpu.memory_space<hbm>>) target(%arg9 : memref<40x125xi32, #tpu.memory_space<vmem>>) target_semaphore(%run_scoped3A : memref<!tpu.dma_semaphore, #tpu.memory_space<semaphore_mem>>)
        %dma_wait3A = arith.constant 0 : i32
        %dma_wait3A_48 = arith.constant 0 : i32
        %dma_wait3A_49 = tpu.memref_slice %arg4[%add3A, %scan3A_28, %dma_wait3A, %dma_wait3A_48] : memref<32x2x40x125xi32, #tpu.memory_space<hbm>> -> memref<1x1x40x125xi32, #tpu.memory_space<hbm>>
        %dma_wait3A_50 = tpu.memref_squeeze %dma_wait3A_49 : memref<1x1x40x125xi32, #tpu.memory_space<hbm>> -> memref<40x125xi32, #tpu.memory_space<hbm>>
        %dma_wait3A_51 = arith.constant 0 : i32
        %dma_wait3A_52 = arith.constant 0 : i32
        %dma_wait3A_53 = tpu.memref_slice %arg4[%add3A, %scan3A_28, %dma_wait3A_51, %dma_wait3A_52] : memref<32x2x40x125xi32, #tpu.memory_space<hbm>> -> memref<1x1x40x125xi32, #tpu.memory_space<hbm>>
        %dma_wait3A_54 = tpu.memref_squeeze %dma_wait3A_53 : memref<1x1x40x125xi32, #tpu.memory_space<hbm>> -> memref<40x125xi32, #tpu.memory_space<hbm>>
        tpu.wait_dma2 semaphore(%run_scoped3A : memref<!tpu.dma_semaphore, #tpu.memory_space<semaphore_mem>>) src(%dma_wait3A_54 : memref<40x125xi32, #tpu.memory_space<hbm>>) dst(%arg9 : memref<40x125xi32, #tpu.memory_space<vmem>>)
        tpu.yield
      }) : () -> ()
      "tpu.region"() ({
        %run_scoped3A = tpu.sem_alloc : memref<!tpu.dma_semaphore, #tpu.memory_space<semaphore_mem>>
        %dma_start3A_40 = arith.constant 0 : i32
        %dma_start3A_41 = arith.constant 0 : i32
        %dma_start3A_42 = tpu.memref_slice %arg5[%add3A, %scan3A_28, %dma_start3A_40, %dma_start3A_41] : memref<32x2x40x125xi32, #tpu.memory_space<hbm>> -> memref<1x1x40x125xi32, #tpu.memory_space<hbm>>
        %dma_start3A_43 = tpu.memref_squeeze %dma_start3A_42 : memref<1x1x40x125xi32, #tpu.memory_space<hbm>> -> memref<40x125xi32, #tpu.memory_space<hbm>>
        %dma_start3A_44 = arith.constant 0 : i32
        %dma_start3A_45 = arith.constant 0 : i32
        %dma_start3A_46 = tpu.memref_slice %arg5[%add3A, %scan3A_28, %dma_start3A_44, %dma_start3A_45] : memref<32x2x40x125xi32, #tpu.memory_space<hbm>> -> memref<1x1x40x125xi32, #tpu.memory_space<hbm>>
        %dma_start3A_47 = tpu.memref_squeeze %dma_start3A_46 : memref<1x1x40x125xi32, #tpu.memory_space<hbm>> -> memref<40x125xi32, #tpu.memory_space<hbm>>
        tpu.enqueue_dma source(%dma_start3A_47 : memref<40x125xi32, #tpu.memory_space<hbm>>) target(%arg10 : memref<40x125xi32, #tpu.memory_space<vmem>>) target_semaphore(%run_scoped3A : memref<!tpu.dma_semaphore, #tpu.memory_space<semaphore_mem>>)
        %dma_wait3A = arith.constant 0 : i32
        %dma_wait3A_48 = arith.constant 0 : i32
        %dma_wait3A_49 = tpu.memref_slice %arg5[%add3A, %scan3A_28, %dma_wait3A, %dma_wait3A_48] : memref<32x2x40x125xi32, #tpu.memory_space<hbm>> -> memref<1x1x40x125xi32, #tpu.memory_space<hbm>>
        %dma_wait3A_50 = tpu.memref_squeeze %dma_wait3A_49 : memref<1x1x40x125xi32, #tpu.memory_space<hbm>> -> memref<40x125xi32, #tpu.memory_space<hbm>>
        %dma_wait3A_51 = arith.constant 0 : i32
        %dma_wait3A_52 = arith.constant 0 : i32
        %dma_wait3A_53 = tpu.memref_slice %arg5[%add3A, %scan3A_28, %dma_wait3A_51, %dma_wait3A_52] : memref<32x2x40x125xi32, #tpu.memory_space<hbm>> -> memref<1x1x40x125xi32, #tpu.memory_space<hbm>>
        %dma_wait3A_54 = tpu.memref_squeeze %dma_wait3A_53 : memref<1x1x40x125xi32, #tpu.memory_space<hbm>> -> memref<40x125xi32, #tpu.memory_space<hbm>>
        tpu.wait_dma2 semaphore(%run_scoped3A : memref<!tpu.dma_semaphore, #tpu.memory_space<semaphore_mem>>) src(%dma_wait3A_54 : memref<40x125xi32, #tpu.memory_space<hbm>>) dst(%arg10 : memref<40x125xi32, #tpu.memory_space<vmem>>)
        tpu.yield
      }) : () -> ()
      %dma_start3A = arith.constant 0 : i32
      %dma_start3A_29 = arith.constant 0 : i32
      %dma_start3A_30 = tpu.memref_slice %arg9[%dma_start3A, %dma_start3A_29] : memref<40x125xi32, #tpu.memory_space<vmem>> -> memref<1x125xi32, #tpu.memory_space<vmem>>
      %dma_start3A_31 = tpu.memref_squeeze %dma_start3A_30 : memref<1x125xi32, #tpu.memory_space<vmem>> -> memref<125xi32, #tpu.memory_space<vmem>>
      %dma_start3A_32 = arith.constant 0 : i32
      %dma_start3A_33 = arith.constant 0 : i32
      %dma_start3A_34 = tpu.memref_slice %arg3[%dma_start3A_32, %dma_start3A_33] : memref<10000x128xf32, #tpu.memory_space<hbm>> -> memref<10000x128xf32, #tpu.memory_space<hbm>>
      tpu.enqueue_indirect_dma source(%dma_start3A_34 : memref<10000x128xf32, #tpu.memory_space<hbm>>) target(%arg11 : memref<125x128xf32, #tpu.memory_space<vmem>>) offsets(%dma_start3A_31 : memref<125xi32, #tpu.memory_space<vmem>>) semaphore(%arg14 : memref<!tpu.dma_semaphore, #tpu.memory_space<semaphore_mem>>)
      %scan3A_35 = arith.constant 0 : i32
      %scan3A_36 = arith.constant 40 : i32
      %scan3A_37 = arith.addi %scan3A_35, %scan3A_36 : i32
      %scan3A_38 = arith.constant 1 : i32
      scf.for %scan3A_40 = %scan3A_35 to %scan3A_37 step %scan3A_38  : i32 {
        %jit3A = arith.constant 2 : i32
        %eq3A = arith.constant 0 : i32
        %eq3A_41 = arith.cmpi eq, %jit3A, %eq3A : i32
        %jit3A_42 = arith.constant 1 : i32
        %select_n3A = arith.select %eq3A_41, %jit3A_42, %jit3A : i32
        %rem3A = arith.remsi %scan3A_40, %select_n3A : i32
        %ne3A = arith.constant 0 : i32
        %ne3A_43 = arith.cmpi ne, %rem3A, %ne3A : i32
        %lt3A = arith.constant 0 : i32
        %lt3A_44 = arith.cmpi slt, %rem3A, %lt3A : i32
        %lt3A_45 = arith.constant 0 : i32
        %lt3A_46 = arith.cmpi slt, %select_n3A, %lt3A_45 : i32
        %ne3A_47 = arith.xori %lt3A_44, %lt3A_46 : i1
        %and3A = arith.andi %ne3A_47, %ne3A_43 : i1
        %add3A_48 = arith.addi %rem3A, %select_n3A : i32
        %select_n3A_49 = arith.select %and3A, %add3A_48, %rem3A : i32
        %eq3A_50 = arith.constant 0 : i32
        %eq3A_51 = arith.cmpi eq, %select_n3A_49, %eq3A_50 : i32
        %convert_element_type3A = arith.extui %eq3A_51 : i1 to i32
        %cond3A = arith.constant 0 : i32
        %cond3A_52 = arith.cmpi ne, %convert_element_type3A, %cond3A : i32
        scf.if %cond3A_52 {
          %add3A_74 = arith.constant 1 : i32
          %add3A_75 = arith.addi %scan3A_40, %add3A_74 : i32
          %lt3A_76 = arith.constant 40 : i32
          %lt3A_77 = arith.cmpi slt, %add3A_75, %lt3A_76 : i32
          %convert_element_type3A_78 = arith.extui %lt3A_77 : i1 to i32
          %cond3A_79 = arith.constant 0 : i32
          %cond3A_80 = arith.cmpi ne, %convert_element_type3A_78, %cond3A_79 : i32
          scf.if %cond3A_80 {
            %add3A_86 = arith.constant 1 : i32
            %add3A_87 = arith.addi %scan3A_40, %add3A_86 : i32
            %dma_start3A_88 = arith.constant 0 : i32
            %dma_start3A_89 = tpu.memref_slice %arg9[%add3A_87, %dma_start3A_88] : memref<40x125xi32, #tpu.memory_space<vmem>> -> memref<1x125xi32, #tpu.memory_space<vmem>>
            %dma_start3A_90 = tpu.memref_squeeze %dma_start3A_89 : memref<1x125xi32, #tpu.memory_space<vmem>> -> memref<125xi32, #tpu.memory_space<vmem>>
            %dma_start3A_91 = arith.constant 0 : i32
            %dma_start3A_92 = arith.constant 0 : i32
            %dma_start3A_93 = tpu.memref_slice %arg3[%dma_start3A_91, %dma_start3A_92] : memref<10000x128xf32, #tpu.memory_space<hbm>> -> memref<10000x128xf32, #tpu.memory_space<hbm>>
            tpu.enqueue_indirect_dma source(%dma_start3A_93 : memref<10000x128xf32, #tpu.memory_space<hbm>>) target(%arg12 : memref<125x128xf32, #tpu.memory_space<vmem>>) offsets(%dma_start3A_90 : memref<125xi32, #tpu.memory_space<vmem>>) semaphore(%arg15 : memref<!tpu.dma_semaphore, #tpu.memory_space<semaphore_mem>>)
          } else {
          }
          %dma_wait3A = arith.constant 0 : i32
          %dma_wait3A_81 = tpu.memref_slice %arg9[%scan3A_40, %dma_wait3A] : memref<40x125xi32, #tpu.memory_space<vmem>> -> memref<1x125xi32, #tpu.memory_space<vmem>>
          %dma_wait3A_82 = tpu.memref_squeeze %dma_wait3A_81 : memref<1x125xi32, #tpu.memory_space<vmem>> -> memref<125xi32, #tpu.memory_space<vmem>>
          %dma_wait3A_83 = arith.constant 0 : i32
          %dma_wait3A_84 = arith.constant 0 : i32
          %dma_wait3A_85 = tpu.memref_slice %arg3[%dma_wait3A_83, %dma_wait3A_84] : memref<10000x128xf32, #tpu.memory_space<hbm>> -> memref<10000x128xf32, #tpu.memory_space<hbm>>
          tpu.wait_indirect_dma semaphore(%arg14 : memref<!tpu.dma_semaphore, #tpu.memory_space<semaphore_mem>>) src(%dma_wait3A_85 : memref<10000x128xf32, #tpu.memory_space<hbm>>) dst(%arg11 : memref<125x128xf32, #tpu.memory_space<vmem>>)
          "tpu.region"() ({
            %run_scoped3A = tpu.sem_alloc : memref<!tpu.dma_semaphore, #tpu.memory_space<semaphore_mem>>
            %dma_start3A_86 = arith.constant 0 : i32
            %dma_start3A_87 = tpu.memref_slice %arg10[%scan3A_40, %dma_start3A_86] : memref<40x125xi32, #tpu.memory_space<vmem>> -> memref<1x125xi32, #tpu.memory_space<vmem>>
            %dma_start3A_88 = tpu.memref_squeeze %dma_start3A_87 : memref<1x125xi32, #tpu.memory_space<vmem>> -> memref<125xi32, #tpu.memory_space<vmem>>
            %dma_start3A_89 = arith.constant 0 : i32
            %dma_start3A_90 = arith.constant 0 : i32
            %dma_start3A_91 = tpu.memref_slice %arg13[%dma_start3A_89, %dma_start3A_90] : memref<10000x128xf32, #tpu.memory_space<vmem_shared>> -> memref<10000x128xf32, #tpu.memory_space<vmem_shared>>
            tpu.enqueue_indirect_dma source(%arg11 : memref<125x128xf32, #tpu.memory_space<vmem>>) target(%dma_start3A_91 : memref<10000x128xf32, #tpu.memory_space<vmem_shared>>) offsets(%dma_start3A_88 : memref<125xi32, #tpu.memory_space<vmem>>) semaphore(%run_scoped3A : memref<!tpu.dma_semaphore, #tpu.memory_space<semaphore_mem>>) {add = true}
            %dma_wait3A_92 = arith.constant 0 : i32
            %dma_wait3A_93 = tpu.memref_slice %arg10[%scan3A_40, %dma_wait3A_92] : memref<40x125xi32, #tpu.memory_space<vmem>> -> memref<1x125xi32, #tpu.memory_space<vmem>>
            %dma_wait3A_94 = tpu.memref_squeeze %dma_wait3A_93 : memref<1x125xi32, #tpu.memory_space<vmem>> -> memref<125xi32, #tpu.memory_space<vmem>>
            %dma_wait3A_95 = arith.constant 0 : i32
            %dma_wait3A_96 = arith.constant 0 : i32
            %dma_wait3A_97 = tpu.memref_slice %arg13[%dma_wait3A_95, %dma_wait3A_96] : memref<10000x128xf32, #tpu.memory_space<vmem_shared>> -> memref<10000x128xf32, #tpu.memory_space<vmem_shared>>
            tpu.wait_indirect_dma semaphore(%run_scoped3A : memref<!tpu.dma_semaphore, #tpu.memory_space<semaphore_mem>>) src(%arg11 : memref<125x128xf32, #tpu.memory_space<vmem>>) dst(%dma_wait3A_97 : memref<10000x128xf32, #tpu.memory_space<vmem_shared>>)
            tpu.yield
          }) : () -> ()
        } else {
        }
        %jit3A_53 = arith.constant 2 : i32
        %eq3A_54 = arith.constant 0 : i32
        %eq3A_55 = arith.cmpi eq, %jit3A_53, %eq3A_54 : i32
        %jit3A_56 = arith.constant 1 : i32
        %select_n3A_57 = arith.select %eq3A_55, %jit3A_56, %jit3A_53 : i32
        %rem3A_58 = arith.remsi %scan3A_40, %select_n3A_57 : i32
        %ne3A_59 = arith.constant 0 : i32
        %ne3A_60 = arith.cmpi ne, %rem3A_58, %ne3A_59 : i32
        %lt3A_61 = arith.constant 0 : i32
        %lt3A_62 = arith.cmpi slt, %rem3A_58, %lt3A_61 : i32
        %lt3A_63 = arith.constant 0 : i32
        %lt3A_64 = arith.cmpi slt, %select_n3A_57, %lt3A_63 : i32
        %ne3A_65 = arith.xori %lt3A_62, %lt3A_64 : i1
        %and3A_66 = arith.andi %ne3A_65, %ne3A_60 : i1
        %add3A_67 = arith.addi %rem3A_58, %select_n3A_57 : i32
        %select_n3A_68 = arith.select %and3A_66, %add3A_67, %rem3A_58 : i32
        %eq3A_69 = arith.constant 1 : i32
        %eq3A_70 = arith.cmpi eq, %select_n3A_68, %eq3A_69 : i32
        %convert_element_type3A_71 = arith.extui %eq3A_70 : i1 to i32
        %cond3A_72 = arith.constant 0 : i32
        %cond3A_73 = arith.cmpi ne, %convert_element_type3A_71, %cond3A_72 : i32
        scf.if %cond3A_73 {
          %add3A_74 = arith.constant 1 : i32
          %add3A_75 = arith.addi %scan3A_40, %add3A_74 : i32
          %lt3A_76 = arith.constant 40 : i32
          %lt3A_77 = arith.cmpi slt, %add3A_75, %lt3A_76 : i32
          %convert_element_type3A_78 = arith.extui %lt3A_77 : i1 to i32
          %cond3A_79 = arith.constant 0 : i32
          %cond3A_80 = arith.cmpi ne, %convert_element_type3A_78, %cond3A_79 : i32
          scf.if %cond3A_80 {
            %add3A_86 = arith.constant 1 : i32
            %add3A_87 = arith.addi %scan3A_40, %add3A_86 : i32
            %dma_start3A_88 = arith.constant 0 : i32
            %dma_start3A_89 = tpu.memref_slice %arg9[%add3A_87, %dma_start3A_88] : memref<40x125xi32, #tpu.memory_space<vmem>> -> memref<1x125xi32, #tpu.memory_space<vmem>>
            %dma_start3A_90 = tpu.memref_squeeze %dma_start3A_89 : memref<1x125xi32, #tpu.memory_space<vmem>> -> memref<125xi32, #tpu.memory_space<vmem>>
            %dma_start3A_91 = arith.constant 0 : i32
            %dma_start3A_92 = arith.constant 0 : i32
            %dma_start3A_93 = tpu.memref_slice %arg3[%dma_start3A_91, %dma_start3A_92] : memref<10000x128xf32, #tpu.memory_space<hbm>> -> memref<10000x128xf32, #tpu.memory_space<hbm>>
            tpu.enqueue_indirect_dma source(%dma_start3A_93 : memref<10000x128xf32, #tpu.memory_space<hbm>>) target(%arg11 : memref<125x128xf32, #tpu.memory_space<vmem>>) offsets(%dma_start3A_90 : memref<125xi32, #tpu.memory_space<vmem>>) semaphore(%arg14 : memref<!tpu.dma_semaphore, #tpu.memory_space<semaphore_mem>>)
          } else {
          }
          %dma_wait3A = arith.constant 0 : i32
          %dma_wait3A_81 = tpu.memref_slice %arg9[%scan3A_40, %dma_wait3A] : memref<40x125xi32, #tpu.memory_space<vmem>> -> memref<1x125xi32, #tpu.memory_space<vmem>>
          %dma_wait3A_82 = tpu.memref_squeeze %dma_wait3A_81 : memref<1x125xi32, #tpu.memory_space<vmem>> -> memref<125xi32, #tpu.memory_space<vmem>>
          %dma_wait3A_83 = arith.constant 0 : i32
          %dma_wait3A_84 = arith.constant 0 : i32
          %dma_wait3A_85 = tpu.memref_slice %arg3[%dma_wait3A_83, %dma_wait3A_84] : memref<10000x128xf32, #tpu.memory_space<hbm>> -> memref<10000x128xf32, #tpu.memory_space<hbm>>
          tpu.wait_indirect_dma semaphore(%arg15 : memref<!tpu.dma_semaphore, #tpu.memory_space<semaphore_mem>>) src(%dma_wait3A_85 : memref<10000x128xf32, #tpu.memory_space<hbm>>) dst(%arg12 : memref<125x128xf32, #tpu.memory_space<vmem>>)
          "tpu.region"() ({
            %run_scoped3A = tpu.sem_alloc : memref<!tpu.dma_semaphore, #tpu.memory_space<semaphore_mem>>
            %dma_start3A_86 = arith.constant 0 : i32
            %dma_start3A_87 = tpu.memref_slice %arg10[%scan3A_40, %dma_start3A_86] : memref<40x125xi32, #tpu.memory_space<vmem>> -> memref<1x125xi32, #tpu.memory_space<vmem>>
            %dma_start3A_88 = tpu.memref_squeeze %dma_start3A_87 : memref<1x125xi32, #tpu.memory_space<vmem>> -> memref<125xi32, #tpu.memory_space<vmem>>
            %dma_start3A_89 = arith.constant 0 : i32
            %dma_start3A_90 = arith.constant 0 : i32
            %dma_start3A_91 = tpu.memref_slice %arg13[%dma_start3A_89, %dma_start3A_90] : memref<10000x128xf32, #tpu.memory_space<vmem_shared>> -> memref<10000x128xf32, #tpu.memory_space<vmem_shared>>
            tpu.enqueue_indirect_dma source(%arg12 : memref<125x128xf32, #tpu.memory_space<vmem>>) target(%dma_start3A_91 : memref<10000x128xf32, #tpu.memory_space<vmem_shared>>) offsets(%dma_start3A_88 : memref<125xi32, #tpu.memory_space<vmem>>) semaphore(%run_scoped3A : memref<!tpu.dma_semaphore, #tpu.memory_space<semaphore_mem>>) {add = true}
            %dma_wait3A_92 = arith.constant 0 : i32
            %dma_wait3A_93 = tpu.memref_slice %arg10[%scan3A_40, %dma_wait3A_92] : memref<40x125xi32, #tpu.memory_space<vmem>> -> memref<1x125xi32, #tpu.memory_space<vmem>>
            %dma_wait3A_94 = tpu.memref_squeeze %dma_wait3A_93 : memref<1x125xi32, #tpu.memory_space<vmem>> -> memref<125xi32, #tpu.memory_space<vmem>>
            %dma_wait3A_95 = arith.constant 0 : i32
            %dma_wait3A_96 = arith.constant 0 : i32
            %dma_wait3A_97 = tpu.memref_slice %arg13[%dma_wait3A_95, %dma_wait3A_96] : memref<10000x128xf32, #tpu.memory_space<vmem_shared>> -> memref<10000x128xf32, #tpu.memory_space<vmem_shared>>
            tpu.wait_indirect_dma semaphore(%run_scoped3A : memref<!tpu.dma_semaphore, #tpu.memory_space<semaphore_mem>>) src(%arg12 : memref<125x128xf32, #tpu.memory_space<vmem>>) dst(%dma_wait3A_97 : memref<10000x128xf32, #tpu.memory_space<vmem_shared>>)
            tpu.yield
          }) : () -> ()
        } else {
        }
      }
      %scan3A_39 = arith.constant 40 : i32
    }
    %scan3A_22 = arith.constant 2 : i32
    %barrier3A_23 = arith.constant 0 : index
    tpu.barrier barrier_id(%barrier3A_23)
    %mul3A_24 = arith.constant 624 : i32
    %mul3A_25 = arith.muli %arg1, %mul3A_24 : i32
    %mul3A_26 = arith.constant 624 : i32
    %mul3A_27 = arith.muli %arg1, %mul3A_26 : i32
    "tpu.region"() ({
      %run_scoped3A = tpu.sem_alloc : memref<!tpu.dma_semaphore, #tpu.memory_space<semaphore_mem>>
      %dma_start3A = arith.constant 0 : i32
      %dma_start3A_28 = arith.constant 0 : i32
      %dma_start3A_29 = tpu.memref_slice %arg8[%arg0, %dma_start3A, %dma_start3A_28] : memref<2x10000x128xf32, #tpu.memory_space<hbm>> -> memref<1x10000x128xf32, #tpu.memory_space<hbm>>
      %dma_start3A_30 = tpu.memref_squeeze %dma_start3A_29 : memref<1x10000x128xf32, #tpu.memory_space<hbm>> -> memref<10000x128xf32, #tpu.memory_space<hbm>>
      %dma_start3A_31 = arith.constant 0 : i32
      %dma_start3A_32 = tpu.memref_slice %dma_start3A_30[%mul3A_27, %dma_start3A_31] : memref<10000x128xf32, #tpu.memory_space<hbm>> -> memref<640x128xf32, #tpu.memory_space<hbm>>
      %dma_start3A_33 = arith.constant 0 : i32
      %dma_start3A_34 = tpu.memref_slice %arg13[%mul3A_25, %dma_start3A_33] : memref<10000x128xf32, #tpu.memory_space<vmem_shared>> -> memref<640x128xf32, #tpu.memory_space<vmem_shared>>
      tpu.enqueue_dma source(%dma_start3A_34 : memref<640x128xf32, #tpu.memory_space<vmem_shared>>) target(%dma_start3A_32 : memref<640x128xf32, #tpu.memory_space<hbm>>) target_semaphore(%run_scoped3A : memref<!tpu.dma_semaphore, #tpu.memory_space<semaphore_mem>>)
      %dma_wait3A = arith.constant 0 : i32
      %dma_wait3A_35 = arith.constant 0 : i32
      %dma_wait3A_36 = tpu.memref_slice %arg8[%arg0, %dma_wait3A, %dma_wait3A_35] : memref<2x10000x128xf32, #tpu.memory_space<hbm>> -> memref<1x10000x128xf32, #tpu.memory_space<hbm>>
      %dma_wait3A_37 = tpu.memref_squeeze %dma_wait3A_36 : memref<1x10000x128xf32, #tpu.memory_space<hbm>> -> memref<10000x128xf32, #tpu.memory_space<hbm>>
      %dma_wait3A_38 = arith.constant 0 : i32
      %dma_wait3A_39 = tpu.memref_slice %dma_wait3A_37[%mul3A_27, %dma_wait3A_38] : memref<10000x128xf32, #tpu.memory_space<hbm>> -> memref<640x128xf32, #tpu.memory_space<hbm>>
      %dma_wait3A_40 = arith.constant 0 : i32
      %dma_wait3A_41 = tpu.memref_slice %arg13[%mul3A_25, %dma_wait3A_40] : memref<10000x128xf32, #tpu.memory_space<vmem_shared>> -> memref<640x128xf32, #tpu.memory_space<vmem_shared>>
      tpu.wait_dma2 semaphore(%run_scoped3A : memref<!tpu.dma_semaphore, #tpu.memory_space<semaphore_mem>>) src(%dma_wait3A_41 : memref<640x128xf32, #tpu.memory_space<vmem_shared>>) dst(%dma_wait3A_39 : memref<640x128xf32, #tpu.memory_space<hbm>>)
      tpu.yield
    }) : () -> ()
    return
  }
}

module attributes {stable_mosaic.version = 14 : i64} {
  func.func @_tc_prep_body(%arg0: memref<128x128xf32, #tpu.memory_space<vmem>>, %arg1: memref<1x128xf32, #tpu.memory_space<vmem>>, %arg2: memref<128x128xf32, #tpu.memory_space<vmem>>, %arg3: memref<1x128xf32, #tpu.memory_space<vmem>>, %arg4: memref<16x128xf32, #tpu.memory_space<vmem>>, %arg5: memref<1x128xf32, #tpu.memory_space<vmem>>, %arg6: memref<128x128xf32, #tpu.memory_space<vmem>>, %arg7: memref<1x128xf32, #tpu.memory_space<vmem>>, %arg8: memref<384x128xf32, #tpu.memory_space<vmem>>, %arg9: memref<1x128xf32, #tpu.memory_space<vmem>>, %arg10: memref<128x128xf32, #tpu.memory_space<vmem>>, %arg11: memref<1x128xf32, #tpu.memory_space<vmem>>, %arg12: memref<256x128xf32, #tpu.memory_space<vmem>>, %arg13: memref<1x128xf32, #tpu.memory_space<vmem>>, %arg14: memref<128x128xf32, #tpu.memory_space<vmem>>, %arg15: memref<1x128xf32, #tpu.memory_space<vmem>>, %arg16: memref<384x128xf32, #tpu.memory_space<vmem>>, %arg17: memref<1x128xf32, #tpu.memory_space<vmem>>, %arg18: memref<128x128xf32, #tpu.memory_space<vmem>>, %arg19: memref<1x128xf32, #tpu.memory_space<vmem>>, %arg20: memref<256x128xf32, #tpu.memory_space<vmem>>, %arg21: memref<1x128xf32, #tpu.memory_space<vmem>>, %arg22: memref<128x128xf32, #tpu.memory_space<vmem>>, %arg23: memref<1x128xf32, #tpu.memory_space<vmem>>, %arg24: memref<128x128xf32, #tpu.memory_space<vmem>>, %arg25: memref<1x128xf32, #tpu.memory_space<vmem>>, %arg26: memref<128x128xf32, #tpu.memory_space<vmem>>, %arg27: memref<1x128xf32, #tpu.memory_space<vmem>>, %arg28: memref<128x128xf32, #tpu.memory_space<vmem>>, %arg29: memref<1x128xf32, #tpu.memory_space<vmem>>, %arg30: memref<16x128xf32, #tpu.memory_space<vmem>>, %arg31: memref<1x128xf32, #tpu.memory_space<vmem>>, %arg32: memref<128x128xf32, #tpu.memory_space<vmem>>, %arg33: memref<128x128xf32, #tpu.memory_space<vmem>>, %arg34: memref<128x128xf32, #tpu.memory_space<vmem>>, %arg35: memref<1x128xf32, #tpu.memory_space<vmem>>, %arg36: memref<128x128xf32, #tpu.memory_space<vmem>>, %arg37: memref<128x128xf32, #tpu.memory_space<vmem>>, %arg38: memref<1x128xf32, #tpu.memory_space<vmem>>, %arg39: memref<128x128xf32, #tpu.memory_space<vmem>>, %arg40: memref<128x128xf32, #tpu.memory_space<vmem>>, %arg41: memref<128x128xf32, #tpu.memory_space<vmem>>, %arg42: memref<1x128xf32, #tpu.memory_space<vmem>>, %arg43: memref<128x128xf32, #tpu.memory_space<vmem>>, %arg44: memref<128x128xf32, #tpu.memory_space<vmem>>, %arg45: memref<1x128xf32, #tpu.memory_space<vmem>>, %arg46: memref<128x128xf32, #tpu.memory_space<vmem>>, %arg47: memref<1x128xf32, #tpu.memory_space<vmem>>) attributes {dimension_semantics = [], scalar_prefetch = 0 : i64, scratch_operands = 0 : i64, tpu.core_type = #tpu.core_type<tc>} {
    %iota3A = tpu.iota {dimensions = array<i32: 0>} : vector<128x128xi32>
    %iota3A_0 = tpu.iota {dimensions = array<i32: 1>} : vector<128x128xi32>
    %add3A = arith.constant 0 : i32
    %add3A_1 = vector.broadcast %add3A : i32 to vector<128x128xi32>
    %add3A_2 = arith.addi %iota3A, %add3A_1 : vector<128x128xi32>
    %eq3A = arith.cmpi eq, %add3A_2, %iota3A_0 : vector<128x128xi32>
    %convert_element_type3A = arith.extui %eq3A : vector<128x128xi1> to vector<128x128xi32>
    %convert_element_type3A_3 = arith.sitofp %convert_element_type3A : vector<128x128xi32> to vector<128x128xf32>
    %get3A = arith.constant 0 : index
    %get3A_4 = arith.constant 0 : index
    %get3A_5 = vector.load %arg0[%get3A, %get3A_4] : memref<128x128xf32, #tpu.memory_space<vmem>>, vector<128x128xf32>
    %get3A_6 = arith.constant 0 : index
    %get3A_7 = arith.constant 0 : index
    %get3A_8 = vector.load %arg2[%get3A_6, %get3A_7] : memref<128x128xf32, #tpu.memory_space<vmem>>, vector<128x128xf32>
    %dot_general3A = arith.constant dense<0.000000e+00> : vector<128x128xf32>
    %dot_general3A_9 = tpu.matmul %get3A_5, %get3A_8, %dot_general3A {dimension_numbers = #tpu.dot_dimension_numbers<[1], [0], [0], [1], [0, 0, 1, 1], [], []>, precision = #tpu.contract_precision<fp32>, transpose_lhs_hint = false} : vector<128x128xf32>, vector<128x128xf32>, vector<128x128xf32> -> vector<128x128xf32>
    %swap3A = arith.constant 0 : index
    %swap3A_10 = arith.constant 0 : index
    %swap3A_11 = vector.load %arg28[%swap3A, %swap3A_10] : memref<128x128xf32, #tpu.memory_space<vmem>>, vector<128x128xf32>
    tpu.vector_store %arg28[%swap3A, %swap3A_10], %dot_general3A_9 {strides = array<i32>} : memref<128x128xf32, #tpu.memory_space<vmem>>, vector<128x128xf32>,
    %get3A_12 = arith.constant 0 : index
    %get3A_13 = arith.constant 0 : index
    %get3A_14 = vector.load %arg1[%get3A_12, %get3A_13] : memref<1x128xf32, #tpu.memory_space<vmem>>, vector<1x128xf32>
    %get3A_15 = arith.constant 0 : index
    %get3A_16 = arith.constant 0 : index
    %get3A_17 = vector.load %arg2[%get3A_15, %get3A_16] : memref<128x128xf32, #tpu.memory_space<vmem>>, vector<128x128xf32>
    %dot_general3A_18 = arith.constant dense<0.000000e+00> : vector<1x128xf32>
    %dot_general3A_19 = tpu.matmul %get3A_14, %get3A_17, %dot_general3A_18 {dimension_numbers = #tpu.dot_dimension_numbers<[1], [0], [0], [1], [0, 0, 1, 1], [], []>, precision = #tpu.contract_precision<fp32>, transpose_lhs_hint = false} : vector<1x128xf32>, vector<128x128xf32>, vector<1x128xf32> -> vector<1x128xf32>
    %get3A_20 = arith.constant 0 : index
    %get3A_21 = arith.constant 0 : index
    %get3A_22 = vector.load %arg3[%get3A_20, %get3A_21] : memref<1x128xf32, #tpu.memory_space<vmem>>, vector<1x128xf32>
    %add3A_23 = arith.addf %dot_general3A_19, %get3A_22 : vector<1x128xf32>
    %swap3A_24 = arith.constant 0 : index
    %swap3A_25 = arith.constant 0 : index
    %swap3A_26 = vector.load %arg29[%swap3A_24, %swap3A_25] : memref<1x128xf32, #tpu.memory_space<vmem>>, vector<1x128xf32>
    tpu.vector_store %arg29[%swap3A_24, %swap3A_25], %add3A_23 {strides = array<i32>} : memref<1x128xf32, #tpu.memory_space<vmem>>, vector<1x128xf32>,
    %get3A_27 = arith.constant 0 : index
    %get3A_28 = arith.constant 0 : index
    %get3A_29 = vector.load %arg4[%get3A_27, %get3A_28] : memref<16x128xf32, #tpu.memory_space<vmem>>, vector<16x128xf32>
    %get3A_30 = arith.constant 0 : index
    %get3A_31 = arith.constant 0 : index
    %get3A_32 = vector.load %arg6[%get3A_30, %get3A_31] : memref<128x128xf32, #tpu.memory_space<vmem>>, vector<128x128xf32>
    %dot_general3A_33 = arith.constant dense<0.000000e+00> : vector<16x128xf32>
    %dot_general3A_34 = tpu.matmul %get3A_29, %get3A_32, %dot_general3A_33 {dimension_numbers = #tpu.dot_dimension_numbers<[1], [0], [0], [1], [0, 0, 1, 1], [], []>, precision = #tpu.contract_precision<fp32>, transpose_lhs_hint = false} : vector<16x128xf32>, vector<128x128xf32>, vector<16x128xf32> -> vector<16x128xf32>
    %swap3A_35 = arith.constant 0 : index
    %swap3A_36 = arith.constant 0 : index
    %swap3A_37 = vector.load %arg30[%swap3A_35, %swap3A_36] : memref<16x128xf32, #tpu.memory_space<vmem>>, vector<16x128xf32>
    tpu.vector_store %arg30[%swap3A_35, %swap3A_36], %dot_general3A_34 {strides = array<i32>} : memref<16x128xf32, #tpu.memory_space<vmem>>, vector<16x128xf32>,
    %get3A_38 = arith.constant 0 : index
    %get3A_39 = arith.constant 0 : index
    %get3A_40 = vector.load %arg5[%get3A_38, %get3A_39] : memref<1x128xf32, #tpu.memory_space<vmem>>, vector<1x128xf32>
    %get3A_41 = arith.constant 0 : index
    %get3A_42 = arith.constant 0 : index
    %get3A_43 = vector.load %arg6[%get3A_41, %get3A_42] : memref<128x128xf32, #tpu.memory_space<vmem>>, vector<128x128xf32>
    %dot_general3A_44 = arith.constant dense<0.000000e+00> : vector<1x128xf32>
    %dot_general3A_45 = tpu.matmul %get3A_40, %get3A_43, %dot_general3A_44 {dimension_numbers = #tpu.dot_dimension_numbers<[1], [0], [0], [1], [0, 0, 1, 1], [], []>, precision = #tpu.contract_precision<fp32>, transpose_lhs_hint = false} : vector<1x128xf32>, vector<128x128xf32>, vector<1x128xf32> -> vector<1x128xf32>
    %get3A_46 = arith.constant 0 : index
    %get3A_47 = arith.constant 0 : index
    %get3A_48 = vector.load %arg7[%get3A_46, %get3A_47] : memref<1x128xf32, #tpu.memory_space<vmem>>, vector<1x128xf32>
    %add3A_49 = arith.addf %dot_general3A_45, %get3A_48 : vector<1x128xf32>
    %swap3A_50 = arith.constant 0 : index
    %swap3A_51 = arith.constant 0 : index
    %swap3A_52 = vector.load %arg31[%swap3A_50, %swap3A_51] : memref<1x128xf32, #tpu.memory_space<vmem>>, vector<1x128xf32>
    tpu.vector_store %arg31[%swap3A_50, %swap3A_51], %add3A_49 {strides = array<i32>} : memref<1x128xf32, #tpu.memory_space<vmem>>, vector<1x128xf32>,
    %get3A_53 = arith.constant 0 : index
    %get3A_54 = arith.constant 0 : index
    %get3A_55 = vector.load %arg8[%get3A_53, %get3A_54] : memref<384x128xf32, #tpu.memory_space<vmem>>, vector<384x128xf32>
    %get3A_56 = arith.constant 0 : index
    %get3A_57 = arith.constant 0 : index
    %get3A_58 = vector.load %arg10[%get3A_56, %get3A_57] : memref<128x128xf32, #tpu.memory_space<vmem>>, vector<128x128xf32>
    %slice3A = vector.extract_strided_slice %get3A_55 {offsets = [0, 0], sizes = [128, 128], strides = [1, 1]} : vector<384x128xf32> to vector<128x128xf32>
    %dot_general3A_59 = arith.constant dense<0.000000e+00> : vector<128x128xf32>
    %dot_general3A_60 = tpu.matmul %slice3A, %get3A_58, %dot_general3A_59 {dimension_numbers = #tpu.dot_dimension_numbers<[1], [0], [0], [1], [0, 0, 1, 1], [], []>, precision = #tpu.contract_precision<fp32>, transpose_lhs_hint = false} : vector<128x128xf32>, vector<128x128xf32>, vector<128x128xf32> -> vector<128x128xf32>
    %add3A_61 = arith.addf %convert_element_type3A_3, %dot_general3A_60 : vector<128x128xf32>
    %swap3A_62 = arith.constant 0 : index
    %swap3A_63 = arith.constant 0 : index
    %swap3A_64 = vector.load %arg32[%swap3A_62, %swap3A_63] : memref<128x128xf32, #tpu.memory_space<vmem>>, vector<128x128xf32>
    tpu.vector_store %arg32[%swap3A_62, %swap3A_63], %add3A_61 {strides = array<i32>} : memref<128x128xf32, #tpu.memory_space<vmem>>, vector<128x128xf32>,
    %slice3A_65 = vector.extract_strided_slice %get3A_55 {offsets = [128, 0], sizes = [128, 128], strides = [1, 1]} : vector<384x128xf32> to vector<128x128xf32>
    %dot_general3A_66 = arith.constant dense<0.000000e+00> : vector<128x128xf32>
    %dot_general3A_67 = tpu.matmul %slice3A_65, %get3A_58, %dot_general3A_66 {dimension_numbers = #tpu.dot_dimension_numbers<[1], [0], [0], [1], [0, 0, 1, 1], [], []>, precision = #tpu.contract_precision<fp32>, transpose_lhs_hint = false} : vector<128x128xf32>, vector<128x128xf32>, vector<128x128xf32> -> vector<128x128xf32>
    %swap3A_68 = arith.constant 0 : index
    %swap3A_69 = arith.constant 0 : index
    %swap3A_70 = vector.load %arg33[%swap3A_68, %swap3A_69] : memref<128x128xf32, #tpu.memory_space<vmem>>, vector<128x128xf32>
    tpu.vector_store %arg33[%swap3A_68, %swap3A_69], %dot_general3A_67 {strides = array<i32>} : memref<128x128xf32, #tpu.memory_space<vmem>>, vector<128x128xf32>,
    %slice3A_71 = vector.extract_strided_slice %get3A_55 {offsets = [256, 0], sizes = [128, 128], strides = [1, 1]} : vector<384x128xf32> to vector<128x128xf32>
    %dot_general3A_72 = arith.constant dense<0.000000e+00> : vector<128x128xf32>
    %dot_general3A_73 = tpu.matmul %slice3A_71, %get3A_58, %dot_general3A_72 {dimension_numbers = #tpu.dot_dimension_numbers<[1], [0], [0], [1], [0, 0, 1, 1], [], []>, precision = #tpu.contract_precision<fp32>, transpose_lhs_hint = false} : vector<128x128xf32>, vector<128x128xf32>, vector<128x128xf32> -> vector<128x128xf32>
    %swap3A_74 = arith.constant 0 : index
    %swap3A_75 = arith.constant 0 : index
    %swap3A_76 = vector.load %arg34[%swap3A_74, %swap3A_75] : memref<128x128xf32, #tpu.memory_space<vmem>>, vector<128x128xf32>
    tpu.vector_store %arg34[%swap3A_74, %swap3A_75], %dot_general3A_73 {strides = array<i32>} : memref<128x128xf32, #tpu.memory_space<vmem>>, vector<128x128xf32>,
    %get3A_77 = arith.constant 0 : index
    %get3A_78 = arith.constant 0 : index
    %get3A_79 = vector.load %arg9[%get3A_77, %get3A_78] : memref<1x128xf32, #tpu.memory_space<vmem>>, vector<1x128xf32>
    %dot_general3A_80 = arith.constant dense<0.000000e+00> : vector<1x128xf32>
    %dot_general3A_81 = tpu.matmul %get3A_79, %get3A_58, %dot_general3A_80 {dimension_numbers = #tpu.dot_dimension_numbers<[1], [0], [0], [1], [0, 0, 1, 1], [], []>, precision = #tpu.contract_precision<fp32>, transpose_lhs_hint = false} : vector<1x128xf32>, vector<128x128xf32>, vector<1x128xf32> -> vector<1x128xf32>
    %get3A_82 = arith.constant 0 : index
    %get3A_83 = arith.constant 0 : index
    %get3A_84 = vector.load %arg11[%get3A_82, %get3A_83] : memref<1x128xf32, #tpu.memory_space<vmem>>, vector<1x128xf32>
    %add3A_85 = arith.addf %dot_general3A_81, %get3A_84 : vector<1x128xf32>
    %swap3A_86 = arith.constant 0 : index
    %swap3A_87 = arith.constant 0 : index
    %swap3A_88 = vector.load %arg35[%swap3A_86, %swap3A_87] : memref<1x128xf32, #tpu.memory_space<vmem>>, vector<1x128xf32>
    tpu.vector_store %arg35[%swap3A_86, %swap3A_87], %add3A_85 {strides = array<i32>} : memref<1x128xf32, #tpu.memory_space<vmem>>, vector<1x128xf32>,
    %get3A_89 = arith.constant 0 : index
    %get3A_90 = arith.constant 0 : index
    %get3A_91 = vector.load %arg12[%get3A_89, %get3A_90] : memref<256x128xf32, #tpu.memory_space<vmem>>, vector<256x128xf32>
    %get3A_92 = arith.constant 0 : index
    %get3A_93 = arith.constant 0 : index
    %get3A_94 = vector.load %arg14[%get3A_92, %get3A_93] : memref<128x128xf32, #tpu.memory_space<vmem>>, vector<128x128xf32>
    %slice3A_95 = vector.extract_strided_slice %get3A_91 {offsets = [0, 0], sizes = [128, 128], strides = [1, 1]} : vector<256x128xf32> to vector<128x128xf32>
    %dot_general3A_96 = arith.constant dense<0.000000e+00> : vector<128x128xf32>
    %dot_general3A_97 = tpu.matmul %slice3A_95, %get3A_94, %dot_general3A_96 {dimension_numbers = #tpu.dot_dimension_numbers<[1], [0], [0], [1], [0, 0, 1, 1], [], []>, precision = #tpu.contract_precision<fp32>, transpose_lhs_hint = false} : vector<128x128xf32>, vector<128x128xf32>, vector<128x128xf32> -> vector<128x128xf32>
    %add3A_98 = arith.addf %convert_element_type3A_3, %dot_general3A_97 : vector<128x128xf32>
    %swap3A_99 = arith.constant 0 : index
    %swap3A_100 = arith.constant 0 : index
    %swap3A_101 = vector.load %arg36[%swap3A_99, %swap3A_100] : memref<128x128xf32, #tpu.memory_space<vmem>>, vector<128x128xf32>
    tpu.vector_store %arg36[%swap3A_99, %swap3A_100], %add3A_98 {strides = array<i32>} : memref<128x128xf32, #tpu.memory_space<vmem>>, vector<128x128xf32>,
    %slice3A_102 = vector.extract_strided_slice %get3A_91 {offsets = [128, 0], sizes = [128, 128], strides = [1, 1]} : vector<256x128xf32> to vector<128x128xf32>
    %dot_general3A_103 = arith.constant dense<0.000000e+00> : vector<128x128xf32>
    %dot_general3A_104 = tpu.matmul %slice3A_102, %get3A_94, %dot_general3A_103 {dimension_numbers = #tpu.dot_dimension_numbers<[1], [0], [0], [1], [0, 0, 1, 1], [], []>, precision = #tpu.contract_precision<fp32>, transpose_lhs_hint = false} : vector<128x128xf32>, vector<128x128xf32>, vector<128x128xf32> -> vector<128x128xf32>
    %swap3A_105 = arith.constant 0 : index
    %swap3A_106 = arith.constant 0 : index
    %swap3A_107 = vector.load %arg37[%swap3A_105, %swap3A_106] : memref<128x128xf32, #tpu.memory_space<vmem>>, vector<128x128xf32>
    tpu.vector_store %arg37[%swap3A_105, %swap3A_106], %dot_general3A_104 {strides = array<i32>} : memref<128x128xf32, #tpu.memory_space<vmem>>, vector<128x128xf32>,
    %get3A_108 = arith.constant 0 : index
    %get3A_109 = arith.constant 0 : index
    %get3A_110 = vector.load %arg13[%get3A_108, %get3A_109] : memref<1x128xf32, #tpu.memory_space<vmem>>, vector<1x128xf32>
    %dot_general3A_111 = arith.constant dense<0.000000e+00> : vector<1x128xf32>
    %dot_general3A_112 = tpu.matmul %get3A_110, %get3A_94, %dot_general3A_111 {dimension_numbers = #tpu.dot_dimension_numbers<[1], [0], [0], [1], [0, 0, 1, 1], [], []>, precision = #tpu.contract_precision<fp32>, transpose_lhs_hint = false} : vector<1x128xf32>, vector<128x128xf32>, vector<1x128xf32> -> vector<1x128xf32>
    %get3A_113 = arith.constant 0 : index
    %get3A_114 = arith.constant 0 : index
    %get3A_115 = vector.load %arg15[%get3A_113, %get3A_114] : memref<1x128xf32, #tpu.memory_space<vmem>>, vector<1x128xf32>
    %add3A_116 = arith.addf %dot_general3A_112, %get3A_115 : vector<1x128xf32>
    %swap3A_117 = arith.constant 0 : index
    %swap3A_118 = arith.constant 0 : index
    %swap3A_119 = vector.load %arg38[%swap3A_117, %swap3A_118] : memref<1x128xf32, #tpu.memory_space<vmem>>, vector<1x128xf32>
    tpu.vector_store %arg38[%swap3A_117, %swap3A_118], %add3A_116 {strides = array<i32>} : memref<1x128xf32, #tpu.memory_space<vmem>>, vector<1x128xf32>,
    %get3A_120 = arith.constant 0 : index
    %get3A_121 = arith.constant 0 : index
    %get3A_122 = vector.load %arg16[%get3A_120, %get3A_121] : memref<384x128xf32, #tpu.memory_space<vmem>>, vector<384x128xf32>
    %get3A_123 = arith.constant 0 : index
    %get3A_124 = arith.constant 0 : index
    %get3A_125 = vector.load %arg18[%get3A_123, %get3A_124] : memref<128x128xf32, #tpu.memory_space<vmem>>, vector<128x128xf32>
    %slice3A_126 = vector.extract_strided_slice %get3A_122 {offsets = [0, 0], sizes = [128, 128], strides = [1, 1]} : vector<384x128xf32> to vector<128x128xf32>
    %dot_general3A_127 = arith.constant dense<0.000000e+00> : vector<128x128xf32>
    %dot_general3A_128 = tpu.matmul %slice3A_126, %get3A_125, %dot_general3A_127 {dimension_numbers = #tpu.dot_dimension_numbers<[1], [0], [0], [1], [0, 0, 1, 1], [], []>, precision = #tpu.contract_precision<fp32>, transpose_lhs_hint = false} : vector<128x128xf32>, vector<128x128xf32>, vector<128x128xf32> -> vector<128x128xf32>
    %add3A_129 = arith.addf %convert_element_type3A_3, %dot_general3A_128 : vector<128x128xf32>
    %swap3A_130 = arith.constant 0 : index
    %swap3A_131 = arith.constant 0 : index
    %swap3A_132 = vector.load %arg39[%swap3A_130, %swap3A_131] : memref<128x128xf32, #tpu.memory_space<vmem>>, vector<128x128xf32>
    tpu.vector_store %arg39[%swap3A_130, %swap3A_131], %add3A_129 {strides = array<i32>} : memref<128x128xf32, #tpu.memory_space<vmem>>, vector<128x128xf32>,
    %slice3A_133 = vector.extract_strided_slice %get3A_122 {offsets = [128, 0], sizes = [128, 128], strides = [1, 1]} : vector<384x128xf32> to vector<128x128xf32>
    %dot_general3A_134 = arith.constant dense<0.000000e+00> : vector<128x128xf32>
    %dot_general3A_135 = tpu.matmul %slice3A_133, %get3A_125, %dot_general3A_134 {dimension_numbers = #tpu.dot_dimension_numbers<[1], [0], [0], [1], [0, 0, 1, 1], [], []>, precision = #tpu.contract_precision<fp32>, transpose_lhs_hint = false} : vector<128x128xf32>, vector<128x128xf32>, vector<128x128xf32> -> vector<128x128xf32>
    %swap3A_136 = arith.constant 0 : index
    %swap3A_137 = arith.constant 0 : index
    %swap3A_138 = vector.load %arg40[%swap3A_136, %swap3A_137] : memref<128x128xf32, #tpu.memory_space<vmem>>, vector<128x128xf32>
    tpu.vector_store %arg40[%swap3A_136, %swap3A_137], %dot_general3A_135 {strides = array<i32>} : memref<128x128xf32, #tpu.memory_space<vmem>>, vector<128x128xf32>,
    %slice3A_139 = vector.extract_strided_slice %get3A_122 {offsets = [256, 0], sizes = [128, 128], strides = [1, 1]} : vector<384x128xf32> to vector<128x128xf32>
    %dot_general3A_140 = arith.constant dense<0.000000e+00> : vector<128x128xf32>
    %dot_general3A_141 = tpu.matmul %slice3A_139, %get3A_125, %dot_general3A_140 {dimension_numbers = #tpu.dot_dimension_numbers<[1], [0], [0], [1], [0, 0, 1, 1], [], []>, precision = #tpu.contract_precision<fp32>, transpose_lhs_hint = false} : vector<128x128xf32>, vector<128x128xf32>, vector<128x128xf32> -> vector<128x128xf32>
    %swap3A_142 = arith.constant 0 : index
    %swap3A_143 = arith.constant 0 : index
    %swap3A_144 = vector.load %arg41[%swap3A_142, %swap3A_143] : memref<128x128xf32, #tpu.memory_space<vmem>>, vector<128x128xf32>
    tpu.vector_store %arg41[%swap3A_142, %swap3A_143], %dot_general3A_141 {strides = array<i32>} : memref<128x128xf32, #tpu.memory_space<vmem>>, vector<128x128xf32>,
    %get3A_145 = arith.constant 0 : index
    %get3A_146 = arith.constant 0 : index
    %get3A_147 = vector.load %arg17[%get3A_145, %get3A_146] : memref<1x128xf32, #tpu.memory_space<vmem>>, vector<1x128xf32>
    %dot_general3A_148 = arith.constant dense<0.000000e+00> : vector<1x128xf32>
    %dot_general3A_149 = tpu.matmul %get3A_147, %get3A_125, %dot_general3A_148 {dimension_numbers = #tpu.dot_dimension_numbers<[1], [0], [0], [1], [0, 0, 1, 1], [], []>, precision = #tpu.contract_precision<fp32>, transpose_lhs_hint = false} : vector<1x128xf32>, vector<128x128xf32>, vector<1x128xf32> -> vector<1x128xf32>
    %get3A_150 = arith.constant 0 : index
    %get3A_151 = arith.constant 0 : index
    %get3A_152 = vector.load %arg19[%get3A_150, %get3A_151] : memref<1x128xf32, #tpu.memory_space<vmem>>, vector<1x128xf32>
    %add3A_153 = arith.addf %dot_general3A_149, %get3A_152 : vector<1x128xf32>
    %swap3A_154 = arith.constant 0 : index
    %swap3A_155 = arith.constant 0 : index
    %swap3A_156 = vector.load %arg42[%swap3A_154, %swap3A_155] : memref<1x128xf32, #tpu.memory_space<vmem>>, vector<1x128xf32>
    tpu.vector_store %arg42[%swap3A_154, %swap3A_155], %add3A_153 {strides = array<i32>} : memref<1x128xf32, #tpu.memory_space<vmem>>, vector<1x128xf32>,
    %get3A_157 = arith.constant 0 : index
    %get3A_158 = arith.constant 0 : index
    %get3A_159 = vector.load %arg20[%get3A_157, %get3A_158] : memref<256x128xf32, #tpu.memory_space<vmem>>, vector<256x128xf32>
    %get3A_160 = arith.constant 0 : index
    %get3A_161 = arith.constant 0 : index
    %get3A_162 = vector.load %arg22[%get3A_160, %get3A_161] : memref<128x128xf32, #tpu.memory_space<vmem>>, vector<128x128xf32>
    %slice3A_163 = vector.extract_strided_slice %get3A_159 {offsets = [0, 0], sizes = [128, 128], strides = [1, 1]} : vector<256x128xf32> to vector<128x128xf32>
    %dot_general3A_164 = arith.constant dense<0.000000e+00> : vector<128x128xf32>
    %dot_general3A_165 = tpu.matmul %slice3A_163, %get3A_162, %dot_general3A_164 {dimension_numbers = #tpu.dot_dimension_numbers<[1], [0], [0], [1], [0, 0, 1, 1], [], []>, precision = #tpu.contract_precision<fp32>, transpose_lhs_hint = false} : vector<128x128xf32>, vector<128x128xf32>, vector<128x128xf32> -> vector<128x128xf32>
    %add3A_166 = arith.addf %convert_element_type3A_3, %dot_general3A_165 : vector<128x128xf32>
    %swap3A_167 = arith.constant 0 : index
    %swap3A_168 = arith.constant 0 : index
    %swap3A_169 = vector.load %arg43[%swap3A_167, %swap3A_168] : memref<128x128xf32, #tpu.memory_space<vmem>>, vector<128x128xf32>
    tpu.vector_store %arg43[%swap3A_167, %swap3A_168], %add3A_166 {strides = array<i32>} : memref<128x128xf32, #tpu.memory_space<vmem>>, vector<128x128xf32>,
    %slice3A_170 = vector.extract_strided_slice %get3A_159 {offsets = [128, 0], sizes = [128, 128], strides = [1, 1]} : vector<256x128xf32> to vector<128x128xf32>
    %dot_general3A_171 = arith.constant dense<0.000000e+00> : vector<128x128xf32>
    %dot_general3A_172 = tpu.matmul %slice3A_170, %get3A_162, %dot_general3A_171 {dimension_numbers = #tpu.dot_dimension_numbers<[1], [0], [0], [1], [0, 0, 1, 1], [], []>, precision = #tpu.contract_precision<fp32>, transpose_lhs_hint = false} : vector<128x128xf32>, vector<128x128xf32>, vector<128x128xf32> -> vector<128x128xf32>
    %swap3A_173 = arith.constant 0 : index
    %swap3A_174 = arith.constant 0 : index
    %swap3A_175 = vector.load %arg44[%swap3A_173, %swap3A_174] : memref<128x128xf32, #tpu.memory_space<vmem>>, vector<128x128xf32>
    tpu.vector_store %arg44[%swap3A_173, %swap3A_174], %dot_general3A_172 {strides = array<i32>} : memref<128x128xf32, #tpu.memory_space<vmem>>, vector<128x128xf32>,
    %get3A_176 = arith.constant 0 : index
    %get3A_177 = arith.constant 0 : index
    %get3A_178 = vector.load %arg21[%get3A_176, %get3A_177] : memref<1x128xf32, #tpu.memory_space<vmem>>, vector<1x128xf32>
    %dot_general3A_179 = arith.constant dense<0.000000e+00> : vector<1x128xf32>
    %dot_general3A_180 = tpu.matmul %get3A_178, %get3A_162, %dot_general3A_179 {dimension_numbers = #tpu.dot_dimension_numbers<[1], [0], [0], [1], [0, 0, 1, 1], [], []>, precision = #tpu.contract_precision<fp32>, transpose_lhs_hint = false} : vector<1x128xf32>, vector<128x128xf32>, vector<1x128xf32> -> vector<1x128xf32>
    %get3A_181 = arith.constant 0 : index
    %get3A_182 = arith.constant 0 : index
    %get3A_183 = vector.load %arg23[%get3A_181, %get3A_182] : memref<1x128xf32, #tpu.memory_space<vmem>>, vector<1x128xf32>
    %add3A_184 = arith.addf %dot_general3A_180, %get3A_183 : vector<1x128xf32>
    %swap3A_185 = arith.constant 0 : index
    %swap3A_186 = arith.constant 0 : index
    %swap3A_187 = vector.load %arg45[%swap3A_185, %swap3A_186] : memref<1x128xf32, #tpu.memory_space<vmem>>, vector<1x128xf32>
    tpu.vector_store %arg45[%swap3A_185, %swap3A_186], %add3A_184 {strides = array<i32>} : memref<1x128xf32, #tpu.memory_space<vmem>>, vector<1x128xf32>,
    %get3A_188 = arith.constant 0 : index
    %get3A_189 = arith.constant 0 : index
    %get3A_190 = vector.load %arg24[%get3A_188, %get3A_189] : memref<128x128xf32, #tpu.memory_space<vmem>>, vector<128x128xf32>
    %get3A_191 = arith.constant 0 : index
    %get3A_192 = arith.constant 0 : index
    %get3A_193 = vector.load %arg26[%get3A_191, %get3A_192] : memref<128x128xf32, #tpu.memory_space<vmem>>, vector<128x128xf32>
    %dot_general3A_194 = arith.constant dense<0.000000e+00> : vector<128x128xf32>
    %dot_general3A_195 = tpu.matmul %get3A_190, %get3A_193, %dot_general3A_194 {dimension_numbers = #tpu.dot_dimension_numbers<[1], [0], [0], [1], [0, 0, 1, 1], [], []>, precision = #tpu.contract_precision<fp32>, transpose_lhs_hint = false} : vector<128x128xf32>, vector<128x128xf32>, vector<128x128xf32> -> vector<128x128xf32>
    %swap3A_196 = arith.constant 0 : index
    %swap3A_197 = arith.constant 0 : index
    %swap3A_198 = vector.load %arg46[%swap3A_196, %swap3A_197] : memref<128x128xf32, #tpu.memory_space<vmem>>, vector<128x128xf32>
    tpu.vector_store %arg46[%swap3A_196, %swap3A_197], %dot_general3A_195 {strides = array<i32>} : memref<128x128xf32, #tpu.memory_space<vmem>>, vector<128x128xf32>,
    %get3A_199 = arith.constant 0 : index
    %get3A_200 = arith.constant 0 : index
    %get3A_201 = vector.load %arg25[%get3A_199, %get3A_200] : memref<1x128xf32, #tpu.memory_space<vmem>>, vector<1x128xf32>
    %get3A_202 = arith.constant 0 : index
    %get3A_203 = arith.constant 0 : index
    %get3A_204 = vector.load %arg26[%get3A_202, %get3A_203] : memref<128x128xf32, #tpu.memory_space<vmem>>, vector<128x128xf32>
    %dot_general3A_205 = arith.constant dense<0.000000e+00> : vector<1x128xf32>
    %dot_general3A_206 = tpu.matmul %get3A_201, %get3A_204, %dot_general3A_205 {dimension_numbers = #tpu.dot_dimension_numbers<[1], [0], [0], [1], [0, 0, 1, 1], [], []>, precision = #tpu.contract_precision<fp32>, transpose_lhs_hint = false} : vector<1x128xf32>, vector<128x128xf32>, vector<1x128xf32> -> vector<1x128xf32>
    %get3A_207 = arith.constant 0 : index
    %get3A_208 = arith.constant 0 : index
    %get3A_209 = vector.load %arg27[%get3A_207, %get3A_208] : memref<1x128xf32, #tpu.memory_space<vmem>>, vector<1x128xf32>
    %add3A_210 = arith.addf %dot_general3A_206, %get3A_209 : vector<1x128xf32>
    %swap3A_211 = arith.constant 0 : index
    %swap3A_212 = arith.constant 0 : index
    %swap3A_213 = vector.load %arg47[%swap3A_211, %swap3A_212] : memref<1x128xf32, #tpu.memory_space<vmem>>, vector<1x128xf32>
    tpu.vector_store %arg47[%swap3A_211, %swap3A_212], %add3A_210 {strides = array<i32>} : memref<1x128xf32, #tpu.memory_space<vmem>>, vector<1x128xf32>,
    return
  }
}

module attributes {stable_mosaic.version = 14 : i64} {
  func.func @_tc_encode_body(%arg0: i32, %arg1: memref<2000x128xf32, #tpu.memory_space<vmem>>, %arg2: memref<128x128xf32, #tpu.memory_space<vmem>>, %arg3: memref<1x128xf32, #tpu.memory_space<vmem>>, %arg4: memref<128x128xf32, #tpu.memory_space<vmem>>, %arg5: memref<128x128xf32, #tpu.memory_space<vmem>>, %arg6: memref<2000x128xf32, #tpu.memory_space<vmem>>, %arg7: memref<2000x128xf32, #tpu.memory_space<vmem>>, %arg8: memref<2000x128xf32, #tpu.memory_space<vmem>>) attributes {dimension_semantics = [#tpu.dimension_semantics<arbitrary>], iteration_bounds = array<i64: 5>, scalar_prefetch = 0 : i64, scratch_operands = 0 : i64, tpu.core_type = #tpu.core_type<tc>, window_params = [{transform_indices = @transform_0, window_bounds = array<i64: 2000, 128>}, {pipeline_mode = #tpu.pipeline_mode<synchronous>, transform_indices = @transform_1, window_bounds = array<i64: 128, 128>}, {pipeline_mode = #tpu.pipeline_mode<synchronous>, transform_indices = @transform_2, window_bounds = array<i64: 1, 128>}, {pipeline_mode = #tpu.pipeline_mode<synchronous>, transform_indices = @transform_3, window_bounds = array<i64: 128, 128>}, {pipeline_mode = #tpu.pipeline_mode<synchronous>, transform_indices = @transform_4, window_bounds = array<i64: 128, 128>}, {transform_indices = @transform_5, window_bounds = array<i64: 2000, 128>}, {transform_indices = @transform_6, window_bounds = array<i64: 2000, 128>}, {transform_indices = @transform_7, window_bounds = array<i64: 2000, 128>}]} {
    %get3A = arith.constant 0 : index
    %get3A_0 = arith.constant 0 : index
    %get3A_1 = vector.load %arg1[%get3A, %get3A_0] : memref<2000x128xf32, #tpu.memory_space<vmem>>, vector<2000x128xf32>
    %get3A_2 = arith.constant 0 : index
    %get3A_3 = arith.constant 0 : index
    %get3A_4 = vector.load %arg2[%get3A_2, %get3A_3] : memref<128x128xf32, #tpu.memory_space<vmem>>, vector<128x128xf32>
    %dot_general3A = arith.constant dense<0.000000e+00> : vector<2000x128xf32>
    %dot_general3A_5 = tpu.matmul %get3A_1, %get3A_4, %dot_general3A {dimension_numbers = #tpu.dot_dimension_numbers<[1], [0], [0], [1], [0, 0, 1, 1], [], []>, precision = #tpu.contract_precision<fp32>, transpose_lhs_hint = false} : vector<2000x128xf32>, vector<128x128xf32>, vector<2000x128xf32> -> vector<2000x128xf32>
    %get3A_6 = arith.constant 0 : index
    %get3A_7 = arith.constant 0 : index
    %get3A_8 = vector.load %arg3[%get3A_6, %get3A_7] : memref<1x128xf32, #tpu.memory_space<vmem>>, vector<1x128xf32>
    %add3A = vector.broadcast %get3A_8 : vector<1x128xf32> to vector<2000x128xf32>
    %add3A_9 = arith.addf %dot_general3A_5, %add3A : vector<2000x128xf32>
    %swap3A = arith.constant 0 : index
    %swap3A_10 = arith.constant 0 : index
    %swap3A_11 = vector.load %arg6[%swap3A, %swap3A_10] : memref<2000x128xf32, #tpu.memory_space<vmem>>, vector<2000x128xf32>
    tpu.vector_store %arg6[%swap3A, %swap3A_10], %add3A_9 {strides = array<i32>} : memref<2000x128xf32, #tpu.memory_space<vmem>>, vector<2000x128xf32>,
    %get3A_12 = arith.constant 0 : index
    %get3A_13 = arith.constant 0 : index
    %get3A_14 = vector.load %arg4[%get3A_12, %get3A_13] : memref<128x128xf32, #tpu.memory_space<vmem>>, vector<128x128xf32>
    %dot_general3A_15 = arith.constant dense<0.000000e+00> : vector<2000x128xf32>
    %dot_general3A_16 = tpu.matmul %add3A_9, %get3A_14, %dot_general3A_15 {dimension_numbers = #tpu.dot_dimension_numbers<[1], [0], [0], [1], [0, 0, 1, 1], [], []>, precision = #tpu.contract_precision<fp32>, transpose_lhs_hint = false} : vector<2000x128xf32>, vector<128x128xf32>, vector<2000x128xf32> -> vector<2000x128xf32>
    %swap3A_17 = arith.constant 0 : index
    %swap3A_18 = arith.constant 0 : index
    %swap3A_19 = vector.load %arg7[%swap3A_17, %swap3A_18] : memref<2000x128xf32, #tpu.memory_space<vmem>>, vector<2000x128xf32>
    tpu.vector_store %arg7[%swap3A_17, %swap3A_18], %dot_general3A_16 {strides = array<i32>} : memref<2000x128xf32, #tpu.memory_space<vmem>>, vector<2000x128xf32>,
    %get3A_20 = arith.constant 0 : index
    %get3A_21 = arith.constant 0 : index
    %get3A_22 = vector.load %arg5[%get3A_20, %get3A_21] : memref<128x128xf32, #tpu.memory_space<vmem>>, vector<128x128xf32>
    %dot_general3A_23 = arith.constant dense<0.000000e+00> : vector<2000x128xf32>
    %dot_general3A_24 = tpu.matmul %add3A_9, %get3A_22, %dot_general3A_23 {dimension_numbers = #tpu.dot_dimension_numbers<[1], [0], [0], [1], [0, 0, 1, 1], [], []>, precision = #tpu.contract_precision<fp32>, transpose_lhs_hint = false} : vector<2000x128xf32>, vector<128x128xf32>, vector<2000x128xf32> -> vector<2000x128xf32>
    %swap3A_25 = arith.constant 0 : index
    %swap3A_26 = arith.constant 0 : index
    %swap3A_27 = vector.load %arg8[%swap3A_25, %swap3A_26] : memref<2000x128xf32, #tpu.memory_space<vmem>>, vector<2000x128xf32>
    tpu.vector_store %arg8[%swap3A_25, %swap3A_26], %dot_general3A_24 {strides = array<i32>} : memref<2000x128xf32, #tpu.memory_space<vmem>>, vector<2000x128xf32>,
    return
  }
  func.func @transform_0(%arg0: i32) -> (i32, i32) {
    %c0_i32 = arith.constant 0 : i32
    %c0_i32_0 = arith.constant 0 : i32
    return %arg0, %c0_i32 : i32, i32
  }
  func.func @transform_1(%arg0: i32) -> (i32, i32) {
    %c0_i32 = arith.constant 0 : i32
    %c0_i32_0 = arith.constant 0 : i32
    %c0_i32_1 = arith.constant 0 : i32
    return %c0_i32, %c0_i32_0 : i32, i32
  }
  func.func @transform_2(%arg0: i32) -> (i32, i32) {
    %c0_i32 = arith.constant 0 : i32
    %c0_i32_0 = arith.constant 0 : i32
    %c0_i32_1 = arith.constant 0 : i32
    return %c0_i32, %c0_i32_0 : i32, i32
  }
  func.func @transform_3(%arg0: i32) -> (i32, i32) {
    %c0_i32 = arith.constant 0 : i32
    %c0_i32_0 = arith.constant 0 : i32
    %c0_i32_1 = arith.constant 0 : i32
    return %c0_i32, %c0_i32_0 : i32, i32
  }
  func.func @transform_4(%arg0: i32) -> (i32, i32) {
    %c0_i32 = arith.constant 0 : i32
    %c0_i32_0 = arith.constant 0 : i32
    %c0_i32_1 = arith.constant 0 : i32
    return %c0_i32, %c0_i32_0 : i32, i32
  }
  func.func @transform_5(%arg0: i32) -> (i32, i32) {
    %c0_i32 = arith.constant 0 : i32
    %c0_i32_0 = arith.constant 0 : i32
    return %arg0, %c0_i32 : i32, i32
  }
  func.func @transform_6(%arg0: i32) -> (i32, i32) {
    %c0_i32 = arith.constant 0 : i32
    %c0_i32_0 = arith.constant 0 : i32
    return %arg0, %c0_i32 : i32, i32
  }
  func.func @transform_7(%arg0: i32) -> (i32, i32) {
    %c0_i32 = arith.constant 0 : i32
    %c0_i32_0 = arith.constant 0 : i32
    return %arg0, %c0_i32 : i32, i32
  }
}

module attributes {stable_mosaic.version = 14 : i64} {
  func.func @_tc_step1_body(%arg0: i32, %arg1: memref<2x2000x128xf32, #tpu.memory_space<vmem>>, %arg2: memref<2x2000x128xf32, #tpu.memory_space<vmem>>, %arg3: memref<2000x128xf32, #tpu.memory_space<vmem>>, %arg4: memref<2000x128xf32, #tpu.memory_space<vmem>>, %arg5: memref<16x128xf32, #tpu.memory_space<vmem>>, %arg6: memref<1x128xf32, #tpu.memory_space<vmem>>, %arg7: memref<128x128xf32, #tpu.memory_space<vmem>>, %arg8: memref<1x128xf32, #tpu.memory_space<vmem>>, %arg9: memref<128x128xf32, #tpu.memory_space<vmem>>, %arg10: memref<128x128xf32, #tpu.memory_space<vmem>>, %arg11: memref<1x128xf32, #tpu.memory_space<vmem>>, %arg12: memref<128x128xf32, #tpu.memory_space<vmem>>, %arg13: memref<128x128xf32, #tpu.memory_space<vmem>>, %arg14: memref<2000x128xf32, #tpu.memory_space<vmem>>, %arg15: memref<2000x128xf32, #tpu.memory_space<vmem>>, %arg16: memref<2000x128xf32, #tpu.memory_space<vmem>>, %arg17: memref<2000x128xf32, #tpu.memory_space<vmem>>, %arg18: memref<2000x128xf32, #tpu.memory_space<vmem>>) attributes {dimension_semantics = [#tpu.dimension_semantics<arbitrary>], iteration_bounds = array<i64: 5>, scalar_prefetch = 0 : i64, scratch_operands = 0 : i64, tpu.core_type = #tpu.core_type<tc>, window_params = [{transform_indices = @transform_0, window_bounds = array<i64: 2, 2000, 128>}, {transform_indices = @transform_1, window_bounds = array<i64: 2, 2000, 128>}, {transform_indices = @transform_2, window_bounds = array<i64: 2000, 128>}, {transform_indices = @transform_3, window_bounds = array<i64: 2000, 128>}, {pipeline_mode = #tpu.pipeline_mode<synchronous>, transform_indices = @transform_4, window_bounds = array<i64: 16, 128>}, {pipeline_mode = #tpu.pipeline_mode<synchronous>, transform_indices = @transform_5, window_bounds = array<i64: 1, 128>}, {pipeline_mode = #tpu.pipeline_mode<synchronous>, transform_indices = @transform_6, window_bounds = array<i64: 128, 128>}, {pipeline_mode = #tpu.pipeline_mode<synchronous>, transform_indices = @transform_7, window_bounds = array<i64: 1, 128>}, {pipeline_mode = #tpu.pipeline_mode<synchronous>, transform_indices = @transform_8, window_bounds = array<i64: 128, 128>}, {pipeline_mode = #tpu.pipeline_mode<synchronous>, transform_indices = @transform_9, window_bounds = array<i64: 128, 128>}, {pipeline_mode = #tpu.pipeline_mode<synchronous>, transform_indices = @transform_10, window_bounds = array<i64: 1, 128>}, {pipeline_mode = #tpu.pipeline_mode<synchronous>, transform_indices = @transform_11, window_bounds = array<i64: 128, 128>}, {pipeline_mode = #tpu.pipeline_mode<synchronous>, transform_indices = @transform_12, window_bounds = array<i64: 128, 128>}, {transform_indices = @transform_13, window_bounds = array<i64: 2000, 128>}, {transform_indices = @transform_14, window_bounds = array<i64: 2000, 128>}, {transform_indices = @transform_15, window_bounds = array<i64: 2000, 128>}, {transform_indices = @transform_16, window_bounds = array<i64: 2000, 128>}, {transform_indices = @transform_17, window_bounds = array<i64: 2000, 128>}]} {
    %get3A = arith.constant 0 : index
    %get3A_0 = arith.constant 0 : index
    %get3A_1 = arith.constant 0 : index
    %get3A_2 = vector.load %arg1[%get3A, %get3A_0, %get3A_1] : memref<2x2000x128xf32, #tpu.memory_space<vmem>>, vector<2x2000x128xf32>
    %reduce_sum3A = arith.constant dense<0.000000e+00> : vector<2000x128xf32>
    %reduce_sum3A_3 = vector.multi_reduction <add>, %get3A_2, %reduce_sum3A [0] : vector<2x2000x128xf32> to vector<2000x128xf32>
    %get3A_4 = arith.constant 0 : index
    %get3A_5 = arith.constant 0 : index
    %get3A_6 = arith.constant 0 : index
    %get3A_7 = vector.load %arg2[%get3A_4, %get3A_5, %get3A_6] : memref<2x2000x128xf32, #tpu.memory_space<vmem>>, vector<2x2000x128xf32>
    %slice3A = vector.extract_strided_slice %reduce_sum3A_3 {offsets = [0, 0], sizes = [2000, 16], strides = [1, 1]} : vector<2000x128xf32> to vector<2000x16xf32>
    %slice3A_8 = vector.extract_strided_slice %reduce_sum3A_3 {offsets = [0, 16], sizes = [2000, 1], strides = [1, 1]} : vector<2000x128xf32> to vector<2000x1xf32>
    %broadcast_in_dim3A = vector.shape_cast %slice3A_8 : vector<2000x1xf32> to vector<2000x1xf32>
    %broadcast_in_dim3A_9 = vector.broadcast %broadcast_in_dim3A : vector<2000x1xf32> to vector<2000x128xf32>
    %swap3A = arith.constant 0 : index
    %swap3A_10 = arith.constant 0 : index
    %swap3A_11 = vector.load %arg18[%swap3A, %swap3A_10] : memref<2000x128xf32, #tpu.memory_space<vmem>>, vector<2000x128xf32>
    tpu.vector_store %arg18[%swap3A, %swap3A_10], %broadcast_in_dim3A_9 {strides = array<i32>} : memref<2000x128xf32, #tpu.memory_space<vmem>>, vector<2000x128xf32>,
    %get3A_12 = arith.constant 0 : index
    %get3A_13 = arith.constant 0 : index
    %get3A_14 = vector.load %arg5[%get3A_12, %get3A_13] : memref<16x128xf32, #tpu.memory_space<vmem>>, vector<16x128xf32>
    %dot_general3A = arith.constant dense<0.000000e+00> : vector<2000x128xf32>
    %dot_general3A_15 = tpu.matmul %slice3A, %get3A_14, %dot_general3A {dimension_numbers = #tpu.dot_dimension_numbers<[1], [0], [0], [1], [0, 0, 1, 1], [], []>, precision = #tpu.contract_precision<fp32>, transpose_lhs_hint = false} : vector<2000x16xf32>, vector<16x128xf32>, vector<2000x128xf32> -> vector<2000x128xf32>
    %get3A_16 = arith.constant 0 : index
    %get3A_17 = arith.constant 0 : index
    %get3A_18 = vector.load %arg6[%get3A_16, %get3A_17] : memref<1x128xf32, #tpu.memory_space<vmem>>, vector<1x128xf32>
    %mul3A = vector.broadcast %slice3A_8 : vector<2000x1xf32> to vector<2000x128xf32>
    %mul3A_19 = vector.broadcast %get3A_18 : vector<1x128xf32> to vector<2000x128xf32>
    %mul3A_20 = arith.mulf %mul3A, %mul3A_19 : vector<2000x128xf32>
    %add3A = arith.addf %dot_general3A_15, %mul3A_20 : vector<2000x128xf32>
    %get3A_21 = arith.constant 0 : index
    %get3A_22 = arith.constant 0 : index
    %get3A_23 = vector.load %arg7[%get3A_21, %get3A_22] : memref<128x128xf32, #tpu.memory_space<vmem>>, vector<128x128xf32>
    %dot_general3A_24 = arith.constant dense<0.000000e+00> : vector<2000x128xf32>
    %dot_general3A_25 = tpu.matmul %add3A, %get3A_23, %dot_general3A_24 {dimension_numbers = #tpu.dot_dimension_numbers<[1], [0], [0], [1], [0, 0, 1, 1], [], []>, precision = #tpu.contract_precision<fp32>, transpose_lhs_hint = false} : vector<2000x128xf32>, vector<128x128xf32>, vector<2000x128xf32> -> vector<2000x128xf32>
    %reduce_sum3A_26 = arith.constant dense<0.000000e+00> : vector<2000x128xf32>
    %reduce_sum3A_27 = vector.multi_reduction <add>, %get3A_7, %reduce_sum3A_26 [0] : vector<2x2000x128xf32> to vector<2000x128xf32>
    %add3A_28 = arith.addf %dot_general3A_25, %reduce_sum3A_27 : vector<2000x128xf32>
    %get3A_29 = arith.constant 0 : index
    %get3A_30 = arith.constant 0 : index
    %get3A_31 = vector.load %arg4[%get3A_29, %get3A_30] : memref<2000x128xf32, #tpu.memory_space<vmem>>, vector<2000x128xf32>
    %mul3A_32 = vector.broadcast %slice3A_8 : vector<2000x1xf32> to vector<2000x128xf32>
    %mul3A_33 = arith.mulf %mul3A_32, %get3A_31 : vector<2000x128xf32>
    %add3A_34 = arith.addf %add3A_28, %mul3A_33 : vector<2000x128xf32>
    %get3A_35 = arith.constant 0 : index
    %get3A_36 = arith.constant 0 : index
    %get3A_37 = vector.load %arg8[%get3A_35, %get3A_36] : memref<1x128xf32, #tpu.memory_space<vmem>>, vector<1x128xf32>
    %mul3A_38 = vector.broadcast %slice3A_8 : vector<2000x1xf32> to vector<2000x128xf32>
    %mul3A_39 = vector.broadcast %get3A_37 : vector<1x128xf32> to vector<2000x128xf32>
    %mul3A_40 = arith.mulf %mul3A_38, %mul3A_39 : vector<2000x128xf32>
    %add3A_41 = arith.addf %add3A_34, %mul3A_40 : vector<2000x128xf32>
    %get3A_42 = arith.constant 0 : index
    %get3A_43 = arith.constant 0 : index
    %get3A_44 = vector.load %arg3[%get3A_42, %get3A_43] : memref<2000x128xf32, #tpu.memory_space<vmem>>, vector<2000x128xf32>
    %get3A_45 = arith.constant 0 : index
    %get3A_46 = arith.constant 0 : index
    %get3A_47 = vector.load %arg9[%get3A_45, %get3A_46] : memref<128x128xf32, #tpu.memory_space<vmem>>, vector<128x128xf32>
    %dot_general3A_48 = arith.constant dense<0.000000e+00> : vector<2000x128xf32>
    %dot_general3A_49 = tpu.matmul %get3A_44, %get3A_47, %dot_general3A_48 {dimension_numbers = #tpu.dot_dimension_numbers<[1], [0], [0], [1], [0, 0, 1, 1], [], []>, precision = #tpu.contract_precision<fp32>, transpose_lhs_hint = false} : vector<2000x128xf32>, vector<128x128xf32>, vector<2000x128xf32> -> vector<2000x128xf32>
    %get3A_50 = arith.constant 0 : index
    %get3A_51 = arith.constant 0 : index
    %get3A_52 = vector.load %arg10[%get3A_50, %get3A_51] : memref<128x128xf32, #tpu.memory_space<vmem>>, vector<128x128xf32>
    %dot_general3A_53 = arith.constant dense<0.000000e+00> : vector<2000x128xf32>
    %dot_general3A_54 = tpu.matmul %add3A_41, %get3A_52, %dot_general3A_53 {dimension_numbers = #tpu.dot_dimension_numbers<[1], [0], [0], [1], [0, 0, 1, 1], [], []>, precision = #tpu.contract_precision<fp32>, transpose_lhs_hint = false} : vector<2000x128xf32>, vector<128x128xf32>, vector<2000x128xf32> -> vector<2000x128xf32>
    %add3A_55 = arith.addf %dot_general3A_49, %dot_general3A_54 : vector<2000x128xf32>
    %get3A_56 = arith.constant 0 : index
    %get3A_57 = arith.constant 0 : index
    %get3A_58 = vector.load %arg11[%get3A_56, %get3A_57] : memref<1x128xf32, #tpu.memory_space<vmem>>, vector<1x128xf32>
    %add3A_59 = vector.broadcast %get3A_58 : vector<1x128xf32> to vector<2000x128xf32>
    %add3A_60 = arith.addf %add3A_55, %add3A_59 : vector<2000x128xf32>
    %swap3A_61 = arith.constant 0 : index
    %swap3A_62 = arith.constant 0 : index
    %swap3A_63 = vector.load %arg14[%swap3A_61, %swap3A_62] : memref<2000x128xf32, #tpu.memory_space<vmem>>, vector<2000x128xf32>
    tpu.vector_store %arg14[%swap3A_61, %swap3A_62], %add3A_41 {strides = array<i32>} : memref<2000x128xf32, #tpu.memory_space<vmem>>, vector<2000x128xf32>,
    %swap3A_64 = arith.constant 0 : index
    %swap3A_65 = arith.constant 0 : index
    %swap3A_66 = vector.load %arg15[%swap3A_64, %swap3A_65] : memref<2000x128xf32, #tpu.memory_space<vmem>>, vector<2000x128xf32>
    tpu.vector_store %arg15[%swap3A_64, %swap3A_65], %add3A_60 {strides = array<i32>} : memref<2000x128xf32, #tpu.memory_space<vmem>>, vector<2000x128xf32>,
    %get3A_67 = arith.constant 0 : index
    %get3A_68 = arith.constant 0 : index
    %get3A_69 = vector.load %arg12[%get3A_67, %get3A_68] : memref<128x128xf32, #tpu.memory_space<vmem>>, vector<128x128xf32>
    %dot_general3A_70 = arith.constant dense<0.000000e+00> : vector<2000x128xf32>
    %dot_general3A_71 = tpu.matmul %add3A_60, %get3A_69, %dot_general3A_70 {dimension_numbers = #tpu.dot_dimension_numbers<[1], [0], [0], [1], [0, 0, 1, 1], [], []>, precision = #tpu.contract_precision<fp32>, transpose_lhs_hint = false} : vector<2000x128xf32>, vector<128x128xf32>, vector<2000x128xf32> -> vector<2000x128xf32>
    %swap3A_72 = arith.constant 0 : index
    %swap3A_73 = arith.constant 0 : index
    %swap3A_74 = vector.load %arg16[%swap3A_72, %swap3A_73] : memref<2000x128xf32, #tpu.memory_space<vmem>>, vector<2000x128xf32>
    tpu.vector_store %arg16[%swap3A_72, %swap3A_73], %dot_general3A_71 {strides = array<i32>} : memref<2000x128xf32, #tpu.memory_space<vmem>>, vector<2000x128xf32>,
    %get3A_75 = arith.constant 0 : index
    %get3A_76 = arith.constant 0 : index
    %get3A_77 = vector.load %arg13[%get3A_75, %get3A_76] : memref<128x128xf32, #tpu.memory_space<vmem>>, vector<128x128xf32>
    %dot_general3A_78 = arith.constant dense<0.000000e+00> : vector<2000x128xf32>
    %dot_general3A_79 = tpu.matmul %add3A_60, %get3A_77, %dot_general3A_78 {dimension_numbers = #tpu.dot_dimension_numbers<[1], [0], [0], [1], [0, 0, 1, 1], [], []>, precision = #tpu.contract_precision<fp32>, transpose_lhs_hint = false} : vector<2000x128xf32>, vector<128x128xf32>, vector<2000x128xf32> -> vector<2000x128xf32>
    %swap3A_80 = arith.constant 0 : index
    %swap3A_81 = arith.constant 0 : index
    %swap3A_82 = vector.load %arg17[%swap3A_80, %swap3A_81] : memref<2000x128xf32, #tpu.memory_space<vmem>>, vector<2000x128xf32>
    tpu.vector_store %arg17[%swap3A_80, %swap3A_81], %dot_general3A_79 {strides = array<i32>} : memref<2000x128xf32, #tpu.memory_space<vmem>>, vector<2000x128xf32>,
    return
  }
  func.func @transform_0(%arg0: i32) -> (i32, i32, i32) {
    %c0_i32 = arith.constant 0 : i32
    %c0_i32_0 = arith.constant 0 : i32
    %c0_i32_1 = arith.constant 0 : i32
    return %c0_i32, %arg0, %c0_i32_0 : i32, i32, i32
  }
  func.func @transform_1(%arg0: i32) -> (i32, i32, i32) {
    %c0_i32 = arith.constant 0 : i32
    %c0_i32_0 = arith.constant 0 : i32
    %c0_i32_1 = arith.constant 0 : i32
    return %c0_i32, %arg0, %c0_i32_0 : i32, i32, i32
  }
  func.func @transform_2(%arg0: i32) -> (i32, i32) {
    %c0_i32 = arith.constant 0 : i32
    %c0_i32_0 = arith.constant 0 : i32
    return %arg0, %c0_i32 : i32, i32
  }
  func.func @transform_3(%arg0: i32) -> (i32, i32) {
    %c0_i32 = arith.constant 0 : i32
    %c0_i32_0 = arith.constant 0 : i32
    return %arg0, %c0_i32 : i32, i32
  }
  func.func @transform_4(%arg0: i32) -> (i32, i32) {
    %c0_i32 = arith.constant 0 : i32
    %c0_i32_0 = arith.constant 0 : i32
    %c0_i32_1 = arith.constant 0 : i32
    return %c0_i32, %c0_i32_0 : i32, i32
  }
  func.func @transform_5(%arg0: i32) -> (i32, i32) {
    %c0_i32 = arith.constant 0 : i32
    %c0_i32_0 = arith.constant 0 : i32
    %c0_i32_1 = arith.constant 0 : i32
    return %c0_i32, %c0_i32_0 : i32, i32
  }
  func.func @transform_6(%arg0: i32) -> (i32, i32) {
    %c0_i32 = arith.constant 0 : i32
    %c0_i32_0 = arith.constant 0 : i32
    %c0_i32_1 = arith.constant 0 : i32
    return %c0_i32, %c0_i32_0 : i32, i32
  }
  func.func @transform_7(%arg0: i32) -> (i32, i32) {
    %c0_i32 = arith.constant 0 : i32
    %c0_i32_0 = arith.constant 0 : i32
    %c0_i32_1 = arith.constant 0 : i32
    return %c0_i32, %c0_i32_0 : i32, i32
  }
  func.func @transform_8(%arg0: i32) -> (i32, i32) {
    %c0_i32 = arith.constant 0 : i32
    %c0_i32_0 = arith.constant 0 : i32
    %c0_i32_1 = arith.constant 0 : i32
    return %c0_i32, %c0_i32_0 : i32, i32
  }
  func.func @transform_9(%arg0: i32) -> (i32, i32) {
    %c0_i32 = arith.constant 0 : i32
    %c0_i32_0 = arith.constant 0 : i32
    %c0_i32_1 = arith.constant 0 : i32
    return %c0_i32, %c0_i32_0 : i32, i32
  }
  func.func @transform_10(%arg0: i32) -> (i32, i32) {
    %c0_i32 = arith.constant 0 : i32
    %c0_i32_0 = arith.constant 0 : i32
    %c0_i32_1 = arith.constant 0 : i32
    return %c0_i32, %c0_i32_0 : i32, i32
  }
  func.func @transform_11(%arg0: i32) -> (i32, i32) {
    %c0_i32 = arith.constant 0 : i32
    %c0_i32_0 = arith.constant 0 : i32
    %c0_i32_1 = arith.constant 0 : i32
    return %c0_i32, %c0_i32_0 : i32, i32
  }
  func.func @transform_12(%arg0: i32) -> (i32, i32) {
    %c0_i32 = arith.constant 0 : i32
    %c0_i32_0 = arith.constant 0 : i32
    %c0_i32_1 = arith.constant 0 : i32
    return %c0_i32, %c0_i32_0 : i32, i32
  }
  func.func @transform_13(%arg0: i32) -> (i32, i32) {
    %c0_i32 = arith.constant 0 : i32
    %c0_i32_0 = arith.constant 0 : i32
    return %arg0, %c0_i32 : i32, i32
  }
  func.func @transform_14(%arg0: i32) -> (i32, i32) {
    %c0_i32 = arith.constant 0 : i32
    %c0_i32_0 = arith.constant 0 : i32
    return %arg0, %c0_i32 : i32, i32
  }
  func.func @transform_15(%arg0: i32) -> (i32, i32) {
    %c0_i32 = arith.constant 0 : i32
    %c0_i32_0 = arith.constant 0 : i32
    return %arg0, %c0_i32 : i32, i32
  }
  func.func @transform_16(%arg0: i32) -> (i32, i32) {
    %c0_i32 = arith.constant 0 : i32
    %c0_i32_0 = arith.constant 0 : i32
    return %arg0, %c0_i32 : i32, i32
  }
  func.func @transform_17(%arg0: i32) -> (i32, i32) {
    %c0_i32 = arith.constant 0 : i32
    %c0_i32_0 = arith.constant 0 : i32
    return %arg0, %c0_i32 : i32, i32
  }
}

module attributes {stable_mosaic.version = 14 : i64} {
  func.func @_tc_step2_body(%arg0: i32, %arg1: memref<2000x128xf32, #tpu.memory_space<vmem>>, %arg2: memref<2000x128xf32, #tpu.memory_space<vmem>>, %arg3: memref<2x2000x128xf32, #tpu.memory_space<vmem>>, %arg4: memref<2000x128xf32, #tpu.memory_space<vmem>>, %arg5: memref<2000x128xf32, #tpu.memory_space<vmem>>, %arg6: memref<128x128xf32, #tpu.memory_space<vmem>>, %arg7: memref<1x128xf32, #tpu.memory_space<vmem>>, %arg8: memref<128x128xf32, #tpu.memory_space<vmem>>, %arg9: memref<128x128xf32, #tpu.memory_space<vmem>>, %arg10: memref<1x128xf32, #tpu.memory_space<vmem>>, %arg11: memref<128x128xf32, #tpu.memory_space<vmem>>, %arg12: memref<1x128xf32, #tpu.memory_space<vmem>>, %arg13: memref<2000x128xf32, #tpu.memory_space<vmem>>) attributes {dimension_semantics = [#tpu.dimension_semantics<arbitrary>], iteration_bounds = array<i64: 5>, scalar_prefetch = 0 : i64, scratch_operands = 0 : i64, tpu.core_type = #tpu.core_type<tc>, window_params = [{transform_indices = @transform_0, window_bounds = array<i64: 2000, 128>}, {transform_indices = @transform_1, window_bounds = array<i64: 2000, 128>}, {transform_indices = @transform_2, window_bounds = array<i64: 2, 2000, 128>}, {transform_indices = @transform_3, window_bounds = array<i64: 2000, 128>}, {transform_indices = @transform_4, window_bounds = array<i64: 2000, 128>}, {pipeline_mode = #tpu.pipeline_mode<synchronous>, transform_indices = @transform_5, window_bounds = array<i64: 128, 128>}, {pipeline_mode = #tpu.pipeline_mode<synchronous>, transform_indices = @transform_6, window_bounds = array<i64: 1, 128>}, {pipeline_mode = #tpu.pipeline_mode<synchronous>, transform_indices = @transform_7, window_bounds = array<i64: 128, 128>}, {pipeline_mode = #tpu.pipeline_mode<synchronous>, transform_indices = @transform_8, window_bounds = array<i64: 128, 128>}, {pipeline_mode = #tpu.pipeline_mode<synchronous>, transform_indices = @transform_9, window_bounds = array<i64: 1, 128>}, {pipeline_mode = #tpu.pipeline_mode<synchronous>, transform_indices = @transform_10, window_bounds = array<i64: 128, 128>}, {pipeline_mode = #tpu.pipeline_mode<synchronous>, transform_indices = @transform_11, window_bounds = array<i64: 1, 128>}, {transform_indices = @transform_12, window_bounds = array<i64: 2000, 128>}]} {
    %get3A = arith.constant 0 : index
    %get3A_0 = arith.constant 0 : index
    %get3A_1 = vector.load %arg1[%get3A, %get3A_0] : memref<2000x128xf32, #tpu.memory_space<vmem>>, vector<2000x128xf32>
    %slice3A = vector.extract_strided_slice %get3A_1 {offsets = [0, 0], sizes = [2000, 1], strides = [1, 1]} : vector<2000x128xf32> to vector<2000x1xf32>
    %get3A_2 = arith.constant 0 : index
    %get3A_3 = arith.constant 0 : index
    %get3A_4 = vector.load %arg2[%get3A_2, %get3A_3] : memref<2000x128xf32, #tpu.memory_space<vmem>>, vector<2000x128xf32>
    %get3A_5 = arith.constant 0 : index
    %get3A_6 = arith.constant 0 : index
    %get3A_7 = vector.load %arg6[%get3A_5, %get3A_6] : memref<128x128xf32, #tpu.memory_space<vmem>>, vector<128x128xf32>
    %dot_general3A = arith.constant dense<0.000000e+00> : vector<2000x128xf32>
    %dot_general3A_8 = tpu.matmul %get3A_4, %get3A_7, %dot_general3A {dimension_numbers = #tpu.dot_dimension_numbers<[1], [0], [0], [1], [0, 0, 1, 1], [], []>, precision = #tpu.contract_precision<fp32>, transpose_lhs_hint = false} : vector<2000x128xf32>, vector<128x128xf32>, vector<2000x128xf32> -> vector<2000x128xf32>
    %get3A_9 = arith.constant 0 : index
    %get3A_10 = arith.constant 0 : index
    %get3A_11 = arith.constant 0 : index
    %get3A_12 = vector.load %arg3[%get3A_9, %get3A_10, %get3A_11] : memref<2x2000x128xf32, #tpu.memory_space<vmem>>, vector<2x2000x128xf32>
    %reduce_sum3A = arith.constant dense<0.000000e+00> : vector<2000x128xf32>
    %reduce_sum3A_13 = vector.multi_reduction <add>, %get3A_12, %reduce_sum3A [0] : vector<2x2000x128xf32> to vector<2000x128xf32>
    %add3A = arith.addf %dot_general3A_8, %reduce_sum3A_13 : vector<2000x128xf32>
    %get3A_14 = arith.constant 0 : index
    %get3A_15 = arith.constant 0 : index
    %get3A_16 = vector.load %arg5[%get3A_14, %get3A_15] : memref<2000x128xf32, #tpu.memory_space<vmem>>, vector<2000x128xf32>
    %mul3A = vector.broadcast %slice3A : vector<2000x1xf32> to vector<2000x128xf32>
    %mul3A_17 = arith.mulf %mul3A, %get3A_16 : vector<2000x128xf32>
    %add3A_18 = arith.addf %add3A, %mul3A_17 : vector<2000x128xf32>
    %get3A_19 = arith.constant 0 : index
    %get3A_20 = arith.constant 0 : index
    %get3A_21 = vector.load %arg7[%get3A_19, %get3A_20] : memref<1x128xf32, #tpu.memory_space<vmem>>, vector<1x128xf32>
    %mul3A_22 = vector.broadcast %slice3A : vector<2000x1xf32> to vector<2000x128xf32>
    %mul3A_23 = vector.broadcast %get3A_21 : vector<1x128xf32> to vector<2000x128xf32>
    %mul3A_24 = arith.mulf %mul3A_22, %mul3A_23 : vector<2000x128xf32>
    %add3A_25 = arith.addf %add3A_18, %mul3A_24 : vector<2000x128xf32>
    %get3A_26 = arith.constant 0 : index
    %get3A_27 = arith.constant 0 : index
    %get3A_28 = vector.load %arg4[%get3A_26, %get3A_27] : memref<2000x128xf32, #tpu.memory_space<vmem>>, vector<2000x128xf32>
    %get3A_29 = arith.constant 0 : index
    %get3A_30 = arith.constant 0 : index
    %get3A_31 = vector.load %arg8[%get3A_29, %get3A_30] : memref<128x128xf32, #tpu.memory_space<vmem>>, vector<128x128xf32>
    %dot_general3A_32 = arith.constant dense<0.000000e+00> : vector<2000x128xf32>
    %dot_general3A_33 = tpu.matmul %get3A_28, %get3A_31, %dot_general3A_32 {dimension_numbers = #tpu.dot_dimension_numbers<[1], [0], [0], [1], [0, 0, 1, 1], [], []>, precision = #tpu.contract_precision<fp32>, transpose_lhs_hint = false} : vector<2000x128xf32>, vector<128x128xf32>, vector<2000x128xf32> -> vector<2000x128xf32>
    %get3A_34 = arith.constant 0 : index
    %get3A_35 = arith.constant 0 : index
    %get3A_36 = vector.load %arg9[%get3A_34, %get3A_35] : memref<128x128xf32, #tpu.memory_space<vmem>>, vector<128x128xf32>
    %dot_general3A_37 = arith.constant dense<0.000000e+00> : vector<2000x128xf32>
    %dot_general3A_38 = tpu.matmul %add3A_25, %get3A_36, %dot_general3A_37 {dimension_numbers = #tpu.dot_dimension_numbers<[1], [0], [0], [1], [0, 0, 1, 1], [], []>, precision = #tpu.contract_precision<fp32>, transpose_lhs_hint = false} : vector<2000x128xf32>, vector<128x128xf32>, vector<2000x128xf32> -> vector<2000x128xf32>
    %add3A_39 = arith.addf %dot_general3A_33, %dot_general3A_38 : vector<2000x128xf32>
    %get3A_40 = arith.constant 0 : index
    %get3A_41 = arith.constant 0 : index
    %get3A_42 = vector.load %arg10[%get3A_40, %get3A_41] : memref<1x128xf32, #tpu.memory_space<vmem>>, vector<1x128xf32>
    %add3A_43 = vector.broadcast %get3A_42 : vector<1x128xf32> to vector<2000x128xf32>
    %add3A_44 = arith.addf %add3A_39, %add3A_43 : vector<2000x128xf32>
    %get3A_45 = arith.constant 0 : index
    %get3A_46 = arith.constant 0 : index
    %get3A_47 = vector.load %arg11[%get3A_45, %get3A_46] : memref<128x128xf32, #tpu.memory_space<vmem>>, vector<128x128xf32>
    %dot_general3A_48 = arith.constant dense<0.000000e+00> : vector<2000x128xf32>
    %dot_general3A_49 = tpu.matmul %add3A_44, %get3A_47, %dot_general3A_48 {dimension_numbers = #tpu.dot_dimension_numbers<[1], [0], [0], [1], [0, 0, 1, 1], [], []>, precision = #tpu.contract_precision<fp32>, transpose_lhs_hint = false} : vector<2000x128xf32>, vector<128x128xf32>, vector<2000x128xf32> -> vector<2000x128xf32>
    %get3A_50 = arith.constant 0 : index
    %get3A_51 = arith.constant 0 : index
    %get3A_52 = vector.load %arg12[%get3A_50, %get3A_51] : memref<1x128xf32, #tpu.memory_space<vmem>>, vector<1x128xf32>
    %add3A_53 = vector.broadcast %get3A_52 : vector<1x128xf32> to vector<2000x128xf32>
    %add3A_54 = arith.addf %dot_general3A_49, %add3A_53 : vector<2000x128xf32>
    %swap3A = arith.constant 0 : index
    %swap3A_55 = arith.constant 0 : index
    %swap3A_56 = vector.load %arg13[%swap3A, %swap3A_55] : memref<2000x128xf32, #tpu.memory_space<vmem>>, vector<2000x128xf32>
    tpu.vector_store %arg13[%swap3A, %swap3A_55], %add3A_54 {strides = array<i32>} : memref<2000x128xf32, #tpu.memory_space<vmem>>, vector<2000x128xf32>,
    return
  }
  func.func @transform_0(%arg0: i32) -> (i32, i32) {
    %c0_i32 = arith.constant 0 : i32
    %c0_i32_0 = arith.constant 0 : i32
    return %arg0, %c0_i32 : i32, i32
  }
  func.func @transform_1(%arg0: i32) -> (i32, i32) {
    %c0_i32 = arith.constant 0 : i32
    %c0_i32_0 = arith.constant 0 : i32
    return %arg0, %c0_i32 : i32, i32
  }
  func.func @transform_2(%arg0: i32) -> (i32, i32, i32) {
    %c0_i32 = arith.constant 0 : i32
    %c0_i32_0 = arith.constant 0 : i32
    %c0_i32_1 = arith.constant 0 : i32
    return %c0_i32, %arg0, %c0_i32_0 : i32, i32, i32
  }
  func.func @transform_3(%arg0: i32) -> (i32, i32) {
    %c0_i32 = arith.constant 0 : i32
    %c0_i32_0 = arith.constant 0 : i32
    return %arg0, %c0_i32 : i32, i32
  }
  func.func @transform_4(%arg0: i32) -> (i32, i32) {
    %c0_i32 = arith.constant 0 : i32
    %c0_i32_0 = arith.constant 0 : i32
    return %arg0, %c0_i32 : i32, i32
  }
  func.func @transform_5(%arg0: i32) -> (i32, i32) {
    %c0_i32 = arith.constant 0 : i32
    %c0_i32_0 = arith.constant 0 : i32
    %c0_i32_1 = arith.constant 0 : i32
    return %c0_i32, %c0_i32_0 : i32, i32
  }
  func.func @transform_6(%arg0: i32) -> (i32, i32) {
    %c0_i32 = arith.constant 0 : i32
    %c0_i32_0 = arith.constant 0 : i32
    %c0_i32_1 = arith.constant 0 : i32
    return %c0_i32, %c0_i32_0 : i32, i32
  }
  func.func @transform_7(%arg0: i32) -> (i32, i32) {
    %c0_i32 = arith.constant 0 : i32
    %c0_i32_0 = arith.constant 0 : i32
    %c0_i32_1 = arith.constant 0 : i32
    return %c0_i32, %c0_i32_0 : i32, i32
  }
  func.func @transform_8(%arg0: i32) -> (i32, i32) {
    %c0_i32 = arith.constant 0 : i32
    %c0_i32_0 = arith.constant 0 : i32
    %c0_i32_1 = arith.constant 0 : i32
    return %c0_i32, %c0_i32_0 : i32, i32
  }
  func.func @transform_9(%arg0: i32) -> (i32, i32) {
    %c0_i32 = arith.constant 0 : i32
    %c0_i32_0 = arith.constant 0 : i32
    %c0_i32_1 = arith.constant 0 : i32
    return %c0_i32, %c0_i32_0 : i32, i32
  }
  func.func @transform_10(%arg0: i32) -> (i32, i32) {
    %c0_i32 = arith.constant 0 : i32
    %c0_i32_0 = arith.constant 0 : i32
    %c0_i32_1 = arith.constant 0 : i32
    return %c0_i32, %c0_i32_0 : i32, i32
  }
  func.func @transform_11(%arg0: i32) -> (i32, i32) {
    %c0_i32 = arith.constant 0 : i32
    %c0_i32_0 = arith.constant 0 : i32
    %c0_i32_1 = arith.constant 0 : i32
    return %c0_i32, %c0_i32_0 : i32, i32
  }
  func.func @transform_12(%arg0: i32) -> (i32, i32) {
    %c0_i32 = arith.constant 0 : i32
    %c0_i32_0 = arith.constant 0 : i32
    return %arg0, %c0_i32 : i32, i32
  }
}

</mosaic_0001>

<sc_bundles>
// kernel: kernel.11.cloned.1.call-start
scs
__scs_entry_jumppad:
0x0: {  	(pc) =	sbr.rel $0x88, $3  }
0x1: {  	(tag) =	ssettag $0x0;
	lr =	simm.s32 $0x1  }
0x2: {  	[smem:$0x3F82] =	sst lr;
	_ =	strace $0xD0000000  }
0x3: {  	_ = 	snop  }
0x4: {  	_ = 	snop  }
0x5: {  	_ = 	snop  }
0x6: {  	_ = 	snop  }
0x7: {  	_ = 	snop  }
__scs_overlays_trampoline_lowered:
0x8: {  	[smem:$0x3F91] =	sst s0  }
0x9: {  	[smem:$0x3F92] =	sst s1  }
0xa: {  	[smem:$0x3F93] =	sst s2  }
0xb: {  	[smem:$0x3F94] =	sst s3  }
0xc: {  	[smem:$0x3F95] =	sst s4  }
0xd: {  	[smem:$0x3F96] =	sst s5  }
0xe: {  	[smem:$0x3F97] =	sst s6  }
0xf: {  	[smem:$0x3F98] =	sst s7  }
0x10: {  	[smem:$0x3F99] =	sst s8  }
0x11: {  	[smem:$0x3F9A] =	sst s9;
	s0 =	simm.s32 @!p0 $0x0  }
0x12: {  	s1 =	sld [smem:$0x3F80];
	s0 =	simm.s32 @p0 $0x1  }
0x13: {  	[smem:$0x3F9B] =	sst s0;
	s0 =	simm.s32 @!p1 $0x0  }
0x14: {  	s2 =	sld [smem:$0x3F7F];
	s0 =	simm.s32 @p1 $0x1  }
0x15: {  	[smem:$0x3F9C] =	sst s0;
	s0 =	simm.s32 @!p2 $0x0  }
0x16: {  	s3 =	sld [smem:$0x3FDB];
	s0 =	simm.s32 @p2 $0x1  }
0x17: {  	s4 =	simm.s32 $0x1BF5;
	[smem:$0x3F9E] =	sst s0  }
0x18: {  	s0 =	sld [smem:$0x3F81];
	_ =	swait.ge [sflag:s4], $0x0  }
0x19: {  	s7 =	sld [smem:$0x3F82]  }
0x1a: {  	s8 =	sadd.s32 $0xFFFFE003, lr  }
0x1b: {  	s9 =	sadd.s32 $0xFFFFFEF7, lr;
	s5 =	simm.s32 $0xFFFFFFFF;
	p2 =	slt.u32 s8, $0xFFFFF086  }
0x1c: {  	p1 =	slt.u32 s9, $0xF7A;
	s5 =	simm.s32 @!p2 $0x0  }
0x1d: {  	s5 =	simm.s32 @p1 $0x1;
	p0 =	seq.s32 s7, s2  }
0x1e: {  	s7 =	smul.u32 @!p0 $0xF7A, s2;
	p2 =	seq.s32 @!p0 s5, $0x0  }
0x1f: {  	s9 =	smul.u32 $0xF7A, s1;
	s8 =	simm.s32 @!p0 $0x1BF5;
	p2 =	por !p2, p0  }
0x20: {  	[sflag:s8] =	ssyncset.s32 @!p0 $0xFFFFF086;
	s6 =	sadd.s32 @!p0 s3, s7;
	s7 =	simm.s32 @!p0 $0x108  }
0x21: {  	s3 =	sadd.s32 s3, s9;
	s6 =	sadd.s32 @!p0 $0x88, s6;
	s7 =	simm.s32 @p2 $0x1082  }
0x22: {  	[simem:s7], [sflag:s8] =	dma.local @!p0 [hbm:s6], $0xF7A  }
0x23: {  	s9 =	sor.u32 $0xD0000000, s2;
	s6 =	simm.s32 $0x108;
	_ =	swait.ge @!p0 [sflag:s8], $0x0  }
0x24: {  	s3 =	sadd.s32 $0x88, s3;
	s6 =	simm.s32 @!p1 $0x1082;
	[sflag:s4] =	ssyncset.s32 $0xFFFFF086  }
0x25: {  	[simem:s6], [sflag:s4] =	dma.local [hbm:s3], $0xF7A  }
0x26: {  	[smem:$0x3F82] =	sst s1;
	(tag) =	ssettag s2;
	_ =	strace s9  }
0x27: {  	s1 =	sld [smem:$0x3F92]  }
0x28: {  	s2 =	sld [smem:$0x3F93]  }
0x29: {  	s4 =	sld [smem:$0x3F95]  }
0x2a: {  	p0 =	seq.s32 s5, $0x0;
	s5 =	sld [smem:$0x3F96]  }
0x2b: {  	s6 =	sld [smem:$0x3F97]  }
0x2c: {  	s7 =	sld [smem:$0x3F98]  }
0x2d: {  	s3 =	simm.s32 $0x108;
	s8 =	sld [smem:$0x3F99]  }
0x2e: {  	s3 =	simm.s32 @!p0 $0x1082;
	s9 =	sld [smem:$0x3F9A]  }
0x2f: {  	lr =	sadd.s32 s0, s3;
	s0 =	sld [smem:$0x3F91]  }
0x30: {  	s3 =	sld [smem:$0x3F94]  }
0x31: {  	[smem:$0x3F9D] =	sst s10  }
0x32: {  	s10 =	sld [smem:$0x3F9B];
	_ =	sdelay $0x3  }
0x33: {  	p0 =	seq.s32 s10, $0x1;
	s10 =	sld [smem:$0x3F9D];
	_ =	sdelay $0x3  }
0x34: {  	[smem:$0x3F9D] =	sst s10  }
0x35: {  	s10 =	sld [smem:$0x3F9C];
	_ =	sdelay $0x3  }
0x36: {  	p1 =	seq.s32 s10, $0x1;
	s10 =	sld [smem:$0x3F9D];
	_ =	sdelay $0x3  }
0x37: {  	[smem:$0x3F9D] =	sst s10  }
0x38: {  	s10 =	sld [smem:$0x3F9E]  }
0x39: {  	_ = 	snop;
	(pc) =	sbr.ind lr, $3  }
0x3a: {  	_ = 	snop  }
0x3b: {  	_ = 	snop  }
0x3c: {  	p2 =	seq.s32 s10, $0x1;
	s10 =	sld [smem:$0x3F9D]  }
0x3d: {  	_ =	shalt  }
0x3e: {  	_ =	shalt  }
0x3f: {  	_ =	shalt  }
0x40: {  	_ =	shalt  }
0x41: {  	_ =	shalt  }
0x42: {  	_ =	shalt  }
0x43: {  	_ =	shalt  }
0x44: {  	_ =	shalt  }
0x45: {  	_ =	shalt  }
0x46: {  	_ =	shalt  }
0x47: {  	_ =	shalt  }
0x48: {  	_ =	shalt  }
0x49: {  	_ =	shalt  }
0x4a: {  	_ =	shalt  }
0x4b: {  	_ =	shalt  }
0x4c: {  	_ =	shalt  }
0x4d: {  	_ =	shalt  }
0x4e: {  	_ =	shalt  }
0x4f: {  	_ =	shalt  }
0x50: {  	_ =	shalt  }
0x51: {  	_ =	shalt  }
0x52: {  	_ =	shalt  }
0x53: {  	_ =	shalt  }
0x54: {  	_ =	shalt  }
0x55: {  	_ =	shalt  }
0x56: {  	_ =	shalt  }
0x57: {  	_ =	shalt  }
0x58: {  	_ =	shalt  }
0x59: {  	_ =	shalt  }
0x5a: {  	_ =	shalt  }
0x5b: {  	_ =	shalt  }
0x5c: {  	_ =	shalt  }
0x5d: {  	_ =	shalt  }
0x5e: {  	_ =	shalt  }
0x5f: {  	_ =	shalt  }
0x60: {  	_ =	shalt  }
0x61: {  	_ =	shalt  }
0x62: {  	_ =	shalt  }
0x63: {  	_ =	shalt  }
0x64: {  	_ =	shalt  }
0x65: {  	_ =	shalt  }
0x66: {  	_ =	shalt  }
0x67: {  	_ =	shalt  }
0x68: {  	_ =	shalt  }
0x69: {  	_ =	shalt  }
0x6a: {  	_ =	shalt  }
0x6b: {  	_ =	shalt  }
0x6c: {  	_ =	shalt  }
0x6d: {  	_ =	shalt  }
0x6e: {  	_ =	shalt  }
0x6f: {  	_ =	shalt  }
0x70: {  	_ =	shalt  }
0x71: {  	_ =	shalt  }
0x72: {  	_ =	shalt  }
0x73: {  	_ =	shalt  }
0x74: {  	_ =	shalt  }
0x75: {  	_ =	shalt  }
0x76: {  	_ =	shalt  }
0x77: {  	_ =	shalt  }
0x78: {  	_ =	shalt  }
0x79: {  	_ =	shalt  }
0x7a: {  	_ =	shalt  }
0x7b: {  	_ =	shalt  }
0x7c: {  	_ =	shalt  }
0x7d: {  	_ =	shalt  }
0x7e: {  	_ =	shalt  }
0x7f: {  	_ =	shalt  }
0x80: {  	_ =	shalt  }
0x81: {  	_ =	shalt  }
0x82: {  	_ =	shalt  }
0x83: {  	_ =	shalt  }
0x84: {  	_ =	shalt  }
0x85: {  	_ =	shalt  }
0x86: {  	_ =	shalt  }
0x87: {  	_ =	shalt  }
.Lfunc_end0:
.L_simem_size_0:
called_computation.1_lowered:
.L_overlay_start_0:
0x88: {  	s2 =	sld [smem:$0x3FD9]  }
0x89: {  	s3 =	sld [smem:$0x3FFE];
	_ =	sdelay $0x1  }
0x8a: {  	s1 =	srdreg.scid  }
0x8b: {  	s0 =	sand.u32 $0x1, s1  }
0x8c: {  	s16 =	sshll.u32 s0, $0xA;
	s2 =	sadd.s32 s3, s2  }
0x8d: {  	s2 =	sadd.s32 s2, s16  }
0x8e: {  	[smem:$0x3FA9] =	sst s2  }
0x8f: {  	_ = 	snop  }
0x90: {  	(tm) =	ssettm $0x1  }
0x91: {  	s17 =	sld [smem:$0x3FFB];
	_ =	sdelay $0x3  }
0x92: {  	_ =	strace s17  }
0x93: {  	s2 =	sld [smem:$0x3FFC];
	_ =	sdelay $0x3  }
0x94: {  	_ =	strace s2  }
0x95: {  	s2 =	sld [smem:$0x3FFD];
	_ =	sdelay $0x3  }
0x96: {  	_ =	strace s2  }
0x97: {  	_ =	strace $0x8FFFFFFF  }
0x98: {  	s18 =	sld [smem:$0x3FDB];
	_ =	sdelay $0x1  }
0x99: {  	s19 =	simm.s32 $_scs_section_size  }
0x9a: {  	s4 =	simm.s32 $_size__tile_overlayer_lowered;
	s5 =	simm.s32 $_tile_overlayer_lowered  }
0x9b: {  	s22 =	simm.s32 $0x1BFF;
	s21 =	sshll.u32 s5, $0x1;
	s2 =	sadd.s32 s19, s18  }
0x9c: {  	s6 =	simm.s32 $0x0;
	s20 =	sshll.u32 s4, $0x1;
	s4 =	sadd.s32 s21, s2  }
0x9d: {  	[timem:s6], [sflag:s22] =	dma.local [hbm:s4], s20  }
0x9e: {  	_ =	swait.ge [sflag:s22], s20  }
0x9f: {  	s3 =	ssub.s32 $0x0, s20;
	[sflag:s22] =	ssyncset.done $0x0  }
0xa0: {  	[sflag:s22] =	ssyncadd.s32 s3;
	_ =	sdelay $0x1  }
0xa1: {  	s23 =	simm.s32 $0x1B8B  }
0xa2: {  	_ =	swait.ge [sflag:s23], $0x1  }
0xa3: {  	[sflag:s23] =	ssyncset.done $0x0  }
0xa4: {  	s25 =	simm.s32 $0x1B8E;
	s24 =	sld [smem:$0x3FFE];
	[sflag:s23] =	ssyncadd.s32 $0xFFFFFFFF  }
0xa5: {  	s26 =	simm.s32 $execute0_lowered;
	[smem:$0x3FD2] =	sst s25  }
0xa6: {  	s4 =	sshll.u32 s26, $0x1;
	_ =	strace $0x80000049;
	[dreg:$0x1] =	wrdreg $0xFFFFFFFF  }
0xa7: {  	s28 =	simm.s32 $_size_execute0_lowered;
	s2 =	sadd.s32 s2, s4;
	[dreg:$0x0] =	wrdreg $0x0  }
0xa8: {  	s4 =	sshll.u32 s28, $0x1;
	[dreg:$0x2] =	wrdreg s2  }
0xa9: {  	[dreg:$0x3] =	wrdreg s4  }
0xaa: {  	[dreg:$0x4] =	wrdreg $0xC0  }
0xab: {  	_ =	task [dreg:s6], $0x5FFFF  }
0xac: {  	[dreg:$0x1] =	wrdreg $0xFFFFFFFF  }
0xad: {  	[dreg:$0x0] =	wrdreg $0x60  }
0xae: {  	[dreg:$0x2] =	wrdreg s24  }
0xaf: {  	[dreg:$0x3] =	wrdreg $0xA8000  }
0xb0: {  	[dreg:$0x4] =	wrdreg $0x9  }
0xb1: {  	_ =	task.clear_ibuf [dreg:s6], $0x5FFFF;
	_ =	strace $0x90000049  }
0xb2: {  	s29 =	simm.s32 $0x9;
	_ =	strace $0x8000004B  }
0xb3: {  	_ =	swait.ge [sflag:s29], $0x1  }
0xb4: {  	[sflag:s29] =	ssyncadd.s32 $0xFFFFFFFF  }
0xb5: {  	_ =	strace $0x9000004B  }
0xb6: {  	_ =	sfence  }
0xb7: {  	s30 =	sld [smem:$0x0];
	_ =	sdelay $0x2  }
0xb8: {  	s31 =	sshll.u32 s1, $0xD;
	s1 =	sshrl.u32 s1, $0x2  }
0xb9: {  	s3 =	sand.u32 $0x4000, s31;
	s1 =	sadd.s32 s1, s30  }
0xba: {  	s0 =	sor.u32 s3, s0;
	s1 =	sshll.u32 s1, $0x11  }
0xbb: {  	s0 =	sor.u32 s1, s0  }
0xbc: {  	s0 =	sadd.s32 $0x8F2B, s0  }
0xbd: {  	[sflag:s0] =	ssyncadd.remote.s32 $0x1  }
0xbe: {  	_ =	sfence.sel $0xFFFF  }
0xbf: {  	[dreg:$0x0] =	wrdreg $0xFFFFFFFF;
	(pc) =	sbr.abs _section_cstart, $3  }
0xc0: {  	[dreg:$0x1] =	wrdreg $0xFFFFFFFF  }
0xc1: {  	_ =	task.clear_ibuf [dreg:s6], $0x2FFFF;
	_ =	strace $0x9FFFFFFF  }
0xc2: {  	(tm) =	ssettm $0x7FFFFFFF  }
0xc3: {  	_ =	shalt  }
tec
execute0_lowered:
.L_overlay_start_1:
0x0: {  	(tag) =	ssettag $0x1  }
0x1: {  	s6 =	rddreg [dreg:$0x0]  }
0x2: {  	s1 =	rddreg [dreg:$0x1]  }
0x3: {  	s0 =	rddreg [dreg:$0x2];
	s2 =	simm.s32 $0x0;
	s4 =	srdreg.scid  }
0x4: {  	s15 =	simm.s32 $0x2800;
	s16 =	simm.s32 $0x2;
	s17 =	simm.s32 $0x2780  }
0x5: {  	s18 =	simm.s32 $0x6800;
	[smem:$0x7FF] =	sst s2;
	s3 =	sadd.s32 $0x1D200, s6  }
0x6: {  	s10 =	sadd.s32 $0x6C00, s6;
	s11 =	sadd.s32 $0x10C00, s6;
	s7 =	sand.u32 $0x1, s4  }
0x7: {  	s5 =	sadd.s32 $0x6B600, s6;
	s4 =	stileid.u32;
	s8 =	smul.u32 $0x27100, s7  }
0x8: {  	_ =	strace $0x8000004A;
	s9 =	ssub.s32 $0x2, s7;
	s13 =	smul.u32 $0x4E000, s4  }
0x9: {  	s12 =	sshll.u32 s4, $0x1;
	s30 =	sshll.u32 s4, $0x6;
	s20 =	smul.u32 $0x2700, s4  }
0xa: {  	s28 =	sshrl.u32 s9, $0x1;
	s7 =	sor.u32 s7, s12;
	s8 =	sadd.s32 s8, s6  }
0xb: {  	s29 =	sshrl.u32 s13, $0x2;
	s7 =	smul.u32 $0x2800, s7;
	s9 =	ssub.s32 s9, s28  }
0xc: {  	s6 =	sor.u32 $0x1C03, s30;
	s13 =	simm.s32 $0x3;
	s12 =	sadd.s32 s29, s1  }
0xd: {  	s19 =	sadd.s32 $0x6DE00, s8;
	s31 =	sshrl.u32 s7, $0x3;
	s7 =	smax.u32 s9, $0x1  }
0xe: {  	s12 =	sshrl.u32 s12, $0x3;
	s19 =	sadd.s32 s20, s19;
	s20 =	simm.s32 $0x0  }
0xf: {  	s8 =	sadd.s32 s10, s31;
	s14 =	sadd.s32 $0x280, s31;
	s9 =	sadd.s32 s11, s31  }
0x10: {  	s10 =	sadd.s32 s10, s14;
	s11 =	sadd.s32 s11, s14;
	s14 =	simm.s32 $0x7D  }
.LBB2_1:
0x11: {  	[spmem:s12], [sflag:s6] =	dma.local [hbm:s5], $0x2800  }
0x12: {  	_ =	swait.ge [sflag:s13], $0x2800  }
0x13: {  	[sflag:s13] =	ssyncset.done $0x0  }
0x14: {  	[sflag:s13] =	ssyncadd.s32 $0xFFFFD800  }
0x15: {  	[bflag:$0x0] =	sbarrier.arrive $0xFFFF  }
0x16: {  	[tilespmem:s2], [sflag:$0x3] =	stream.linear.gather [hbm4b:s8+s2], $0x1400, $0x38;
	[tilespmem:$0x1E080] =	vst v63  }
0x17: {  	_ =	swait.ge [sflag:s13], $0x1400  }
0x18: {  	[sflag:s13] =	ssyncset.done $0x0  }
0x19: {  	s21 =	simm.s32 $0x1400;
	[sflag:s13] =	ssyncadd.s32 $0xFFFFEC00  }
0x1a: {  	[tilespmem:s21], [sflag:$0x3] =	stream.linear.gather [hbm4b:s9+s2], $0x1400, $0x38;
	[tilespmem:$0x1E080] =	vst v63  }
0x1b: {  	_ =	swait.ge [sflag:s13], $0x1400  }
0x1c: {  	s22 =	sand.u32 $0x1, s2;
	[sflag:s13] =	ssyncset.done $0x0  }
0x1d: {  	s23 =	simm.s32 $0x80;
	p0 =	seq.s32 s22, $0x1;
	[sflag:s13] =	ssyncadd.s32 $0xFFFFEC00  }
0x1e: {  	[tilespmem:s15], [sflag:$0x1] =	stream.indirect.gather [hbm4b:s3+s14], $0x80, s2, s14, $0xb8;
	[tilespmem:$0x1E080] =	vst v63  }
0x1f: {  	s22 =	simm.s32 @p0 $0x7D;
	s24 =	simm.s32 @p0 $0x2800;
	s25 =	simm.s32 @p0 $0x2  }
0x20: {  	[tilespmem:s24], [sflag:$0x1] =	stream.indirect.gather @p0 [hbm4b:s3+s22], $0x80, s23, s22, $0xb8;
	[tilespmem:$0x1E080] =	vst v63  }
0x21: {  	_ =	swait.ge @p0 [sflag:s25], $0x3E80  }
0x22: {  	[sflag:s25] =	ssyncset.done @p0 $0x0  }
0x23: {  	s24 =	simm.s32 @p0 $0x6800;
	[sflag:s25] =	ssyncadd.s32 @p0 $0xFFFFC180  }
0x24: {  	[spmem:s1] =	stream.indirect.scatter.add.f32 @p0 [tilespmem:s24], [sflag:$0x3], $0x80, s21, s22, $0xb8;
	[tilespmem:$0x1E080] =	vst v63  }
0x25: {  	s25 =	simm.s32 @!p0 $0x1;
	s22 =	simm.s32 @!p0 $0x7D;
	s24 =	simm.s32 @!p0 $0x6800  }
0x26: {  	[tilespmem:s24], [sflag:$0x2] =	stream.indirect.gather @!p0 [hbm4b:s3+s22], $0x80, s23, s22, $0xb8;
	[tilespmem:$0x1E080] =	vst v63  }
0x27: {  	_ =	swait.ge @!p0 [sflag:s25], $0x3E80  }
0x28: {  	s26 =	simm.s32 $0x1;
	s24 =	simm.s32 @!p0 $0x4;
	[sflag:s25] =	ssyncset.done @!p0 $0x0  }
0x29: {  	s23 =	simm.s32 @!p0 $0x2800;
	s24 =	simm.s32 @p0 $0x3;
	[sflag:s25] =	ssyncadd.s32 @!p0 $0xFFFFC180  }
0x2a: {  	[spmem:s1] =	stream.indirect.scatter.add.f32 @!p0 [tilespmem:s23], [sflag:$0x4], $0x80, s21, s22, $0xb8;
	[tilespmem:$0x1E080] =	vst v63  }
0x2b: {  	s25 =	sand.u32 $0x1, s26;
	s23 =	simm.s32 $0x2;
	_ =	swait.ge [sflag:s24], $0x3E80  }
0x2c: {  	s22 =	simm.s32 $0x100;
	s21 =	simm.s32 $0x1480;
	[sflag:s24] =	ssyncset.done $0x0  }
.LBB2_2:
0x2d: {  	p0 =	seq.s32 s25, $0x1  }
0x2e: {  	[sflag:s24] =	ssyncadd.s32 $0xFFFFC180;
	s25 =	smov.u32 s23;
	s23 =	sadd.s32 $0x1, s23  }
0x2f: {  	s26 =	simm.s32 @p0 $0x7D;
	s24 =	simm.s32 @p0 $0x2800;
	s28 =	simm.s32 @p0 $0x2  }
0x30: {  	[tilespmem:s24], [sflag:$0x1] =	stream.indirect.gather @p0 [hbm4b:s3+s26], $0x80, s22, s26, $0xb8;
	[tilespmem:$0x1E080] =	vst v63  }
0x31: {  	p1 =	sne.s32 s23, $0x27;
	s24 =	simm.s32 @!p0 $0x4;
	_ =	swait.ge @p0 [sflag:s28], $0x3E80  }
0x32: {  	[sflag:s28] =	ssyncset.done @p0 $0x0  }
0x33: {  	[sflag:s28] =	ssyncadd.s32 @p0 $0xFFFFC180;
	s28 =	simm.s32 @p0 $0x6800  }
0x34: {  	[spmem:s1] =	stream.indirect.scatter.add.f32 @p0 [tilespmem:s28], [sflag:$0x3], $0x80, s21, s26, $0xb8;
	[tilespmem:$0x1E080] =	vst v63  }
0x35: {  	s29 =	simm.s32 @!p0 $0x1;
	s26 =	simm.s32 @!p0 $0x7D;
	s28 =	simm.s32 @!p0 $0x6800  }
0x36: {  	[tilespmem:s28], [sflag:$0x2] =	stream.indirect.gather @!p0 [hbm4b:s3+s26], $0x80, s22, s26, $0xb8;
	[tilespmem:$0x1E080] =	vst v63  }
0x37: {  	_ =	swait.ge @!p0 [sflag:s29], $0x3E80  }
.Ltmp0:
0x38: {  	[sflag:s29] =	ssyncset.done @!p0 $0x0;
	(pc) =	sbr.rel @p1 .LBB2_2-.Ltmp0, $4  }
0x39: {  	s24 =	simm.s32 @p0 $0x3;
	s28 =	simm.s32 @!p0 $0x2800;
	[sflag:s29] =	ssyncadd.s32 @!p0 $0xFFFFC180  }
0x3a: {  	[spmem:s1] =	stream.indirect.scatter.add.f32 @!p0 [tilespmem:s28], [sflag:$0x4], $0x80, s21, s26, $0xb8;
	[tilespmem:$0x1E080] =	vst v63  }
0x3b: {  	s22 =	sadd.s32 $0x80, s22;
	_ =	swait.ge [sflag:s24], $0x3E80  }
0x3c: {  	s25 =	sand.u32 $0x1, s25;
	s21 =	sadd.s32 $0x80, s21;
	[sflag:s24] =	ssyncset.done $0x0  }
0x3d: {  	p0 =	seq.s32 s25, $0x1;
	[sflag:s24] =	ssyncadd.s32 $0xFFFFC180  }
0x3e: {  	s23 =	simm.s32 @p0 $0x7D;
	s24 =	simm.s32 @p0 $0x2800;
	s25 =	simm.s32 @p0 $0x2  }
0x3f: {  	[tilespmem:s24], [sflag:$0x1] =	stream.indirect.gather @p0 [hbm4b:s3+s23], $0x80, s22, s23, $0xb8;
	[tilespmem:$0x1E080] =	vst v63  }
0x40: {  	_ =	swait.ge @p0 [sflag:s25], $0x3E80  }
0x41: {  	[sflag:s25] =	ssyncset.done @p0 $0x0  }
0x42: {  	s24 =	simm.s32 @p0 $0x6800;
	[sflag:s25] =	ssyncadd.s32 @p0 $0xFFFFC180  }
0x43: {  	[spmem:s1] =	stream.indirect.scatter.add.f32 @p0 [tilespmem:s24], [sflag:$0x3], $0x80, s21, s23, $0xb8;
	[tilespmem:$0x1E080] =	vst v63  }
0x44: {  	s25 =	simm.s32 @!p0 $0x1;
	s23 =	simm.s32 @!p0 $0x7D;
	s24 =	simm.s32 @!p0 $0x6800  }
0x45: {  	[tilespmem:s24], [sflag:$0x2] =	stream.indirect.gather @!p0 [hbm4b:s3+s23], $0x80, s22, s23, $0xb8;
	[tilespmem:$0x1E080] =	vst v63  }
0x46: {  	_ =	swait.ge @!p0 [sflag:s25], $0x3E80  }
0x47: {  	s22 =	simm.s32 @!p0 $0x4;
	[sflag:s25] =	ssyncset.done @!p0 $0x0  }
0x48: {  	s24 =	simm.s32 @!p0 $0x2800;
	s22 =	simm.s32 @p0 $0x3;
	[sflag:s25] =	ssyncadd.s32 @!p0 $0xFFFFC180  }
0x49: {  	[spmem:s1] =	stream.indirect.scatter.add.f32 @!p0 [tilespmem:s24], [sflag:$0x4], $0x80, s21, s23, $0xb8;
	[tilespmem:$0x1E080] =	vst v63  }
0x4a: {  	_ =	swait.ge [sflag:s22], $0x3E80  }
0x4b: {  	[sflag:s22] =	ssyncset.done $0x0  }
0x4c: {  	[sflag:s22] =	ssyncadd.s32 $0xFFFFC180  }
0x4d: {  	_ =	swait.ge [sflag:s16], $0x3E80  }
0x4e: {  	[sflag:s16] =	ssyncset.done $0x0  }
0x4f: {  	[sflag:s16] =	ssyncadd.s32 $0xFFFFC180  }
0x50: {  	[spmem:s1] =	stream.indirect.scatter.add.f32 [tilespmem:s18], [sflag:$0x3], $0x80, s17, s14, $0xb8;
	[tilespmem:$0x1E080] =	vst v63  }
0x51: {  	_ =	swait.ge [sflag:s13], $0x3E80  }
0x52: {  	[sflag:s13] =	ssyncset.done $0x0  }
0x53: {  	s31 =	simm.s32 $0x0;
	[sflag:s13] =	ssyncadd.s32 $0xFFFFC180  }
0x54: {  	[tilespmem:s31], [sflag:$0x3] =	stream.linear.gather [hbm4b:s10+s31], $0x1400, $0x38;
	[tilespmem:$0x1E080] =	vst v63  }
0x55: {  	_ =	swait.ge [sflag:s13], $0x1400  }
0x56: {  	[sflag:s13] =	ssyncset.done $0x0  }
0x57: {  	s22 =	simm.s32 $0x1400;
	[sflag:s13] =	ssyncadd.s32 $0xFFFFEC00  }
0x58: {  	[tilespmem:s22], [sflag:$0x3] =	stream.linear.gather [hbm4b:s11+s31], $0x1400, $0x38;
	[tilespmem:$0x1E080] =	vst v63  }
0x59: {  	_ =	swait.ge [sflag:s13], $0x1400  }
0x5a: {  	s21 =	sand.u32 $0x1, s31;
	[sflag:s13] =	ssyncset.done $0x0  }
0x5b: {  	s23 =	simm.s32 $0x80;
	p0 =	seq.s32 s21, $0x0;
	[sflag:s13] =	ssyncadd.s32 $0xFFFFEC00  }
0x5c: {  	[tilespmem:s15], [sflag:$0x1] =	stream.indirect.gather [hbm4b:s3+s14], $0x80, s31, s14, $0xb8;
	[tilespmem:$0x1E080] =	vst v63  }
0x5d: {  	s21 =	simm.s32 @p0 $0x7D;
	s24 =	simm.s32 @p0 $0x6800;
	s25 =	simm.s32 @p0 $0x1  }
0x5e: {  	[tilespmem:s24], [sflag:$0x2] =	stream.indirect.gather @p0 [hbm4b:s3+s21], $0x80, s23, s21, $0xb8;
	[tilespmem:$0x1E080] =	vst v63  }
0x5f: {  	_ =	swait.ge @p0 [sflag:s25], $0x3E80  }
0x60: {  	[sflag:s25] =	ssyncset.done @p0 $0x0  }
0x61: {  	s24 =	simm.s32 @p0 $0x2800;
	[sflag:s25] =	ssyncadd.s32 @p0 $0xFFFFC180  }
0x62: {  	[spmem:s1] =	stream.indirect.scatter.add.f32 @p0 [tilespmem:s24], [sflag:$0x4], $0x80, s22, s21, $0xb8;
	[tilespmem:$0x1E080] =	vst v63  }
0x63: {  	s25 =	simm.s32 @!p0 $0x2;
	s21 =	simm.s32 @!p0 $0x7D;
	s24 =	simm.s32 @!p0 $0x2800  }
0x64: {  	[tilespmem:s24], [sflag:$0x1] =	stream.indirect.gather @!p0 [hbm4b:s3+s21], $0x80, s23, s21, $0xb8;
	[tilespmem:$0x1E080] =	vst v63  }
0x65: {  	_ =	swait.ge @!p0 [sflag:s25], $0x3E80  }
0x66: {  	s26 =	simm.s32 $0x1;
	s24 =	simm.s32 @!p0 $0x3;
	[sflag:s25] =	ssyncset.done @!p0 $0x0  }
0x67: {  	s23 =	simm.s32 @!p0 $0x6800;
	s24 =	simm.s32 @p0 $0x4;
	[sflag:s25] =	ssyncadd.s32 @!p0 $0xFFFFC180  }
0x68: {  	[spmem:s1] =	stream.indirect.scatter.add.f32 @!p0 [tilespmem:s23], [sflag:$0x3], $0x80, s22, s21, $0xb8;
	[tilespmem:$0x1E080] =	vst v63  }
0x69: {  	s25 =	sand.u32 $0x1, s26;
	s23 =	simm.s32 $0x2;
	_ =	swait.ge [sflag:s24], $0x3E80  }
0x6a: {  	s22 =	simm.s32 $0x100;
	s21 =	simm.s32 $0x1480;
	[sflag:s24] =	ssyncset.done $0x0  }
.LBB2_4:
0x6b: {  	p0 =	seq.s32 s25, $0x0  }
0x6c: {  	[sflag:s24] =	ssyncadd.s32 $0xFFFFC180;
	s25 =	smov.u32 s23;
	s23 =	sadd.s32 $0x1, s23  }
0x6d: {  	s26 =	simm.s32 @p0 $0x7D;
	s24 =	simm.s32 @p0 $0x6800;
	s28 =	simm.s32 @p0 $0x1  }
0x6e: {  	[tilespmem:s24], [sflag:$0x2] =	stream.indirect.gather @p0 [hbm4b:s3+s26], $0x80, s22, s26, $0xb8;
	[tilespmem:$0x1E080] =	vst v63  }
0x6f: {  	p1 =	sne.s32 s23, $0x27;
	s24 =	simm.s32 @!p0 $0x3;
	_ =	swait.ge @p0 [sflag:s28], $0x3E80  }
0x70: {  	[sflag:s28] =	ssyncset.done @p0 $0x0  }
0x71: {  	[sflag:s28] =	ssyncadd.s32 @p0 $0xFFFFC180;
	s28 =	simm.s32 @p0 $0x2800  }
0x72: {  	[spmem:s1] =	stream.indirect.scatter.add.f32 @p0 [tilespmem:s28], [sflag:$0x4], $0x80, s21, s26, $0xb8;
	[tilespmem:$0x1E080] =	vst v63  }
0x73: {  	s29 =	simm.s32 @!p0 $0x2;
	s26 =	simm.s32 @!p0 $0x7D;
	s28 =	simm.s32 @!p0 $0x2800  }
0x74: {  	[tilespmem:s28], [sflag:$0x1] =	stream.indirect.gather @!p0 [hbm4b:s3+s26], $0x80, s22, s26, $0xb8;
	[tilespmem:$0x1E080] =	vst v63  }
0x75: {  	_ =	swait.ge @!p0 [sflag:s29], $0x3E80  }
.Ltmp1:
0x76: {  	[sflag:s29] =	ssyncset.done @!p0 $0x0;
	(pc) =	sbr.rel @p1 .LBB2_4-.Ltmp1, $4  }
0x77: {  	s24 =	simm.s32 @p0 $0x4;
	s28 =	simm.s32 @!p0 $0x6800;
	[sflag:s29] =	ssyncadd.s32 @!p0 $0xFFFFC180  }
0x78: {  	[spmem:s1] =	stream.indirect.scatter.add.f32 @!p0 [tilespmem:s28], [sflag:$0x3], $0x80, s21, s26, $0xb8;
	[tilespmem:$0x1E080] =	vst v63  }
0x79: {  	s22 =	sadd.s32 $0x80, s22;
	_ =	swait.ge [sflag:s24], $0x3E80  }
0x7a: {  	s25 =	sand.u32 $0x1, s25;
	s21 =	sadd.s32 $0x80, s21;
	[sflag:s24] =	ssyncset.done $0x0  }
0x7b: {  	p0 =	seq.s32 s25, $0x0;
	[sflag:s24] =	ssyncadd.s32 $0xFFFFC180  }
0x7c: {  	s23 =	simm.s32 @p0 $0x7D;
	s24 =	simm.s32 @p0 $0x6800;
	s25 =	simm.s32 @p0 $0x1  }
0x7d: {  	[tilespmem:s24], [sflag:$0x2] =	stream.indirect.gather @p0 [hbm4b:s3+s23], $0x80, s22, s23, $0xb8;
	[tilespmem:$0x1E080] =	vst v63  }
0x7e: {  	_ =	swait.ge @p0 [sflag:s25], $0x3E80  }
0x7f: {  	[sflag:s25] =	ssyncset.done @p0 $0x0  }
0x80: {  	s24 =	simm.s32 @p0 $0x2800;
	[sflag:s25] =	ssyncadd.s32 @p0 $0xFFFFC180  }
0x81: {  	[spmem:s1] =	stream.indirect.scatter.add.f32 @p0 [tilespmem:s24], [sflag:$0x4], $0x80, s21, s23, $0xb8;
	[tilespmem:$0x1E080] =	vst v63  }
0x82: {  	s25 =	simm.s32 @!p0 $0x2;
	s23 =	simm.s32 @!p0 $0x7D;
	s24 =	simm.s32 @!p0 $0x2800  }
0x83: {  	[tilespmem:s24], [sflag:$0x1] =	stream.indirect.gather @!p0 [hbm4b:s3+s23], $0x80, s22, s23, $0xb8;
	[tilespmem:$0x1E080] =	vst v63  }
0x84: {  	_ =	swait.ge @!p0 [sflag:s25], $0x3E80  }
0x85: {  	s22 =	simm.s32 @!p0 $0x3;
	[sflag:s25] =	ssyncset.done @!p0 $0x0  }
0x86: {  	s24 =	simm.s32 @!p0 $0x6800;
	s22 =	simm.s32 @p0 $0x4;
	[sflag:s25] =	ssyncadd.s32 @!p0 $0xFFFFC180  }
0x87: {  	[spmem:s1] =	stream.indirect.scatter.add.f32 @!p0 [tilespmem:s24], [sflag:$0x3], $0x80, s21, s23, $0xb8;
	[tilespmem:$0x1E080] =	vst v63  }
0x88: {  	_ =	swait.ge [sflag:s22], $0x3E80  }
0x89: {  	[sflag:s22] =	ssyncset.done $0x0  }
0x8a: {  	[sflag:s22] =	ssyncadd.s32 $0xFFFFC180  }
0x8b: {  	_ =	swait.ge [sflag:s16], $0x3E80  }
0x8c: {  	[sflag:s16] =	ssyncset.done $0x0  }
0x8d: {  	[sflag:s16] =	ssyncadd.s32 $0xFFFFC180  }
0x8e: {  	[spmem:s1] =	stream.indirect.scatter.add.f32 [tilespmem:s18], [sflag:$0x3], $0x80, s17, s14, $0xb8;
	[tilespmem:$0x1E080] =	vst v63  }
0x8f: {  	_ =	swait.ge [sflag:s13], $0x3E80  }
0x90: {  	s20 =	sadd.s32 $0x1, s20;
	[sflag:s13] =	ssyncset.done $0x0  }
0x91: {  	p0 =	sne.s32 s20, s7;
	[sflag:s13] =	ssyncadd.s32 $0xFFFFC180  }
.Ltmp2:
0x92: {  	[bflag:$0x0] =	sbarrier.arrive $0xFFFF;
	(pc) =	sbr.rel @p0 .LBB2_1-.Ltmp2, $4  }
0x93: {  	[hbm:s19], [sflag:s6] =	dma.local [spmem:s12], $0x2800  }
0x94: {  	_ =	swait.ge [sflag:s13], $0x2800  }
0x95: {  	[sflag:s13] =	ssyncset.done $0x0  }
0x96: {  	[sflag:s13] =	ssyncadd.s32 $0xFFFFD800  }
0x97: {  	_ =	sfence.sel $0x180000  }
0x98: {  	[bflag:$0x0] =	sbarrier.arrive $0xFFFF  }
0x99: {  	p0 =	sne.s32 s4, $0x0;
	_ =	strace $0x9000004A  }
0x9a: {  	s0 =	sadd.s32 @!p0 $0x100000, s0;
	[bflag:$0x2] =	sbarrier.arrive $0xFFFF  }
0x9b: {  	[sflag:s0] =	ssyncadd.tile.s32 @!p0 $0x1;
	_ =	shalt  }
.Lfunc_end2:
_tile_overlayer_lowered:
.L_overlay_start_2:
0x9c: {  	(tag) =	ssettag $0x2  }
0x9d: {  	s0 =	rddreg [dreg:$0x0];
	s2 =	stileid.u32  }
0x9e: {  	s1 =	rddreg [dreg:$0x1];
	p0 =	sne.s32 s2, $0x0  }
0x9f: {  	s3 =	rddreg [dreg:$0x2];
	[bflag:$0x3] =	sbarrier.arrive $0xFFFF;
	s2 =	simm.s32 @!p0 $0x1C03  }
0xa0: {  	[timem:s3], [sflag:s2] =	dma.local @!p0 [hbm:s0], s1  }
0xa1: {  	s0 =	simm.s32 @!p0 $0x3  }
0xa2: {  	_ =	swait.ge @!p0 [sflag:s0], s1  }
0xa3: {  	s1 =	ssub.s32 @!p0 $0x0, s1;
	[sflag:s0] =	ssyncset.done @!p0 $0x0  }
0xa4: {  	[sflag:s0] =	ssyncadd.s32 @!p0 s1  }
0xa5: {  	[bflag:$0x3] =	sbarrier.arrive $0xFFFF  }
0xa6: {  	_ =	shalt  }

// kernel: kernel.8.cloned.1.call-start
scs
__scs_entry_jumppad:
0x0: {  	(pc) =	sbr.rel $0x88, $3  }
0x1: {  	(tag) =	ssettag $0x0;
	lr =	simm.s32 $0x1  }
0x2: {  	[smem:$0x3F82] =	sst lr;
	_ =	strace $0xD0000000  }
0x3: {  	_ = 	snop  }
0x4: {  	_ = 	snop  }
0x5: {  	_ = 	snop  }
0x6: {  	_ = 	snop  }
0x7: {  	_ = 	snop  }
__scs_overlays_trampoline_lowered:
0x8: {  	[smem:$0x3F91] =	sst s0  }
0x9: {  	[smem:$0x3F92] =	sst s1  }
0xa: {  	[smem:$0x3F93] =	sst s2  }
0xb: {  	[smem:$0x3F94] =	sst s3  }
0xc: {  	[smem:$0x3F95] =	sst s4  }
0xd: {  	[smem:$0x3F96] =	sst s5  }
0xe: {  	[smem:$0x3F97] =	sst s6  }
0xf: {  	[smem:$0x3F98] =	sst s7  }
0x10: {  	[smem:$0x3F99] =	sst s8  }
0x11: {  	[smem:$0x3F9A] =	sst s9;
	s0 =	simm.s32 @!p0 $0x0  }
0x12: {  	s1 =	sld [smem:$0x3F80];
	s0 =	simm.s32 @p0 $0x1  }
0x13: {  	[smem:$0x3F9B] =	sst s0;
	s0 =	simm.s32 @!p1 $0x0  }
0x14: {  	s2 =	sld [smem:$0x3F7F];
	s0 =	simm.s32 @p1 $0x1  }
0x15: {  	[smem:$0x3F9C] =	sst s0;
	s0 =	simm.s32 @!p2 $0x0  }
0x16: {  	s3 =	sld [smem:$0x3FDB];
	s0 =	simm.s32 @p2 $0x1  }
0x17: {  	s4 =	simm.s32 $0x1BF5;
	[smem:$0x3F9E] =	sst s0  }
0x18: {  	s0 =	sld [smem:$0x3F81];
	_ =	swait.ge [sflag:s4], $0x0  }
0x19: {  	s7 =	sld [smem:$0x3F82]  }
0x1a: {  	s8 =	sadd.s32 $0xFFFFE003, lr  }
0x1b: {  	s9 =	sadd.s32 $0xFFFFFEF7, lr;
	s5 =	simm.s32 $0xFFFFFFFF;
	p2 =	slt.u32 s8, $0xFFFFF086  }
0x1c: {  	p1 =	slt.u32 s9, $0xF7A;
	s5 =	simm.s32 @!p2 $0x0  }
0x1d: {  	s5 =	simm.s32 @p1 $0x1;
	p0 =	seq.s32 s7, s2  }
0x1e: {  	s7 =	smul.u32 @!p0 $0xF7A, s2;
	p2 =	seq.s32 @!p0 s5, $0x0  }
0x1f: {  	s9 =	smul.u32 $0xF7A, s1;
	s8 =	simm.s32 @!p0 $0x1BF5;
	p2 =	por !p2, p0  }
0x20: {  	[sflag:s8] =	ssyncset.s32 @!p0 $0xFFFFF086;
	s6 =	sadd.s32 @!p0 s3, s7;
	s7 =	simm.s32 @!p0 $0x108  }
0x21: {  	s3 =	sadd.s32 s3, s9;
	s6 =	sadd.s32 @!p0 $0x88, s6;
	s7 =	simm.s32 @p2 $0x1082  }
0x22: {  	[simem:s7], [sflag:s8] =	dma.local @!p0 [hbm:s6], $0xF7A  }
0x23: {  	s9 =	sor.u32 $0xD0000000, s2;
	s6 =	simm.s32 $0x108;
	_ =	swait.ge @!p0 [sflag:s8], $0x0  }
0x24: {  	s3 =	sadd.s32 $0x88, s3;
	s6 =	simm.s32 @!p1 $0x1082;
	[sflag:s4] =	ssyncset.s32 $0xFFFFF086  }
0x25: {  	[simem:s6], [sflag:s4] =	dma.local [hbm:s3], $0xF7A  }
0x26: {  	[smem:$0x3F82] =	sst s1;
	(tag) =	ssettag s2;
	_ =	strace s9  }
0x27: {  	s1 =	sld [smem:$0x3F92]  }
0x28: {  	s2 =	sld [smem:$0x3F93]  }
0x29: {  	s4 =	sld [smem:$0x3F95]  }
0x2a: {  	p0 =	seq.s32 s5, $0x0;
	s5 =	sld [smem:$0x3F96]  }
0x2b: {  	s6 =	sld [smem:$0x3F97]  }
0x2c: {  	s7 =	sld [smem:$0x3F98]  }
0x2d: {  	s3 =	simm.s32 $0x108;
	s8 =	sld [smem:$0x3F99]  }
0x2e: {  	s3 =	simm.s32 @!p0 $0x1082;
	s9 =	sld [smem:$0x3F9A]  }
0x2f: {  	lr =	sadd.s32 s0, s3;
	s0 =	sld [smem:$0x3F91]  }
0x30: {  	s3 =	sld [smem:$0x3F94]  }
0x31: {  	[smem:$0x3F9D] =	sst s10  }
0x32: {  	s10 =	sld [smem:$0x3F9B];
	_ =	sdelay $0x3  }
0x33: {  	p0 =	seq.s32 s10, $0x1;
	s10 =	sld [smem:$0x3F9D];
	_ =	sdelay $0x3  }
0x34: {  	[smem:$0x3F9D] =	sst s10  }
0x35: {  	s10 =	sld [smem:$0x3F9C];
	_ =	sdelay $0x3  }
0x36: {  	p1 =	seq.s32 s10, $0x1;
	s10 =	sld [smem:$0x3F9D];
	_ =	sdelay $0x3  }
0x37: {  	[smem:$0x3F9D] =	sst s10  }
0x38: {  	s10 =	sld [smem:$0x3F9E]  }
0x39: {  	_ = 	snop;
	(pc) =	sbr.ind lr, $3  }
0x3a: {  	_ = 	snop  }
0x3b: {  	_ = 	snop  }
0x3c: {  	p2 =	seq.s32 s10, $0x1;
	s10 =	sld [smem:$0x3F9D]  }
0x3d: {  	_ =	shalt  }
0x3e: {  	_ =	shalt  }
0x3f: {  	_ =	shalt  }
0x40: {  	_ =	shalt  }
0x41: {  	_ =	shalt  }
0x42: {  	_ =	shalt  }
0x43: {  	_ =	shalt  }
0x44: {  	_ =	shalt  }
0x45: {  	_ =	shalt  }
0x46: {  	_ =	shalt  }
0x47: {  	_ =	shalt  }
0x48: {  	_ =	shalt  }
0x49: {  	_ =	shalt  }
0x4a: {  	_ =	shalt  }
0x4b: {  	_ =	shalt  }
0x4c: {  	_ =	shalt  }
0x4d: {  	_ =	shalt  }
0x4e: {  	_ =	shalt  }
0x4f: {  	_ =	shalt  }
0x50: {  	_ =	shalt  }
0x51: {  	_ =	shalt  }
0x52: {  	_ =	shalt  }
0x53: {  	_ =	shalt  }
0x54: {  	_ =	shalt  }
0x55: {  	_ =	shalt  }
0x56: {  	_ =	shalt  }
0x57: {  	_ =	shalt  }
0x58: {  	_ =	shalt  }
0x59: {  	_ =	shalt  }
0x5a: {  	_ =	shalt  }
0x5b: {  	_ =	shalt  }
0x5c: {  	_ =	shalt  }
0x5d: {  	_ =	shalt  }
0x5e: {  	_ =	shalt  }
0x5f: {  	_ =	shalt  }
0x60: {  	_ =	shalt  }
0x61: {  	_ =	shalt  }
0x62: {  	_ =	shalt  }
0x63: {  	_ =	shalt  }
0x64: {  	_ =	shalt  }
0x65: {  	_ =	shalt  }
0x66: {  	_ =	shalt  }
0x67: {  	_ =	shalt  }
0x68: {  	_ =	shalt  }
0x69: {  	_ =	shalt  }
0x6a: {  	_ =	shalt  }
0x6b: {  	_ =	shalt  }
0x6c: {  	_ =	shalt  }
0x6d: {  	_ =	shalt  }
0x6e: {  	_ =	shalt  }
0x6f: {  	_ =	shalt  }
0x70: {  	_ =	shalt  }
0x71: {  	_ =	shalt  }
0x72: {  	_ =	shalt  }
0x73: {  	_ =	shalt  }
0x74: {  	_ =	shalt  }
0x75: {  	_ =	shalt  }
0x76: {  	_ =	shalt  }
0x77: {  	_ =	shalt  }
0x78: {  	_ =	shalt  }
0x79: {  	_ =	shalt  }
0x7a: {  	_ =	shalt  }
0x7b: {  	_ =	shalt  }
0x7c: {  	_ =	shalt  }
0x7d: {  	_ =	shalt  }
0x7e: {  	_ =	shalt  }
0x7f: {  	_ =	shalt  }
0x80: {  	_ =	shalt  }
0x81: {  	_ =	shalt  }
0x82: {  	_ =	shalt  }
0x83: {  	_ =	shalt  }
0x84: {  	_ =	shalt  }
0x85: {  	_ =	shalt  }
0x86: {  	_ =	shalt  }
0x87: {  	_ =	shalt  }
.Lfunc_end0:
.L_simem_size_0:
called_computation_lowered:
.L_overlay_start_0:
0x88: {  	s2 =	sld [smem:$0x3FD9]  }
0x89: {  	s3 =	sld [smem:$0x3FFE];
	_ =	sdelay $0x1  }
0x8a: {  	s1 =	srdreg.scid  }
0x8b: {  	s0 =	sand.u32 $0x1, s1  }
0x8c: {  	s17 =	sshll.u32 s0, $0xA;
	s2 =	sadd.s32 s3, s2  }
0x8d: {  	s2 =	sadd.s32 s2, s17  }
0x8e: {  	[smem:$0x3FA9] =	sst s2  }
0x8f: {  	_ = 	snop  }
0x90: {  	s2 =	sld [smem:$0x3FD0];
	(tm) =	ssettm $0x1  }
0x91: {  	s18 =	sld [smem:$0x3FFB];
	_ =	sdelay $0x3  }
0x92: {  	_ =	strace s18  }
0x93: {  	s3 =	sld [smem:$0x3FFC];
	_ =	sdelay $0x3  }
0x94: {  	_ =	strace s3  }
0x95: {  	s3 =	sld [smem:$0x3FFD];
	_ =	sdelay $0x3  }
0x96: {  	_ =	strace s3  }
0x97: {  	_ =	strace $0x8FFFFFFF  }
0x98: {  	s19 =	sld [smem:$0x3FDB];
	_ =	sdelay $0x1  }
0x99: {  	s4 =	simm.s32 $_scs_section_size  }
0x9a: {  	s5 =	simm.s32 $_size__tile_overlayer_lowered;
	s6 =	simm.s32 $_tile_overlayer_lowered  }
0x9b: {  	s22 =	simm.s32 $0x1BFF;
	s21 =	sshll.u32 s6, $0x1;
	s3 =	sadd.s32 s4, s19  }
0x9c: {  	s7 =	simm.s32 $0x0;
	s20 =	sshll.u32 s5, $0x1;
	s5 =	sadd.s32 s21, s3  }
0x9d: {  	[timem:s7], [sflag:s22] =	dma.local [hbm:s5], s20  }
0x9e: {  	_ =	swait.ge [sflag:s22], s20  }
0x9f: {  	s4 =	ssub.s32 $0x0, s20;
	[sflag:s22] =	ssyncset.done $0x0  }
0xa0: {  	[sflag:s22] =	ssyncadd.s32 s4;
	_ =	sdelay $0x1  }
0xa1: {  	s23 =	simm.s32 $0x1B8B  }
0xa2: {  	_ =	swait.ge [sflag:s23], $0x1  }
0xa3: {  	[sflag:s23] =	ssyncset.done $0x0  }
0xa4: {  	s25 =	simm.s32 $0x1B8E;
	s24 =	sld [smem:$0x3FFE];
	[sflag:s23] =	ssyncadd.s32 $0xFFFFFFFF  }
0xa5: {  	s26 =	simm.s32 $execute0_lowered;
	[smem:$0x3FD2] =	sst s25  }
0xa6: {  	s5 =	sshll.u32 s26, $0x1;
	_ =	strace $0x80000046;
	[dreg:$0x1] =	wrdreg $0xFFFFFFFF  }
0xa7: {  	s28 =	simm.s32 $_size_execute0_lowered;
	s3 =	sadd.s32 s3, s5;
	[dreg:$0x0] =	wrdreg $0x0  }
0xa8: {  	s5 =	sshll.u32 s28, $0x1;
	[dreg:$0x2] =	wrdreg s3  }
0xa9: {  	[dreg:$0x3] =	wrdreg s5  }
0xaa: {  	[dreg:$0x4] =	wrdreg $0xC0  }
0xab: {  	_ =	task [dreg:s7], $0x5FFFF  }
0xac: {  	[dreg:$0x1] =	wrdreg $0xFFFFFFFF  }
0xad: {  	[dreg:$0x0] =	wrdreg $0x60  }
0xae: {  	[dreg:$0x2] =	wrdreg s24  }
0xaf: {  	[dreg:$0x3] =	wrdreg s2  }
0xb0: {  	[dreg:$0x4] =	wrdreg $0xA8000  }
0xb1: {  	[dreg:$0x5] =	wrdreg $0x9  }
0xb2: {  	_ =	task.clear_ibuf [dreg:s7], $0x6FFFF;
	_ =	strace $0x90000046  }
0xb3: {  	s29 =	simm.s32 $0x9;
	_ =	strace $0x80000048  }
0xb4: {  	_ =	swait.ge [sflag:s29], $0x1  }
0xb5: {  	[sflag:s29] =	ssyncadd.s32 $0xFFFFFFFF  }
0xb6: {  	_ =	strace $0x90000048  }
0xb7: {  	_ =	sfence  }
0xb8: {  	s30 =	sld [smem:$0x0];
	_ =	sdelay $0x2  }
0xb9: {  	s31 =	sshll.u32 s1, $0xD;
	s1 =	sshrl.u32 s1, $0x2  }
0xba: {  	s3 =	sand.u32 $0x4000, s31;
	s1 =	sadd.s32 s1, s30  }
0xbb: {  	s0 =	sor.u32 s3, s0;
	s1 =	sshll.u32 s1, $0x11  }
0xbc: {  	s0 =	sor.u32 s1, s0  }
0xbd: {  	s0 =	sadd.s32 $0x8F2B, s0  }
0xbe: {  	[sflag:s0] =	ssyncadd.remote.s32 $0x1  }
0xbf: {  	_ =	sfence.sel $0xFFFF  }
0xc0: {  	[dreg:$0x0] =	wrdreg $0xFFFFFFFF;
	(pc) =	sbr.abs _section_cstart, $3  }
0xc1: {  	[dreg:$0x1] =	wrdreg $0xFFFFFFFF  }
0xc2: {  	_ =	task.clear_ibuf [dreg:s7], $0x2FFFF;
	_ =	strace $0x9FFFFFFF  }
0xc3: {  	(tm) =	ssettm $0x7FFFFFFF  }
tec
execute0_lowered:
.L_overlay_start_1:
0x0: {  	(tag) =	ssettag $0x1  }
0x1: {  	s0 =	rddreg [dreg:$0x0];
	s1 =	srdreg.scid  }
0x2: {  	s16 =	stileid.u32;
	s2 =	rddreg [dreg:$0x1]  }
0x3: {  	s3 =	rddreg [dreg:$0x2];
	s18 =	simm.s32 $0x3;
	s19 =	simm.s32 $0x2800  }
0x4: {  	s20 =	simm.s32 $0x2;
	s21 =	simm.s32 $0x7D;
	s22 =	simm.s32 $0x2780  }
0x5: {  	s1 =	sand.u32 $0x1, s1;
	s4 =	sshll.u32 s16, $0x1;
	s9 =	smul.u32 $0x4E000, s16  }
0x6: {  	s15 =	sadd.s32 $0x6C00, s0;
	s12 =	sadd.s32 $0x10C00, s0;
	s6 =	smul.u32 $0x27100, s1  }
0x7: {  	s7 =	sor.u32 s1, s4;
	s8 =	ssub.s32 $0x2, s1;
	s1 =	smul.u32 $0x28000, s1  }
0x8: {  	s25 =	sshll.u32 s16, $0x6;
	s4 =	simm.s32 $0x0;
	s5 =	smul.u32 $0x28000, s7  }
0x9: {  	[smem:$0x7FF] =	sst s4;
	s10 =	sshrl.u32 s8, $0x1;
	s24 =	sshrl.u32 s9, $0x2  }
0xa: {  	s26 =	smul.u32 $0x2800, s7;
	s7 =	sor.u32 $0x1C03, s25;
	_ =	strace $0x80000047  }
0xb: {  	s11 =	sadd.s32 s6, s0;
	s6 =	sadd.s32 s24, s3;
	s24 =	smul.u32 $0x2700, s16  }
0xc: {  	s10 =	ssub.s32 s8, s10;
	s8 =	sadd.s32 $0x9CB400, s0;
	s16 =	smul.u32 $0x50000, s16  }
0xd: {  	s13 =	sadd.s32 s5, s0;
	s5 =	sadd.s32 $0x6B600, s0;
	[dreg:$0x4] =	wrdreg s6  }
0xe: {  	s23 =	sadd.s32 $0x6DE00, s11;
	s25 =	sadd.s32 $0xBC000, s11;
	s28 =	smax.u32 s10, $0x1  }
0xf: {  	s14 =	sshrl.u32 s26, $0x3;
	s26 =	simm.s32 $0x0;
	[dreg:$0x5] =	wrdreg s28  }
0x10: {  	s10 =	sadd.s32 s12, s14;
	s29 =	sadd.s32 $0x9CAC00, s13;
	s17 =	sadd.s32 $0x280, s14  }
0x11: {  	s30 =	sadd.s32 $0x9DEC00, s13;
	s31 =	sadd.s32 s15, s14;
	s16 =	sadd.s32 s1, s16  }
0x12: {  	s23 =	sadd.s32 s24, s23;
	s24 =	sadd.s32 s24, s25;
	[dreg:$0x6] =	wrdreg s29  }
0x13: {  	s25 =	simm.s32 $0x6800;
	s12 =	sadd.s32 s12, s17;
	[dreg:$0x7] =	wrdreg s30  }
0x14: {  	[dreg:$0x8] =	wrdreg s31;
	s15 =	sadd.s32 s15, s17;
	s17 =	sadd.s32 $0x9DF400, s0  }
.LBB2_1:
0x15: {  	s0 =	rddreg [dreg:$0x4]  }
0x16: {  	s28 =	sshrl.u32 s0, $0x3  }
0x17: {  	[spmem:s28], [sflag:s7] =	dma.local [hbm:s5], $0x2800  }
0x18: {  	_ =	swait.ge [sflag:s18], $0x2800  }
0x19: {  	[sflag:s18] =	ssyncset.done $0x0  }
0x1a: {  	[sflag:s18] =	ssyncadd.s32 $0xFFFFD800  }
0x1b: {  	s0 =	simm.s32 $0x1400;
	[bflag:$0x0] =	sbarrier.arrive $0xFFFF  }
0x1c: {  	[tilespmem:s0], [sflag:$0x3] =	stream.linear.gather [hbm4b:s10+s4], $0x1400, $0x38;
	[tilespmem:$0x1E080] =	vst v63  }
0x1d: {  	s14 =	sand.u32 $0x1, s4;
	_ =	swait.ge [sflag:s18], $0x1400  }
0x1e: {  	p0 =	seq.s32 s14, $0x1;
	[sflag:s18] =	ssyncset.done $0x0  }
0x1f: {  	s29 =	simm.s32 @p0 $0x0;
	s1 =	rddreg [dreg:$0x6];
	[sflag:s18] =	ssyncadd.s32 $0xFFFFEC00  }
0x20: {  	[tilespmem:s19], [sflag:$0x1] =	stream.linear.gather [hbm4b:s1+s4], $0x3E80, $0x38;
	[tilespmem:$0x1E080] =	vst v63  }
0x21: {  	s30 =	simm.s32 @p0 $0x2800;
	s31 =	simm.s32 @p0 $0x2;
	s1 =	sadd.s32 @p0 s16, s8  }
0x22: {  	[tilespmem:s30], [sflag:$0x1] =	stream.linear.gather @p0 [hbm4b:s1+s29], $0x3E80, $0x38;
	[tilespmem:$0x1E080] =	vst v63  }
0x23: {  	_ =	swait.ge @p0 [sflag:s31], $0x3E80  }
0x24: {  	s6 =	simm.s32 @!p0 $0x1;
	s1 =	sand.u32 @!p0 $0x1FFFF000, s16;
	[sflag:s31] =	ssyncset.done @p0 $0x0  }
0x25: {  	s29 =	simm.s32 @p0 $0x7D;
	s30 =	simm.s32 @p0 $0x6800;
	[sflag:s31] =	ssyncadd.s32 @p0 $0xFFFFC180  }
0x26: {  	[spmem:s3] =	stream.indirect.scatter.add.f32 @p0 [tilespmem:s30], [sflag:$0x3], $0x80, s0, s29, $0xb8;
	[tilespmem:$0x1E080] =	vst v63  }
0x27: {  	s1 =	sadd.s32 @!p0 s1, s8;
	s29 =	simm.s32 @!p0 $0x0;
	s30 =	simm.s32 @!p0 $0x6800  }
0x28: {  	[tilespmem:s30], [sflag:$0x2] =	stream.linear.gather @!p0 [hbm4b:s1+s29], $0x3E80, $0x38;
	[tilespmem:$0x1E080] =	vst v63  }
0x29: {  	s31 =	simm.s32 @!p0 $0x4;
	_ =	swait.ge @!p0 [sflag:s6], $0x3E80  }
0x2a: {  	s31 =	simm.s32 @p0 $0x3;
	[sflag:s6] =	ssyncset.done @!p0 $0x0  }
0x2b: {  	s1 =	simm.s32 @!p0 $0x7D;
	[sflag:s6] =	ssyncadd.s32 @!p0 $0xFFFFC180;
	s6 =	simm.s32 @!p0 $0x2800  }
0x2c: {  	[spmem:s3] =	stream.indirect.scatter.add.f32 @!p0 [tilespmem:s6], [sflag:$0x4], $0x80, s0, s1, $0xb8;
	[tilespmem:$0x1E080] =	vst v63  }
0x2d: {  	s30 =	simm.s32 $0x1;
	s29 =	simm.s32 $0x1480;
	s1 =	simm.s32 $0x2  }
0x2e: {  	s0 =	sand.u32 $0x1, s30;
	s30 =	sadd.s32 $0x800, s16;
	_ =	swait.ge [sflag:s31], $0x3E80  }
.LBB2_2:
0x2f: {  	p0 =	seq.s32 s0, $0x1;
	[sflag:s31] =	ssyncset.done $0x0  }
0x30: {  	s0 =	smov.u32 s1;
	s1 =	sadd.s32 $0x1, s1;
	s6 =	smov.u32 s29  }
0x31: {  	s9 =	sadd.s32 @p0 s30, s8;
	s11 =	simm.s32 @p0 $0x0;
	[sflag:s31] =	ssyncadd.s32 $0xFFFFC180  }
0x32: {  	s31 =	simm.s32 @p0 $0x2800;
	s13 =	simm.s32 @p0 $0x2;
	s14 =	sand.u32 @!p0 $0x1FFFF000, s30  }
0x33: {  	[tilespmem:s31], [sflag:$0x1] =	stream.linear.gather @p0 [hbm4b:s9+s11], $0x3E80, $0x38;
	[tilespmem:$0x1E080] =	vst v63  }
0x34: {  	s9 =	sadd.s32 @!p0 s14, s8;
	s31 =	simm.s32 @!p0 $0x4;
	_ =	swait.ge @p0 [sflag:s13], $0x3E80  }
0x35: {  	p1 =	sne.s32 s1, $0x27;
	[sflag:s13] =	ssyncset.done @p0 $0x0  }
0x36: {  	s11 =	simm.s32 @p0 $0x7D;
	[sflag:s13] =	ssyncadd.s32 @p0 $0xFFFFC180;
	s13 =	simm.s32 @p0 $0x6800  }
0x37: {  	[spmem:s3] =	stream.indirect.scatter.add.f32 @p0 [tilespmem:s13], [sflag:$0x3], $0x80, s29, s11, $0xb8;
	[tilespmem:$0x1E080] =	vst v63  }
0x38: {  	s14 =	simm.s32 @!p0 $0x1;
	s11 =	simm.s32 @!p0 $0x0;
	s13 =	simm.s32 @!p0 $0x6800  }
0x39: {  	[tilespmem:s13], [sflag:$0x2] =	stream.linear.gather @!p0 [hbm4b:s9+s11], $0x3E80, $0x38;
	[tilespmem:$0x1E080] =	vst v63  }
.Ltmp0:
0x3a: {  	_ =	swait.ge @!p0 [sflag:s14], $0x3E80;
	(pc) =	sbr.rel @p1 .LBB2_2-.Ltmp0, $4  }
0x3b: {  	s31 =	simm.s32 @p0 $0x3;
	s29 =	sadd.s32 $0x80, s29;
	[sflag:s14] =	ssyncset.done @!p0 $0x0  }
0x3c: {  	s9 =	simm.s32 @!p0 $0x7D;
	s11 =	simm.s32 @!p0 $0x2800;
	[sflag:s14] =	ssyncadd.s32 @!p0 $0xFFFFC180  }
0x3d: {  	[spmem:s3] =	stream.indirect.scatter.add.f32 @!p0 [tilespmem:s11], [sflag:$0x4], $0x80, s6, s9, $0xb8;
	[tilespmem:$0x1E080] =	vst v63  }
0x3e: {  	s0 =	sand.u32 $0x1, s0;
	s30 =	sadd.s32 $0x800, s30;
	_ =	swait.ge [sflag:s31], $0x3E80  }
0x3f: {  	p0 =	seq.s32 s0, $0x1  }
0x40: {  	[sflag:s31] =	ssyncset.done $0x0;
	s0 =	sadd.s32 @p0 s30, s8;
	s1 =	simm.s32 @p0 $0x0  }
0x41: {  	[sflag:s31] =	ssyncadd.s32 $0xFFFFC180;
	s6 =	simm.s32 @p0 $0x2800;
	s9 =	simm.s32 @p0 $0x2  }
0x42: {  	[tilespmem:s6], [sflag:$0x1] =	stream.linear.gather @p0 [hbm4b:s0+s1], $0x3E80, $0x38;
	[tilespmem:$0x1E080] =	vst v63  }
0x43: {  	_ =	swait.ge @p0 [sflag:s9], $0x3E80  }
0x44: {  	s0 =	sand.u32 @!p0 $0x1FFFF000, s30;
	s1 =	simm.s32 @p0 $0x7D;
	[sflag:s9] =	ssyncset.done @p0 $0x0  }
0x45: {  	s6 =	simm.s32 @p0 $0x6800;
	s0 =	sadd.s32 @!p0 s0, s8;
	[sflag:s9] =	ssyncadd.s32 @p0 $0xFFFFC180  }
0x46: {  	[spmem:s3] =	stream.indirect.scatter.add.f32 @p0 [tilespmem:s6], [sflag:$0x3], $0x80, s29, s1, $0xb8;
	[tilespmem:$0x1E080] =	vst v63  }
0x47: {  	s9 =	simm.s32 @!p0 $0x1;
	s1 =	simm.s32 @!p0 $0x0;
	s6 =	simm.s32 @!p0 $0x6800  }
0x48: {  	[tilespmem:s6], [sflag:$0x2] =	stream.linear.gather @!p0 [hbm4b:s0+s1], $0x3E80, $0x38;
	[tilespmem:$0x1E080] =	vst v63  }
0x49: {  	_ =	swait.ge @!p0 [sflag:s9], $0x3E80  }
0x4a: {  	s0 =	simm.s32 @!p0 $0x4;
	s1 =	simm.s32 @!p0 $0x7D;
	[sflag:s9] =	ssyncset.done @!p0 $0x0  }
0x4b: {  	s6 =	simm.s32 @!p0 $0x2800;
	s0 =	simm.s32 @p0 $0x3;
	[sflag:s9] =	ssyncadd.s32 @!p0 $0xFFFFC180  }
0x4c: {  	[spmem:s3] =	stream.indirect.scatter.add.f32 @!p0 [tilespmem:s6], [sflag:$0x4], $0x80, s29, s1, $0xb8;
	[tilespmem:$0x1E080] =	vst v63  }
0x4d: {  	_ =	swait.ge [sflag:s0], $0x3E80  }
0x4e: {  	[sflag:s0] =	ssyncset.done $0x0  }
0x4f: {  	[sflag:s0] =	ssyncadd.s32 $0xFFFFC180  }
0x50: {  	_ =	swait.ge [sflag:s20], $0x3E80  }
0x51: {  	[sflag:s20] =	ssyncset.done $0x0  }
0x52: {  	[sflag:s20] =	ssyncadd.s32 $0xFFFFC180  }
0x53: {  	[spmem:s3] =	stream.indirect.scatter.add.f32 [tilespmem:s25], [sflag:$0x3], $0x80, s22, s21, $0xb8;
	[tilespmem:$0x1E080] =	vst v63  }
0x54: {  	_ =	swait.ge [sflag:s18], $0x3E80  }
0x55: {  	s11 =	simm.s32 $0x0;
	[sflag:s18] =	ssyncset.done $0x0  }
0x56: {  	s6 =	simm.s32 $0x1400;
	s0 =	sand.u32 $0x1, s11;
	[sflag:s18] =	ssyncadd.s32 $0xFFFFC180  }
0x57: {  	[tilespmem:s6], [sflag:$0x3] =	stream.linear.gather [hbm4b:s12+s11], $0x1400, $0x38;
	[tilespmem:$0x1E080] =	vst v63  }
0x58: {  	p0 =	seq.s32 s0, $0x0;
	s0 =	sadd.s32 $0x14000, s16;
	_ =	swait.ge [sflag:s18], $0x1400  }
0x59: {  	s0 =	sand.u32 @p0 $0x1FFFF000, s0;
	[sflag:s18] =	ssyncset.done $0x0  }
0x5a: {  	s1 =	simm.s32 @p0 $0x1;
	s13 =	rddreg [dreg:$0x7];
	[sflag:s18] =	ssyncadd.s32 $0xFFFFEC00  }
0x5b: {  	[tilespmem:s19], [sflag:$0x1] =	stream.linear.gather [hbm4b:s13+s11], $0x3E80, $0x38;
	[tilespmem:$0x1E080] =	vst v63  }
0x5c: {  	s9 =	simm.s32 @p0 $0x0;
	s0 =	sadd.s32 @p0 s0, s8;
	s11 =	simm.s32 @p0 $0x6800  }
0x5d: {  	[tilespmem:s11], [sflag:$0x2] =	stream.linear.gather @p0 [hbm4b:s0+s9], $0x3E80, $0x38;
	[tilespmem:$0x1E080] =	vst v63  }
0x5e: {  	_ =	swait.ge @p0 [sflag:s1], $0x3E80  }
0x5f: {  	s14 =	simm.s32 $0x1;
	s13 =	simm.s32 @!p0 $0x2800;
	[sflag:s1] =	ssyncset.done @p0 $0x0  }
0x60: {  	s11 =	simm.s32 @p0 $0x2800;
	[sflag:s1] =	ssyncadd.s32 @p0 $0xFFFFC180;
	s1 =	simm.s32 @p0 $0x7D  }
0x61: {  	[spmem:s3] =	stream.indirect.scatter.add.f32 @p0 [tilespmem:s11], [sflag:$0x4], $0x80, s6, s1, $0xb8;
	[tilespmem:$0x1E080] =	vst v63  }
0x62: {  	s9 =	simm.s32 @!p0 $0x2;
	s1 =	sadd.s32 @!p0 s16, s17;
	s11 =	simm.s32 @!p0 $0x0  }
0x63: {  	[tilespmem:s13], [sflag:$0x1] =	stream.linear.gather @!p0 [hbm4b:s1+s11], $0x3E80, $0x38;
	[tilespmem:$0x1E080] =	vst v63  }
0x64: {  	s31 =	simm.s32 $0x2;
	s30 =	sadd.s32 $0x800, s16;
	_ =	swait.ge @!p0 [sflag:s9], $0x3E80  }
0x65: {  	s11 =	simm.s32 @!p0 $0x6800;
	s1 =	simm.s32 @!p0 $0x3;
	[sflag:s9] =	ssyncset.done @!p0 $0x0  }
0x66: {  	s1 =	simm.s32 @p0 $0x4;
	[sflag:s9] =	ssyncadd.s32 @!p0 $0xFFFFC180;
	s9 =	simm.s32 @!p0 $0x7D  }
0x67: {  	[spmem:s3] =	stream.indirect.scatter.add.f32 @!p0 [tilespmem:s11], [sflag:$0x3], $0x80, s6, s9, $0xb8;
	[tilespmem:$0x1E080] =	vst v63  }
0x68: {  	s29 =	simm.s32 $0x1480;
	s0 =	sand.u32 $0x1, s14;
	_ =	swait.ge [sflag:s1], $0x3E80  }
0x69: {  	p0 =	seq.s32 s0, $0x0;
	s0 =	sadd.s32 $0x14000, s30;
	[sflag:s1] =	ssyncset.done $0x0  }
.LBB2_4:
0x6a: {  	s0 =	sand.u32 @p0 $0x1FFFF000, s0;
	s6 =	simm.s32 @p0 $0x1  }
0x6b: {  	[sflag:s1] =	ssyncadd.s32 $0xFFFFC180;
	s9 =	smov.u32 s31;
	s11 =	smov.u32 s29  }
0x6c: {  	s1 =	simm.s32 @p0 $0x0;
	s13 =	simm.s32 @p0 $0x6800;
	s0 =	sadd.s32 @p0 s0, s8  }
0x6d: {  	[tilespmem:s13], [sflag:$0x2] =	stream.linear.gather @p0 [hbm4b:s0+s1], $0x3E80, $0x38;
	[tilespmem:$0x1E080] =	vst v63  }
0x6e: {  	s31 =	sadd.s32 $0x1, s31;
	_ =	swait.ge @p0 [sflag:s6], $0x3E80  }
0x6f: {  	p1 =	sne.s32 s31, $0x27;
	s0 =	simm.s32 @!p0 $0x2;
	[sflag:s6] =	ssyncset.done @p0 $0x0  }
0x70: {  	s1 =	simm.s32 @p0 $0x7D;
	[sflag:s6] =	ssyncadd.s32 @p0 $0xFFFFC180;
	s6 =	simm.s32 @p0 $0x2800  }
0x71: {  	[spmem:s3] =	stream.indirect.scatter.add.f32 @p0 [tilespmem:s6], [sflag:$0x4], $0x80, s29, s1, $0xb8;
	[tilespmem:$0x1E080] =	vst v63  }
0x72: {  	s13 =	simm.s32 @!p0 $0x2800;
	s1 =	sadd.s32 @!p0 s30, s17;
	s6 =	simm.s32 @!p0 $0x0  }
0x73: {  	[tilespmem:s13], [sflag:$0x1] =	stream.linear.gather @!p0 [hbm4b:s1+s6], $0x3E80, $0x38;
	[tilespmem:$0x1E080] =	vst v63  }
0x74: {  	s29 =	sadd.s32 $0x80, s29;
	s6 =	simm.s32 @!p0 $0x6800;
	_ =	swait.ge @!p0 [sflag:s0], $0x3E80  }
.Ltmp1:
0x75: {  	s1 =	simm.s32 @!p0 $0x3;
	[sflag:s0] =	ssyncset.done @!p0 $0x0;
	(pc) =	sbr.rel @p1 .LBB2_4-.Ltmp1, $4  }
0x76: {  	s1 =	simm.s32 @p0 $0x4;
	[sflag:s0] =	ssyncadd.s32 @!p0 $0xFFFFC180;
	s0 =	simm.s32 @!p0 $0x7D  }
0x77: {  	[spmem:s3] =	stream.indirect.scatter.add.f32 @!p0 [tilespmem:s6], [sflag:$0x3], $0x80, s11, s0, $0xb8;
	[tilespmem:$0x1E080] =	vst v63  }
0x78: {  	s30 =	sadd.s32 $0x800, s30;
	s0 =	sand.u32 $0x1, s9;
	_ =	swait.ge [sflag:s1], $0x3E80  }
0x79: {  	p0 =	seq.s32 s0, $0x0;
	s0 =	sadd.s32 $0x14000, s30;
	[sflag:s1] =	ssyncset.done $0x0  }
0x7a: {  	s0 =	sand.u32 @p0 $0x1FFFF000, s0;
	s6 =	simm.s32 @p0 $0x1;
	[sflag:s1] =	ssyncadd.s32 $0xFFFFC180  }
0x7b: {  	s1 =	simm.s32 @p0 $0x0;
	s9 =	simm.s32 @p0 $0x6800;
	s0 =	sadd.s32 @p0 s0, s8  }
0x7c: {  	[tilespmem:s9], [sflag:$0x2] =	stream.linear.gather @p0 [hbm4b:s0+s1], $0x3E80, $0x38;
	[tilespmem:$0x1E080] =	vst v63  }
0x7d: {  	_ =	swait.ge @p0 [sflag:s6], $0x3E80  }
0x7e: {  	s0 =	simm.s32 @!p0 $0x2;
	[sflag:s6] =	ssyncset.done @p0 $0x0  }
0x7f: {  	s1 =	simm.s32 @p0 $0x7D;
	[sflag:s6] =	ssyncadd.s32 @p0 $0xFFFFC180;
	s6 =	simm.s32 @p0 $0x2800  }
0x80: {  	[spmem:s3] =	stream.indirect.scatter.add.f32 @p0 [tilespmem:s6], [sflag:$0x4], $0x80, s29, s1, $0xb8;
	[tilespmem:$0x1E080] =	vst v63  }
0x81: {  	s9 =	simm.s32 @!p0 $0x2800;
	s1 =	sadd.s32 @!p0 s30, s17;
	s6 =	simm.s32 @!p0 $0x0  }
0x82: {  	[tilespmem:s9], [sflag:$0x1] =	stream.linear.gather @!p0 [hbm4b:s1+s6], $0x3E80, $0x38;
	[tilespmem:$0x1E080] =	vst v63  }
0x83: {  	_ =	swait.ge @!p0 [sflag:s0], $0x3E80  }
0x84: {  	s1 =	simm.s32 @!p0 $0x6800;
	s6 =	simm.s32 @!p0 $0x3;
	[sflag:s0] =	ssyncset.done @!p0 $0x0  }
0x85: {  	s6 =	simm.s32 @p0 $0x4;
	[sflag:s0] =	ssyncadd.s32 @!p0 $0xFFFFC180;
	s0 =	simm.s32 @!p0 $0x7D  }
0x86: {  	[spmem:s3] =	stream.indirect.scatter.add.f32 @!p0 [tilespmem:s1], [sflag:$0x3], $0x80, s29, s0, $0xb8;
	[tilespmem:$0x1E080] =	vst v63  }
0x87: {  	_ =	swait.ge [sflag:s6], $0x3E80  }
0x88: {  	[sflag:s6] =	ssyncset.done $0x0  }
0x89: {  	[sflag:s6] =	ssyncadd.s32 $0xFFFFC180  }
0x8a: {  	_ =	swait.ge [sflag:s20], $0x3E80  }
0x8b: {  	[sflag:s20] =	ssyncset.done $0x0  }
0x8c: {  	[sflag:s20] =	ssyncadd.s32 $0xFFFFC180  }
0x8d: {  	[spmem:s3] =	stream.indirect.scatter.add.f32 [tilespmem:s25], [sflag:$0x3], $0x80, s22, s21, $0xb8;
	[tilespmem:$0x1E080] =	vst v63  }
0x8e: {  	_ =	swait.ge [sflag:s18], $0x3E80  }
0x8f: {  	[sflag:s18] =	ssyncset.done $0x0  }
0x90: {  	[sflag:s18] =	ssyncadd.s32 $0xFFFFC180  }
0x91: {  	[bflag:$0x0] =	sbarrier.arrive $0xFFFF  }
0x92: {  	[hbm:s23], [sflag:s7] =	dma.local [spmem:s28], $0x2800  }
0x93: {  	_ =	swait.ge [sflag:s18], $0x2800  }
0x94: {  	[sflag:s18] =	ssyncset.done $0x0  }
0x95: {  	[sflag:s18] =	ssyncadd.s32 $0xFFFFD800  }
0x96: {  	[bflag:$0x0] =	sbarrier.arrive $0xFFFF  }
0x97: {  	[spmem:s28], [sflag:s7] =	dma.local [hbm:s5], $0x2800  }
0x98: {  	_ =	swait.ge [sflag:s18], $0x2800  }
0x99: {  	[sflag:s18] =	ssyncset.done $0x0  }
0x9a: {  	[sflag:s18] =	ssyncadd.s32 $0xFFFFD800  }
0x9b: {  	[bflag:$0x0] =	sbarrier.arrive $0xFFFF  }
0x9c: {  	s11 =	simm.s32 $0x0;
	s13 =	rddreg [dreg:$0x8]  }
0x9d: {  	[tilespmem:s11], [sflag:$0x3] =	stream.linear.gather [hbm4b:s13+s11], $0x1400, $0x38;
	[tilespmem:$0x1E080] =	vst v63  }
0x9e: {  	_ =	swait.ge [sflag:s18], $0x1400  }
0x9f: {  	[sflag:s18] =	ssyncset.done $0x0  }
0xa0: {  	s1 =	simm.s32 $0x1400;
	[sflag:s18] =	ssyncadd.s32 $0xFFFFEC00  }
0xa1: {  	[tilespmem:s1], [sflag:$0x3] =	stream.linear.gather [hbm4b:s10+s11], $0x1400, $0x38;
	[tilespmem:$0x1E080] =	vst v63  }
0xa2: {  	s0 =	sand.u32 $0x1, s11;
	_ =	swait.ge [sflag:s18], $0x1400  }
0xa3: {  	p0 =	seq.s32 s0, $0x1;
	[sflag:s18] =	ssyncset.done $0x0  }
0xa4: {  	s0 =	simm.s32 @p0 $0x7D;
	[sflag:s18] =	ssyncadd.s32 $0xFFFFEC00  }
0xa5: {  	[tilespmem:s19], [sflag:$0x1] =	stream.indirect.gather [hbm4b:s2+s21], $0x80, s11, s21, $0xb8;
	[tilespmem:$0x1E080] =	vst v63  }
0xa6: {  	s9 =	simm.s32 @p0 $0x2800;
	s6 =	simm.s32 $0x80;
	s11 =	simm.s32 @p0 $0x2  }
0xa7: {  	[tilespmem:s9], [sflag:$0x1] =	stream.indirect.gather @p0 [hbm4b:s2+s0], $0x80, s6, s0, $0xb8;
	[tilespmem:$0x1E080] =	vst v63  }
0xa8: {  	_ =	swait.ge @p0 [sflag:s11], $0x3E80  }
0xa9: {  	[sflag:s11] =	ssyncset.done @p0 $0x0  }
0xaa: {  	s9 =	simm.s32 @p0 $0x6800;
	[sflag:s11] =	ssyncadd.s32 @p0 $0xFFFFC180  }
0xab: {  	[spmem:s3] =	stream.indirect.scatter.add.f32 @p0 [tilespmem:s9], [sflag:$0x3], $0x80, s1, s0, $0xb8;
	[tilespmem:$0x1E080] =	vst v63  }
0xac: {  	s11 =	simm.s32 @!p0 $0x1;
	s0 =	simm.s32 @!p0 $0x7D;
	s9 =	simm.s32 @!p0 $0x6800  }
0xad: {  	[tilespmem:s9], [sflag:$0x2] =	stream.indirect.gather @!p0 [hbm4b:s2+s0], $0x80, s6, s0, $0xb8;
	[tilespmem:$0x1E080] =	vst v63  }
0xae: {  	_ =	swait.ge @!p0 [sflag:s11], $0x3E80  }
0xaf: {  	s14 =	simm.s32 $0x1;
	s31 =	simm.s32 @!p0 $0x4;
	[sflag:s11] =	ssyncset.done @!p0 $0x0  }
0xb0: {  	s31 =	simm.s32 @p0 $0x3;
	s9 =	simm.s32 @!p0 $0x2800;
	[sflag:s11] =	ssyncadd.s32 @!p0 $0xFFFFC180  }
0xb1: {  	[spmem:s3] =	stream.indirect.scatter.add.f32 @!p0 [tilespmem:s9], [sflag:$0x4], $0x80, s1, s0, $0xb8;
	[tilespmem:$0x1E080] =	vst v63  }
0xb2: {  	s30 =	simm.s32 $0x100;
	s29 =	simm.s32 $0x1480;
	_ =	swait.ge [sflag:s31], $0x3E80  }
0xb3: {  	s1 =	simm.s32 $0x2;
	s0 =	sand.u32 $0x1, s14;
	[sflag:s31] =	ssyncset.done $0x0  }
.LBB2_6:
0xb4: {  	p0 =	seq.s32 s0, $0x1  }
0xb5: {  	[sflag:s31] =	ssyncadd.s32 $0xFFFFC180;
	s0 =	smov.u32 s1;
	s1 =	sadd.s32 $0x1, s1  }
0xb6: {  	s6 =	simm.s32 @p0 $0x7D;
	s9 =	simm.s32 @p0 $0x2800;
	s11 =	simm.s32 @p0 $0x2  }
0xb7: {  	[tilespmem:s9], [sflag:$0x1] =	stream.indirect.gather @p0 [hbm4b:s2+s6], $0x80, s30, s6, $0xb8;
	[tilespmem:$0x1E080] =	vst v63  }
0xb8: {  	p1 =	sne.s32 s1, $0x27;
	s31 =	simm.s32 @!p0 $0x4;
	_ =	swait.ge @p0 [sflag:s11], $0x3E80  }
0xb9: {  	[sflag:s11] =	ssyncset.done @p0 $0x0  }
0xba: {  	s9 =	simm.s32 @p0 $0x6800;
	[sflag:s11] =	ssyncadd.s32 @p0 $0xFFFFC180  }
0xbb: {  	[spmem:s3] =	stream.indirect.scatter.add.f32 @p0 [tilespmem:s9], [sflag:$0x3], $0x80, s29, s6, $0xb8;
	[tilespmem:$0x1E080] =	vst v63  }
0xbc: {  	s11 =	simm.s32 @!p0 $0x1;
	s6 =	simm.s32 @!p0 $0x7D;
	s9 =	simm.s32 @!p0 $0x6800  }
0xbd: {  	[tilespmem:s9], [sflag:$0x2] =	stream.indirect.gather @!p0 [hbm4b:s2+s6], $0x80, s30, s6, $0xb8;
	[tilespmem:$0x1E080] =	vst v63  }
0xbe: {  	_ =	swait.ge @!p0 [sflag:s11], $0x3E80  }
.Ltmp2:
0xbf: {  	[sflag:s11] =	ssyncset.done @!p0 $0x0;
	(pc) =	sbr.rel @p1 .LBB2_6-.Ltmp2, $4  }
0xc0: {  	s31 =	simm.s32 @p0 $0x3;
	s9 =	simm.s32 @!p0 $0x2800;
	[sflag:s11] =	ssyncadd.s32 @!p0 $0xFFFFC180  }
0xc1: {  	[spmem:s3] =	stream.indirect.scatter.add.f32 @!p0 [tilespmem:s9], [sflag:$0x4], $0x80, s29, s6, $0xb8;
	[tilespmem:$0x1E080] =	vst v63  }
0xc2: {  	s30 =	sadd.s32 $0x80, s30;
	_ =	swait.ge [sflag:s31], $0x3E80  }
0xc3: {  	s0 =	sand.u32 $0x1, s0;
	s29 =	sadd.s32 $0x80, s29;
	[sflag:s31] =	ssyncset.done $0x0  }
0xc4: {  	p0 =	seq.s32 s0, $0x1;
	[sflag:s31] =	ssyncadd.s32 $0xFFFFC180  }
0xc5: {  	s0 =	simm.s32 @p0 $0x7D;
	s1 =	simm.s32 @p0 $0x2800;
	s6 =	simm.s32 @p0 $0x2  }
0xc6: {  	[tilespmem:s1], [sflag:$0x1] =	stream.indirect.gather @p0 [hbm4b:s2+s0], $0x80, s30, s0, $0xb8;
	[tilespmem:$0x1E080] =	vst v63  }
0xc7: {  	_ =	swait.ge @p0 [sflag:s6], $0x3E80  }
0xc8: {  	[sflag:s6] =	ssyncset.done @p0 $0x0  }
0xc9: {  	s1 =	simm.s32 @p0 $0x6800;
	[sflag:s6] =	ssyncadd.s32 @p0 $0xFFFFC180  }
0xca: {  	[spmem:s3] =	stream.indirect.scatter.add.f32 @p0 [tilespmem:s1], [sflag:$0x3], $0x80, s29, s0, $0xb8;
	[tilespmem:$0x1E080] =	vst v63  }
0xcb: {  	s6 =	simm.s32 @!p0 $0x1;
	s0 =	simm.s32 @!p0 $0x7D;
	s1 =	simm.s32 @!p0 $0x6800  }
0xcc: {  	[tilespmem:s1], [sflag:$0x2] =	stream.indirect.gather @!p0 [hbm4b:s2+s0], $0x80, s30, s0, $0xb8;
	[tilespmem:$0x1E080] =	vst v63  }
0xcd: {  	_ =	swait.ge @!p0 [sflag:s6], $0x3E80  }
0xce: {  	s1 =	simm.s32 @!p0 $0x4;
	[sflag:s6] =	ssyncset.done @!p0 $0x0  }
0xcf: {  	s1 =	simm.s32 @p0 $0x3;
	[sflag:s6] =	ssyncadd.s32 @!p0 $0xFFFFC180;
	s6 =	simm.s32 @!p0 $0x2800  }
0xd0: {  	[spmem:s3] =	stream.indirect.scatter.add.f32 @!p0 [tilespmem:s6], [sflag:$0x4], $0x80, s29, s0, $0xb8;
	[tilespmem:$0x1E080] =	vst v63  }
0xd1: {  	_ =	swait.ge [sflag:s1], $0x3E80  }
0xd2: {  	[sflag:s1] =	ssyncset.done $0x0  }
0xd3: {  	[sflag:s1] =	ssyncadd.s32 $0xFFFFC180  }
0xd4: {  	_ =	swait.ge [sflag:s20], $0x3E80  }
0xd5: {  	[sflag:s20] =	ssyncset.done $0x0  }
0xd6: {  	[sflag:s20] =	ssyncadd.s32 $0xFFFFC180  }
0xd7: {  	[spmem:s3] =	stream.indirect.scatter.add.f32 [tilespmem:s25], [sflag:$0x3], $0x80, s22, s21, $0xb8;
	[tilespmem:$0x1E080] =	vst v63  }
0xd8: {  	_ =	swait.ge [sflag:s18], $0x3E80  }
0xd9: {  	[sflag:s18] =	ssyncset.done $0x0  }
0xda: {  	s13 =	simm.s32 $0x0;
	[sflag:s18] =	ssyncadd.s32 $0xFFFFC180  }
0xdb: {  	[tilespmem:s13], [sflag:$0x3] =	stream.linear.gather [hbm4b:s15+s13], $0x1400, $0x38;
	[tilespmem:$0x1E080] =	vst v63  }
0xdc: {  	_ =	swait.ge [sflag:s18], $0x1400  }
0xdd: {  	[sflag:s18] =	ssyncset.done $0x0  }
0xde: {  	s1 =	simm.s32 $0x1400;
	[sflag:s18] =	ssyncadd.s32 $0xFFFFEC00  }
0xdf: {  	[tilespmem:s1], [sflag:$0x3] =	stream.linear.gather [hbm4b:s12+s13], $0x1400, $0x38;
	[tilespmem:$0x1E080] =	vst v63  }
0xe0: {  	_ =	swait.ge [sflag:s18], $0x1400  }
0xe1: {  	s0 =	sand.u32 $0x1, s13;
	[sflag:s18] =	ssyncset.done $0x0  }
0xe2: {  	s6 =	simm.s32 $0x80;
	p0 =	seq.s32 s0, $0x0;
	[sflag:s18] =	ssyncadd.s32 $0xFFFFEC00  }
0xe3: {  	[tilespmem:s19], [sflag:$0x1] =	stream.indirect.gather [hbm4b:s2+s21], $0x80, s13, s21, $0xb8;
	[tilespmem:$0x1E080] =	vst v63  }
0xe4: {  	s0 =	simm.s32 @p0 $0x7D;
	s9 =	simm.s32 @p0 $0x6800;
	s11 =	simm.s32 @p0 $0x1  }
0xe5: {  	[tilespmem:s9], [sflag:$0x2] =	stream.indirect.gather @p0 [hbm4b:s2+s0], $0x80, s6, s0, $0xb8;
	[tilespmem:$0x1E080] =	vst v63  }
0xe6: {  	_ =	swait.ge @p0 [sflag:s11], $0x3E80  }
0xe7: {  	[sflag:s11] =	ssyncset.done @p0 $0x0  }
0xe8: {  	s9 =	simm.s32 @p0 $0x2800;
	[sflag:s11] =	ssyncadd.s32 @p0 $0xFFFFC180  }
0xe9: {  	[spmem:s3] =	stream.indirect.scatter.add.f32 @p0 [tilespmem:s9], [sflag:$0x4], $0x80, s1, s0, $0xb8;
	[tilespmem:$0x1E080] =	vst v63  }
0xea: {  	s11 =	simm.s32 @!p0 $0x2;
	s0 =	simm.s32 @!p0 $0x7D;
	s9 =	simm.s32 @!p0 $0x2800  }
0xeb: {  	[tilespmem:s9], [sflag:$0x1] =	stream.indirect.gather @!p0 [hbm4b:s2+s0], $0x80, s6, s0, $0xb8;
	[tilespmem:$0x1E080] =	vst v63  }
0xec: {  	_ =	swait.ge @!p0 [sflag:s11], $0x3E80  }
0xed: {  	s14 =	simm.s32 $0x1;
	s31 =	simm.s32 @!p0 $0x3;
	[sflag:s11] =	ssyncset.done @!p0 $0x0  }
0xee: {  	s31 =	simm.s32 @p0 $0x4;
	s9 =	simm.s32 @!p0 $0x6800;
	[sflag:s11] =	ssyncadd.s32 @!p0 $0xFFFFC180  }
0xef: {  	[spmem:s3] =	stream.indirect.scatter.add.f32 @!p0 [tilespmem:s9], [sflag:$0x3], $0x80, s1, s0, $0xb8;
	[tilespmem:$0x1E080] =	vst v63  }
0xf0: {  	s30 =	simm.s32 $0x100;
	s29 =	simm.s32 $0x1480;
	_ =	swait.ge [sflag:s31], $0x3E80  }
0xf1: {  	s1 =	simm.s32 $0x2;
	s0 =	sand.u32 $0x1, s14;
	[sflag:s31] =	ssyncset.done $0x0  }
.LBB2_8:
0xf2: {  	p0 =	seq.s32 s0, $0x0  }
0xf3: {  	[sflag:s31] =	ssyncadd.s32 $0xFFFFC180;
	s0 =	smov.u32 s1;
	s1 =	sadd.s32 $0x1, s1  }
0xf4: {  	s6 =	simm.s32 @p0 $0x7D;
	s9 =	simm.s32 @p0 $0x6800;
	s11 =	simm.s32 @p0 $0x1  }
0xf5: {  	[tilespmem:s9], [sflag:$0x2] =	stream.indirect.gather @p0 [hbm4b:s2+s6], $0x80, s30, s6, $0xb8;
	[tilespmem:$0x1E080] =	vst v63  }
0xf6: {  	p1 =	sne.s32 s1, $0x27;
	s31 =	simm.s32 @!p0 $0x3;
	_ =	swait.ge @p0 [sflag:s11], $0x3E80  }
0xf7: {  	[sflag:s11] =	ssyncset.done @p0 $0x0  }
0xf8: {  	s9 =	simm.s32 @p0 $0x2800;
	[sflag:s11] =	ssyncadd.s32 @p0 $0xFFFFC180  }
0xf9: {  	[spmem:s3] =	stream.indirect.scatter.add.f32 @p0 [tilespmem:s9], [sflag:$0x4], $0x80, s29, s6, $0xb8;
	[tilespmem:$0x1E080] =	vst v63  }
0xfa: {  	s11 =	simm.s32 @!p0 $0x2;
	s6 =	simm.s32 @!p0 $0x7D;
	s9 =	simm.s32 @!p0 $0x2800  }
0xfb: {  	[tilespmem:s9], [sflag:$0x1] =	stream.indirect.gather @!p0 [hbm4b:s2+s6], $0x80, s30, s6, $0xb8;
	[tilespmem:$0x1E080] =	vst v63  }
0xfc: {  	_ =	swait.ge @!p0 [sflag:s11], $0x3E80  }
.Ltmp3:
0xfd: {  	[sflag:s11] =	ssyncset.done @!p0 $0x0;
	(pc) =	sbr.rel @p1 .LBB2_8-.Ltmp3, $4  }
0xfe: {  	s31 =	simm.s32 @p0 $0x4;
	s9 =	simm.s32 @!p0 $0x6800;
	[sflag:s11] =	ssyncadd.s32 @!p0 $0xFFFFC180  }
0xff: {  	[spmem:s3] =	stream.indirect.scatter.add.f32 @!p0 [tilespmem:s9], [sflag:$0x3], $0x80, s29, s6, $0xb8;
	[tilespmem:$0x1E080] =	vst v63  }
0x100: {  	s30 =	sadd.s32 $0x80, s30;
	_ =	swait.ge [sflag:s31], $0x3E80  }
0x101: {  	s0 =	sand.u32 $0x1, s0;
	s29 =	sadd.s32 $0x80, s29;
	[sflag:s31] =	ssyncset.done $0x0  }
0x102: {  	p0 =	seq.s32 s0, $0x0;
	[sflag:s31] =	ssyncadd.s32 $0xFFFFC180  }
0x103: {  	s0 =	simm.s32 @p0 $0x7D;
	s1 =	simm.s32 @p0 $0x6800;
	s6 =	simm.s32 @p0 $0x1  }
0x104: {  	[tilespmem:s1], [sflag:$0x2] =	stream.indirect.gather @p0 [hbm4b:s2+s0], $0x80, s30, s0, $0xb8;
	[tilespmem:$0x1E080] =	vst v63  }
0x105: {  	_ =	swait.ge @p0 [sflag:s6], $0x3E80  }
0x106: {  	[sflag:s6] =	ssyncset.done @p0 $0x0  }
0x107: {  	s1 =	simm.s32 @p0 $0x2800;
	[sflag:s6] =	ssyncadd.s32 @p0 $0xFFFFC180  }
0x108: {  	[spmem:s3] =	stream.indirect.scatter.add.f32 @p0 [tilespmem:s1], [sflag:$0x4], $0x80, s29, s0, $0xb8;
	[tilespmem:$0x1E080] =	vst v63  }
0x109: {  	s6 =	simm.s32 @!p0 $0x2;
	s0 =	simm.s32 @!p0 $0x7D;
	s1 =	simm.s32 @!p0 $0x2800  }
0x10a: {  	[tilespmem:s1], [sflag:$0x1] =	stream.indirect.gather @!p0 [hbm4b:s2+s0], $0x80, s30, s0, $0xb8;
	[tilespmem:$0x1E080] =	vst v63  }
0x10b: {  	_ =	swait.ge @!p0 [sflag:s6], $0x3E80  }
0x10c: {  	s1 =	simm.s32 @!p0 $0x3;
	[sflag:s6] =	ssyncset.done @!p0 $0x0  }
0x10d: {  	s1 =	simm.s32 @p0 $0x4;
	[sflag:s6] =	ssyncadd.s32 @!p0 $0xFFFFC180;
	s6 =	simm.s32 @!p0 $0x6800  }
0x10e: {  	[spmem:s3] =	stream.indirect.scatter.add.f32 @!p0 [tilespmem:s6], [sflag:$0x3], $0x80, s29, s0, $0xb8;
	[tilespmem:$0x1E080] =	vst v63  }
0x10f: {  	_ =	swait.ge [sflag:s1], $0x3E80  }
0x110: {  	[sflag:s1] =	ssyncset.done $0x0  }
0x111: {  	[sflag:s1] =	ssyncadd.s32 $0xFFFFC180  }
0x112: {  	_ =	swait.ge [sflag:s20], $0x3E80  }
0x113: {  	[sflag:s20] =	ssyncset.done $0x0  }
0x114: {  	[sflag:s20] =	ssyncadd.s32 $0xFFFFC180  }
0x115: {  	[spmem:s3] =	stream.indirect.scatter.add.f32 [tilespmem:s25], [sflag:$0x3], $0x80, s22, s21, $0xb8;
	[tilespmem:$0x1E080] =	vst v63  }
0x116: {  	_ =	swait.ge [sflag:s18], $0x3E80  }
0x117: {  	[sflag:s18] =	ssyncset.done $0x0  }
0x118: {  	[sflag:s18] =	ssyncadd.s32 $0xFFFFC180  }
0x119: {  	[bflag:$0x0] =	sbarrier.arrive $0xFFFF  }
0x11a: {  	[hbm:s24], [sflag:s7] =	dma.local [spmem:s28], $0x2800  }
0x11b: {  	_ =	swait.ge [sflag:s18], $0x2800  }
0x11c: {  	s26 =	sadd.s32 $0x1, s26;
	s31 =	rddreg [dreg:$0x5]  }
0x11d: {  	p0 =	sne.s32 s26, s31  }
.Ltmp4:
0x11e: {  	_ = 	snop;
	(pc) =	sbr.rel @p0 .LBB2_1-.Ltmp4, $3  }
0x11f: {  	_ =	sdelay $0x1  }
0x120: {  	[sflag:s18] =	ssyncset.done $0x0  }
0x121: {  	[sflag:s18] =	ssyncadd.s32 $0xFFFFD800  }
0x122: {  	_ =	sfence.sel $0x180000  }
0x123: {  	[bflag:$0x0] =	sbarrier.arrive $0xFFFF  }
0x124: {  	_ =	strace $0x90000047  }
0x125: {  	s0 =	stileid.u32;
	[bflag:$0x2] =	sbarrier.arrive $0xFFFF  }
0x126: {  	p0 =	sne.s32 s0, $0x0;
	s0 =	rddreg [dreg:$0x3]  }
0x127: {  	s0 =	sadd.s32 @!p0 $0x100000, s0  }
0x128: {  	[sflag:s0] =	ssyncadd.tile.s32 @!p0 $0x1;
	_ =	shalt  }
.Lfunc_end2:
_tile_overlayer_lowered:
.L_overlay_start_2:
0x129: {  	(tag) =	ssettag $0x2  }
0x12a: {  	s0 =	rddreg [dreg:$0x0];
	s2 =	stileid.u32  }
0x12b: {  	s1 =	rddreg [dreg:$0x1];
	p0 =	sne.s32 s2, $0x0  }
0x12c: {  	s3 =	rddreg [dreg:$0x2];
	[bflag:$0x3] =	sbarrier.arrive $0xFFFF;
	s2 =	simm.s32 @!p0 $0x1C03  }
0x12d: {  	[timem:s3], [sflag:s2] =	dma.local @!p0 [hbm:s0], s1  }
0x12e: {  	s0 =	simm.s32 @!p0 $0x3  }
0x12f: {  	_ =	swait.ge @!p0 [sflag:s0], s1  }
0x130: {  	s1 =	ssub.s32 @!p0 $0x0, s1;
	[sflag:s0] =	ssyncset.done @!p0 $0x0  }
0x131: {  	[sflag:s0] =	ssyncadd.s32 @!p0 s1  }
0x132: {  	[bflag:$0x3] =	sbarrier.arrive $0xFFFF  }
0x133: {  	_ =	shalt  }

</sc_bundles>
